<compile_context>
chip_gen: v7x
topology: tpu7x:2x2x1
jax: 0.10.2.dev20260603
libtpu: 0.0.44.dev20260713+nightly
codegen_flags: <defaults>
</compile_context>

<pallas_src>
import jax
import jax.numpy as jnp
from jax import lax
from jax.experimental import pallas as pl
from jax.experimental.pallas import tpu as pltpu
from jax.experimental.pallas import tpu_sc as plsc

BATCH = 16384
DIM = 128
LANES = 16
N_WORKERS = 32
ROWS_PER_W = BATCH // N_WORKERS
CHUNK = 256
N_CHUNKS = ROWS_PER_W // CHUNK
GROUPS = ROWS_PER_W // LANES
GPC = CHUNK // LANES
DRAIN = 128
FILLS = ((0, 128), (128, 128), (256, 256))


def _sc_body(z_hbm, j_hbm, ep_hbm, out_hbm,
             idx_all, idxp1_all, lo_all, hi_all, z_all,
             sem_z0, sem_z1, sem_z2,
             sem_o0, sem_o1, sem_o2, sem_o3, sem_g):
    wid = lax.axis_index("s") * 2 + lax.axis_index("c")
    base = wid * ROWS_PER_W
    sem_z = [sem_z0, sem_z1, sem_z2]
    sem_o = [sem_o0, sem_o1, sem_o2, sem_o3]

    fills = [
        pltpu.async_copy(
            z_hbm.at[pl.ds(base + off, n), :],
            z_all.at[pl.ds(off, n), :], sem_z[k])
        for k, (off, n) in enumerate(FILLS)
    ]
    pltpu.sync_copy(j_hbm.at[pl.ds(base, ROWS_PER_W)], idx_all)
    for v in range(ROWS_PER_W // LANES):
        s = pl.ds(v * LANES, LANES)
        idxp1_all[s] = idx_all[s] + 1
    gathers = []
    for g in range(ROWS_PER_W // 128):
        s = pl.ds(g * 128, 128)
        gathers.append(
            pltpu.async_copy(ep_hbm.at[idx_all.at[s]], lo_all.at[s], sem_g))
        gathers.append(
            pltpu.async_copy(ep_hbm.at[idxp1_all.at[s]], hi_all.at[s], sem_g))
    for g in gathers:
        g.wait()
    fills[0].wait()

    def grp_body(gi, _):
        for k in range(1, len(FILLS)):
            @pl.when(gi == FILLS[k][0] // LANES)
            def _():
                fills[k].wait()
        o = gi * LANES
        lo_vec = lo_all[pl.ds(o, LANES)]
        hi_vec = hi_all[pl.ds(o, LANES)]
        sc_vec = hi_vec - lo_vec
        for r in range(LANES):
            lo_s = lo_vec[r]
            sc_s = sc_vec[r]
            for v in range(DIM // LANES):
                s = pl.ds(v * LANES, LANES)
                z_all[o + r, s] = z_all[o + r, s] * sc_s + lo_s
        for k in range(ROWS_PER_W // DRAIN):
            @pl.when(gi == (k + 1) * (DRAIN // LANES) - 1)
            def _():
                pltpu.async_copy(
                    z_all.at[pl.ds(k * DRAIN, DRAIN), :],
                    out_hbm.at[pl.ds(base + k * DRAIN, DRAIN), :], sem_o[k])
        return 0

    lax.fori_loop(0, GROUPS, grp_body, 0)
    for k in range(ROWS_PER_W // DRAIN):
        pltpu.make_async_copy(
            z_hbm.at[pl.ds(base + k * DRAIN, DRAIN), :],
            z_all.at[pl.ds(k * DRAIN, DRAIN), :], sem_o[k]).wait()


@jax.jit
def _shift_mapper_sc(z, j_flat, endpoints):
    mesh = plsc.VectorSubcoreMesh(core_axis_name="c", subcore_axis_name="s")
    kfn = pl.kernel(
        _sc_body,
        mesh=mesh,
        out_type=jax.ShapeDtypeStruct((BATCH, DIM), jnp.float32),
        scratch_types=[
            pltpu.VMEM((ROWS_PER_W,), jnp.int32),
            pltpu.VMEM((ROWS_PER_W,), jnp.int32),
            pltpu.VMEM((ROWS_PER_W,), jnp.float32),
            pltpu.VMEM((ROWS_PER_W,), jnp.float32),
            pltpu.VMEM((ROWS_PER_W, DIM), jnp.float32),
            pltpu.SemaphoreType.DMA,
            pltpu.SemaphoreType.DMA,
            pltpu.SemaphoreType.DMA,
            pltpu.SemaphoreType.DMA,
            pltpu.SemaphoreType.DMA,
            pltpu.SemaphoreType.DMA,
            pltpu.SemaphoreType.DMA,
            pltpu.SemaphoreType.DMA,
        ],
        compiler_params=pltpu.CompilerParams(needs_layout_passes=False),
    )
    return kfn(z, j_flat, endpoints)


def kernel(z, j, endpoints):
    j_flat = j.reshape(-1).astype(jnp.int32)
    return _shift_mapper_sc(z, j_flat, endpoints)

# --- scband reference (transcript-rebuilt; emitter-appended) ---
"""Pipeline reference for scband-shift-mapper-22720376996047 (READ-ONLY COPY).

The authoritative reference and input builder live on the scoring server;
editing this copy changes nothing except your own understanding.
"""

import jax, jax.numpy as jnp
import numpy as np

NUM_ATTRIBUTES = 100000
BATCH = 16384
DIM = 128

def setup_inputs(seed: int = 0) -> dict:
    key = jax.random.key(seed)
    k1, k2, k3 = jax.random.split(key, 3)
    z = jax.random.normal(k1, (BATCH, DIM), dtype=jnp.float32)
    j = jax.random.randint(k2, (BATCH, 1), 0, NUM_ATTRIBUTES, dtype=jnp.int64)
    endpoints = jax.random.normal(k3, (NUM_ATTRIBUTES + 1,), dtype=jnp.float32)
    return {"z": z, "j": j, "endpoints": endpoints}

def reference(z, j, endpoints):
    # Faithful translation of ShiftMapper.forward:
    #   z * (endpoints[j+1] - endpoints[j]) + endpoints[j]
    lo = jnp.take(endpoints, j, axis=0)        # [B, 1]
    hi = jnp.take(endpoints, j + 1, axis=0)    # [B, 1]
    return z * (hi - lo) + lo

if __name__ == "__main__":
    import jax
    _d = setup_inputs()
    print(jax.jit(kernel)(*tuple(_d.values())))

</pallas_src>

<mosaic_0001>
#map = affine_map<(d0, d1) -> (0, 0)>
#map1 = affine_map<(d0, d1) -> (0)>
module attributes {stable_mosaic.version = 14 : i64} {
  func.func @_sc_body(%arg0: i32, %arg1: i32, %arg2: memref<16384x128xf32, #tpu.memory_space<hbm>>, %arg3: memref<16384xi32, #tpu.memory_space<hbm>>, %arg4: memref<100001xf32, #tpu.memory_space<hbm>>, %arg5: memref<16384x128xf32, #tpu.memory_space<hbm>>, %arg6: memref<512xi32, #tpu.memory_space<vmem>>, %arg7: memref<512xi32, #tpu.memory_space<vmem>>, %arg8: memref<512xf32, #tpu.memory_space<vmem>>, %arg9: memref<512xf32, #tpu.memory_space<vmem>>, %arg10: memref<512x128xf32, #tpu.memory_space<vmem>>, %arg11: memref<!tpu.dma_semaphore, #tpu.memory_space<semaphore_mem>>, %arg12: memref<!tpu.dma_semaphore, #tpu.memory_space<semaphore_mem>>, %arg13: memref<!tpu.dma_semaphore, #tpu.memory_space<semaphore_mem>>, %arg14: memref<!tpu.dma_semaphore, #tpu.memory_space<semaphore_mem>>, %arg15: memref<!tpu.dma_semaphore, #tpu.memory_space<semaphore_mem>>, %arg16: memref<!tpu.dma_semaphore, #tpu.memory_space<semaphore_mem>>, %arg17: memref<!tpu.dma_semaphore, #tpu.memory_space<semaphore_mem>>, %arg18: memref<!tpu.dma_semaphore, #tpu.memory_space<semaphore_mem>>) attributes {dimension_semantics = [#tpu.dimension_semantics<core_parallel>, #tpu.dimension_semantics<subcore_parallel>], iteration_bounds = array<i64: 2, 16>, scalar_prefetch = 0 : i64, scratch_operands = 13 : i64, tpu.core_type = #tpu.core_type<sc_vector_subcore>, window_params = [{transform_indices = #map}, {transform_indices = #map1}, {transform_indices = #map1}, {transform_indices = #map}]} {
    %mul3A = arith.constant 2 : i32
    %mul3A_0 = arith.muli %arg1, %mul3A : i32
    %add3A = arith.addi %mul3A_0, %arg0 : i32
    %mul3A_1 = arith.constant 512 : i32
    %mul3A_2 = arith.muli %add3A, %mul3A_1 : i32
    %add3A_3 = arith.constant 0 : i32
    %add3A_4 = arith.addi %mul3A_2, %add3A_3 : i32
    %dma_start3A = arith.constant 0 : i32
    %dma_start3A_5 = arith.constant 0 : i32
    %dma_start3A_6 = tpu.memref_slice %arg10[%dma_start3A, %dma_start3A_5] : memref<512x128xf32, #tpu.memory_space<vmem>> -> memref<128x128xf32, #tpu.memory_space<vmem>>
    %dma_start3A_7 = arith.constant 0 : i32
    %dma_start3A_8 = tpu.memref_slice %arg2[%add3A_4, %dma_start3A_7] : memref<16384x128xf32, #tpu.memory_space<hbm>> -> memref<128x128xf32, #tpu.memory_space<hbm>>
    %dma_start3A_9 = arith.constant 0 : i32
    %dma_start3A_10 = arith.constant 0 : i32
    %dma_start3A_11 = tpu.memref_slice %arg10[%dma_start3A_9, %dma_start3A_10] : memref<512x128xf32, #tpu.memory_space<vmem>> -> memref<128x128xf32, #tpu.memory_space<vmem>>
    %dma_start3A_12 = arith.constant 0 : i32
    %dma_start3A_13 = tpu.memref_slice %arg2[%add3A_4, %dma_start3A_12] : memref<16384x128xf32, #tpu.memory_space<hbm>> -> memref<128x128xf32, #tpu.memory_space<hbm>>
    tpu.enqueue_dma source(%dma_start3A_13 : memref<128x128xf32, #tpu.memory_space<hbm>>) target(%dma_start3A_11 : memref<128x128xf32, #tpu.memory_space<vmem>>) target_semaphore(%arg11 : memref<!tpu.dma_semaphore, #tpu.memory_space<semaphore_mem>>)
    %add3A_14 = arith.constant 128 : i32
    %add3A_15 = arith.addi %mul3A_2, %add3A_14 : i32
    %dma_start3A_16 = arith.constant 128 : i32
    %dma_start3A_17 = arith.constant 0 : i32
    %dma_start3A_18 = tpu.memref_slice %arg10[%dma_start3A_16, %dma_start3A_17] : memref<512x128xf32, #tpu.memory_space<vmem>> -> memref<128x128xf32, #tpu.memory_space<vmem>>
    %dma_start3A_19 = arith.constant 0 : i32
    %dma_start3A_20 = tpu.memref_slice %arg2[%add3A_15, %dma_start3A_19] : memref<16384x128xf32, #tpu.memory_space<hbm>> -> memref<128x128xf32, #tpu.memory_space<hbm>>
    %dma_start3A_21 = arith.constant 128 : i32
    %dma_start3A_22 = arith.constant 0 : i32
    %dma_start3A_23 = tpu.memref_slice %arg10[%dma_start3A_21, %dma_start3A_22] : memref<512x128xf32, #tpu.memory_space<vmem>> -> memref<128x128xf32, #tpu.memory_space<vmem>>
    %dma_start3A_24 = arith.constant 0 : i32
    %dma_start3A_25 = tpu.memref_slice %arg2[%add3A_15, %dma_start3A_24] : memref<16384x128xf32, #tpu.memory_space<hbm>> -> memref<128x128xf32, #tpu.memory_space<hbm>>
    tpu.enqueue_dma source(%dma_start3A_25 : memref<128x128xf32, #tpu.memory_space<hbm>>) target(%dma_start3A_23 : memref<128x128xf32, #tpu.memory_space<vmem>>) target_semaphore(%arg12 : memref<!tpu.dma_semaphore, #tpu.memory_space<semaphore_mem>>)
    %add3A_26 = arith.constant 256 : i32
    %add3A_27 = arith.addi %mul3A_2, %add3A_26 : i32
    %dma_start3A_28 = arith.constant 256 : i32
    %dma_start3A_29 = arith.constant 0 : i32
    %dma_start3A_30 = tpu.memref_slice %arg10[%dma_start3A_28, %dma_start3A_29] : memref<512x128xf32, #tpu.memory_space<vmem>> -> memref<256x128xf32, #tpu.memory_space<vmem>>
    %dma_start3A_31 = arith.constant 0 : i32
    %dma_start3A_32 = tpu.memref_slice %arg2[%add3A_27, %dma_start3A_31] : memref<16384x128xf32, #tpu.memory_space<hbm>> -> memref<256x128xf32, #tpu.memory_space<hbm>>
    %dma_start3A_33 = arith.constant 256 : i32
    %dma_start3A_34 = arith.constant 0 : i32
    %dma_start3A_35 = tpu.memref_slice %arg10[%dma_start3A_33, %dma_start3A_34] : memref<512x128xf32, #tpu.memory_space<vmem>> -> memref<256x128xf32, #tpu.memory_space<vmem>>
    %dma_start3A_36 = arith.constant 0 : i32
    %dma_start3A_37 = tpu.memref_slice %arg2[%add3A_27, %dma_start3A_36] : memref<16384x128xf32, #tpu.memory_space<hbm>> -> memref<256x128xf32, #tpu.memory_space<hbm>>
    tpu.enqueue_dma source(%dma_start3A_37 : memref<256x128xf32, #tpu.memory_space<hbm>>) target(%dma_start3A_35 : memref<256x128xf32, #tpu.memory_space<vmem>>) target_semaphore(%arg13 : memref<!tpu.dma_semaphore, #tpu.memory_space<semaphore_mem>>)
    "tpu.region"() ({
      %run_scoped3A = tpu.sem_alloc : memref<!tpu.dma_semaphore, #tpu.memory_space<semaphore_mem>>
      %dma_start3A_419 = tpu.memref_slice %arg3[%mul3A_2] : memref<16384xi32, #tpu.memory_space<hbm>> -> memref<512xi32, #tpu.memory_space<hbm>>
      %dma_start3A_420 = tpu.memref_slice %arg3[%mul3A_2] : memref<16384xi32, #tpu.memory_space<hbm>> -> memref<512xi32, #tpu.memory_space<hbm>>
      tpu.enqueue_dma source(%dma_start3A_420 : memref<512xi32, #tpu.memory_space<hbm>>) target(%arg6 : memref<512xi32, #tpu.memory_space<vmem>>) target_semaphore(%run_scoped3A : memref<!tpu.dma_semaphore, #tpu.memory_space<semaphore_mem>>)
      %dma_wait3A_421 = tpu.memref_slice %arg3[%mul3A_2] : memref<16384xi32, #tpu.memory_space<hbm>> -> memref<512xi32, #tpu.memory_space<hbm>>
      %dma_wait3A_422 = tpu.memref_slice %arg3[%mul3A_2] : memref<16384xi32, #tpu.memory_space<hbm>> -> memref<512xi32, #tpu.memory_space<hbm>>
      tpu.wait_dma2 semaphore(%run_scoped3A : memref<!tpu.dma_semaphore, #tpu.memory_space<semaphore_mem>>) src(%dma_wait3A_422 : memref<512xi32, #tpu.memory_space<hbm>>) dst(%arg6 : memref<512xi32, #tpu.memory_space<vmem>>)
      tpu.yield
    }) : () -> ()
    %get3A = arith.constant 0 : index
    %get3A_38 = tpu.vector_load %arg6[%get3A] {strides = array<i32>} : memref<512xi32, #tpu.memory_space<vmem>>, vector<16xi32>,
    %add3A_39 = arith.constant 1 : i32
    %add3A_40 = vector.broadcast %add3A_39 : i32 to vector<16xi32>
    %add3A_41 = arith.addi %get3A_38, %add3A_40 : vector<16xi32>
    %swap3A = arith.constant 0 : index
    %swap3A_42 = tpu.vector_load %arg7[%swap3A] {strides = array<i32>} : memref<512xi32, #tpu.memory_space<vmem>>, vector<16xi32>,
    tpu.vector_store %arg7[%swap3A], %add3A_41 {strides = array<i32>} : memref<512xi32, #tpu.memory_space<vmem>>, vector<16xi32>,
    %get3A_43 = arith.constant 16 : index
    %get3A_44 = tpu.vector_load %arg6[%get3A_43] {strides = array<i32>} : memref<512xi32, #tpu.memory_space<vmem>>, vector<16xi32>,
    %add3A_45 = arith.constant 1 : i32
    %add3A_46 = vector.broadcast %add3A_45 : i32 to vector<16xi32>
    %add3A_47 = arith.addi %get3A_44, %add3A_46 : vector<16xi32>
    %swap3A_48 = arith.constant 16 : index
    %swap3A_49 = tpu.vector_load %arg7[%swap3A_48] {strides = array<i32>} : memref<512xi32, #tpu.memory_space<vmem>>, vector<16xi32>,
    tpu.vector_store %arg7[%swap3A_48], %add3A_47 {strides = array<i32>} : memref<512xi32, #tpu.memory_space<vmem>>, vector<16xi32>,
    %get3A_50 = arith.constant 32 : index
    %get3A_51 = tpu.vector_load %arg6[%get3A_50] {strides = array<i32>} : memref<512xi32, #tpu.memory_space<vmem>>, vector<16xi32>,
    %add3A_52 = arith.constant 1 : i32
    %add3A_53 = vector.broadcast %add3A_52 : i32 to vector<16xi32>
    %add3A_54 = arith.addi %get3A_51, %add3A_53 : vector<16xi32>
    %swap3A_55 = arith.constant 32 : index
    %swap3A_56 = tpu.vector_load %arg7[%swap3A_55] {strides = array<i32>} : memref<512xi32, #tpu.memory_space<vmem>>, vector<16xi32>,
    tpu.vector_store %arg7[%swap3A_55], %add3A_54 {strides = array<i32>} : memref<512xi32, #tpu.memory_space<vmem>>, vector<16xi32>,
    %get3A_57 = arith.constant 48 : index
    %get3A_58 = tpu.vector_load %arg6[%get3A_57] {strides = array<i32>} : memref<512xi32, #tpu.memory_space<vmem>>, vector<16xi32>,
    %add3A_59 = arith.constant 1 : i32
    %add3A_60 = vector.broadcast %add3A_59 : i32 to vector<16xi32>
    %add3A_61 = arith.addi %get3A_58, %add3A_60 : vector<16xi32>
    %swap3A_62 = arith.constant 48 : index
    %swap3A_63 = tpu.vector_load %arg7[%swap3A_62] {strides = array<i32>} : memref<512xi32, #tpu.memory_space<vmem>>, vector<16xi32>,
    tpu.vector_store %arg7[%swap3A_62], %add3A_61 {strides = array<i32>} : memref<512xi32, #tpu.memory_space<vmem>>, vector<16xi32>,
    %get3A_64 = arith.constant 64 : index
    %get3A_65 = tpu.vector_load %arg6[%get3A_64] {strides = array<i32>} : memref<512xi32, #tpu.memory_space<vmem>>, vector<16xi32>,
    %add3A_66 = arith.constant 1 : i32
    %add3A_67 = vector.broadcast %add3A_66 : i32 to vector<16xi32>
    %add3A_68 = arith.addi %get3A_65, %add3A_67 : vector<16xi32>
    %swap3A_69 = arith.constant 64 : index
    %swap3A_70 = tpu.vector_load %arg7[%swap3A_69] {strides = array<i32>} : memref<512xi32, #tpu.memory_space<vmem>>, vector<16xi32>,
    tpu.vector_store %arg7[%swap3A_69], %add3A_68 {strides = array<i32>} : memref<512xi32, #tpu.memory_space<vmem>>, vector<16xi32>,
    %get3A_71 = arith.constant 80 : index
    %get3A_72 = tpu.vector_load %arg6[%get3A_71] {strides = array<i32>} : memref<512xi32, #tpu.memory_space<vmem>>, vector<16xi32>,
    %add3A_73 = arith.constant 1 : i32
    %add3A_74 = vector.broadcast %add3A_73 : i32 to vector<16xi32>
    %add3A_75 = arith.addi %get3A_72, %add3A_74 : vector<16xi32>
    %swap3A_76 = arith.constant 80 : index
    %swap3A_77 = tpu.vector_load %arg7[%swap3A_76] {strides = array<i32>} : memref<512xi32, #tpu.memory_space<vmem>>, vector<16xi32>,
    tpu.vector_store %arg7[%swap3A_76], %add3A_75 {strides = array<i32>} : memref<512xi32, #tpu.memory_space<vmem>>, vector<16xi32>,
    %get3A_78 = arith.constant 96 : index
    %get3A_79 = tpu.vector_load %arg6[%get3A_78] {strides = array<i32>} : memref<512xi32, #tpu.memory_space<vmem>>, vector<16xi32>,
    %add3A_80 = arith.constant 1 : i32
    %add3A_81 = vector.broadcast %add3A_80 : i32 to vector<16xi32>
    %add3A_82 = arith.addi %get3A_79, %add3A_81 : vector<16xi32>
    %swap3A_83 = arith.constant 96 : index
    %swap3A_84 = tpu.vector_load %arg7[%swap3A_83] {strides = array<i32>} : memref<512xi32, #tpu.memory_space<vmem>>, vector<16xi32>,
    tpu.vector_store %arg7[%swap3A_83], %add3A_82 {strides = array<i32>} : memref<512xi32, #tpu.memory_space<vmem>>, vector<16xi32>,
    %get3A_85 = arith.constant 112 : index
    %get3A_86 = tpu.vector_load %arg6[%get3A_85] {strides = array<i32>} : memref<512xi32, #tpu.memory_space<vmem>>, vector<16xi32>,
    %add3A_87 = arith.constant 1 : i32
    %add3A_88 = vector.broadcast %add3A_87 : i32 to vector<16xi32>
    %add3A_89 = arith.addi %get3A_86, %add3A_88 : vector<16xi32>
    %swap3A_90 = arith.constant 112 : index
    %swap3A_91 = tpu.vector_load %arg7[%swap3A_90] {strides = array<i32>} : memref<512xi32, #tpu.memory_space<vmem>>, vector<16xi32>,
    tpu.vector_store %arg7[%swap3A_90], %add3A_89 {strides = array<i32>} : memref<512xi32, #tpu.memory_space<vmem>>, vector<16xi32>,
    %get3A_92 = arith.constant 128 : index
    %get3A_93 = tpu.vector_load %arg6[%get3A_92] {strides = array<i32>} : memref<512xi32, #tpu.memory_space<vmem>>, vector<16xi32>,
    %add3A_94 = arith.constant 1 : i32
    %add3A_95 = vector.broadcast %add3A_94 : i32 to vector<16xi32>
    %add3A_96 = arith.addi %get3A_93, %add3A_95 : vector<16xi32>
    %swap3A_97 = arith.constant 128 : index
    %swap3A_98 = tpu.vector_load %arg7[%swap3A_97] {strides = array<i32>} : memref<512xi32, #tpu.memory_space<vmem>>, vector<16xi32>,
    tpu.vector_store %arg7[%swap3A_97], %add3A_96 {strides = array<i32>} : memref<512xi32, #tpu.memory_space<vmem>>, vector<16xi32>,
    %get3A_99 = arith.constant 144 : index
    %get3A_100 = tpu.vector_load %arg6[%get3A_99] {strides = array<i32>} : memref<512xi32, #tpu.memory_space<vmem>>, vector<16xi32>,
    %add3A_101 = arith.constant 1 : i32
    %add3A_102 = vector.broadcast %add3A_101 : i32 to vector<16xi32>
    %add3A_103 = arith.addi %get3A_100, %add3A_102 : vector<16xi32>
    %swap3A_104 = arith.constant 144 : index
    %swap3A_105 = tpu.vector_load %arg7[%swap3A_104] {strides = array<i32>} : memref<512xi32, #tpu.memory_space<vmem>>, vector<16xi32>,
    tpu.vector_store %arg7[%swap3A_104], %add3A_103 {strides = array<i32>} : memref<512xi32, #tpu.memory_space<vmem>>, vector<16xi32>,
    %get3A_106 = arith.constant 160 : index
    %get3A_107 = tpu.vector_load %arg6[%get3A_106] {strides = array<i32>} : memref<512xi32, #tpu.memory_space<vmem>>, vector<16xi32>,
    %add3A_108 = arith.constant 1 : i32
    %add3A_109 = vector.broadcast %add3A_108 : i32 to vector<16xi32>
    %add3A_110 = arith.addi %get3A_107, %add3A_109 : vector<16xi32>
    %swap3A_111 = arith.constant 160 : index
    %swap3A_112 = tpu.vector_load %arg7[%swap3A_111] {strides = array<i32>} : memref<512xi32, #tpu.memory_space<vmem>>, vector<16xi32>,
    tpu.vector_store %arg7[%swap3A_111], %add3A_110 {strides = array<i32>} : memref<512xi32, #tpu.memory_space<vmem>>, vector<16xi32>,
    %get3A_113 = arith.constant 176 : index
    %get3A_114 = tpu.vector_load %arg6[%get3A_113] {strides = array<i32>} : memref<512xi32, #tpu.memory_space<vmem>>, vector<16xi32>,
    %add3A_115 = arith.constant 1 : i32
    %add3A_116 = vector.broadcast %add3A_115 : i32 to vector<16xi32>
    %add3A_117 = arith.addi %get3A_114, %add3A_116 : vector<16xi32>
    %swap3A_118 = arith.constant 176 : index
    %swap3A_119 = tpu.vector_load %arg7[%swap3A_118] {strides = array<i32>} : memref<512xi32, #tpu.memory_space<vmem>>, vector<16xi32>,
    tpu.vector_store %arg7[%swap3A_118], %add3A_117 {strides = array<i32>} : memref<512xi32, #tpu.memory_space<vmem>>, vector<16xi32>,
    %get3A_120 = arith.constant 192 : index
    %get3A_121 = tpu.vector_load %arg6[%get3A_120] {strides = array<i32>} : memref<512xi32, #tpu.memory_space<vmem>>, vector<16xi32>,
    %add3A_122 = arith.constant 1 : i32
    %add3A_123 = vector.broadcast %add3A_122 : i32 to vector<16xi32>
    %add3A_124 = arith.addi %get3A_121, %add3A_123 : vector<16xi32>
    %swap3A_125 = arith.constant 192 : index
    %swap3A_126 = tpu.vector_load %arg7[%swap3A_125] {strides = array<i32>} : memref<512xi32, #tpu.memory_space<vmem>>, vector<16xi32>,
    tpu.vector_store %arg7[%swap3A_125], %add3A_124 {strides = array<i32>} : memref<512xi32, #tpu.memory_space<vmem>>, vector<16xi32>,
    %get3A_127 = arith.constant 208 : index
    %get3A_128 = tpu.vector_load %arg6[%get3A_127] {strides = array<i32>} : memref<512xi32, #tpu.memory_space<vmem>>, vector<16xi32>,
    %add3A_129 = arith.constant 1 : i32
    %add3A_130 = vector.broadcast %add3A_129 : i32 to vector<16xi32>
    %add3A_131 = arith.addi %get3A_128, %add3A_130 : vector<16xi32>
    %swap3A_132 = arith.constant 208 : index
    %swap3A_133 = tpu.vector_load %arg7[%swap3A_132] {strides = array<i32>} : memref<512xi32, #tpu.memory_space<vmem>>, vector<16xi32>,
    tpu.vector_store %arg7[%swap3A_132], %add3A_131 {strides = array<i32>} : memref<512xi32, #tpu.memory_space<vmem>>, vector<16xi32>,
    %get3A_134 = arith.constant 224 : index
    %get3A_135 = tpu.vector_load %arg6[%get3A_134] {strides = array<i32>} : memref<512xi32, #tpu.memory_space<vmem>>, vector<16xi32>,
    %add3A_136 = arith.constant 1 : i32
    %add3A_137 = vector.broadcast %add3A_136 : i32 to vector<16xi32>
    %add3A_138 = arith.addi %get3A_135, %add3A_137 : vector<16xi32>
    %swap3A_139 = arith.constant 224 : index
    %swap3A_140 = tpu.vector_load %arg7[%swap3A_139] {strides = array<i32>} : memref<512xi32, #tpu.memory_space<vmem>>, vector<16xi32>,
    tpu.vector_store %arg7[%swap3A_139], %add3A_138 {strides = array<i32>} : memref<512xi32, #tpu.memory_space<vmem>>, vector<16xi32>,
    %get3A_141 = arith.constant 240 : index
    %get3A_142 = tpu.vector_load %arg6[%get3A_141] {strides = array<i32>} : memref<512xi32, #tpu.memory_space<vmem>>, vector<16xi32>,
    %add3A_143 = arith.constant 1 : i32
    %add3A_144 = vector.broadcast %add3A_143 : i32 to vector<16xi32>
    %add3A_145 = arith.addi %get3A_142, %add3A_144 : vector<16xi32>
    %swap3A_146 = arith.constant 240 : index
    %swap3A_147 = tpu.vector_load %arg7[%swap3A_146] {strides = array<i32>} : memref<512xi32, #tpu.memory_space<vmem>>, vector<16xi32>,
    tpu.vector_store %arg7[%swap3A_146], %add3A_145 {strides = array<i32>} : memref<512xi32, #tpu.memory_space<vmem>>, vector<16xi32>,
    %get3A_148 = arith.constant 256 : index
    %get3A_149 = tpu.vector_load %arg6[%get3A_148] {strides = array<i32>} : memref<512xi32, #tpu.memory_space<vmem>>, vector<16xi32>,
    %add3A_150 = arith.constant 1 : i32
    %add3A_151 = vector.broadcast %add3A_150 : i32 to vector<16xi32>
    %add3A_152 = arith.addi %get3A_149, %add3A_151 : vector<16xi32>
    %swap3A_153 = arith.constant 256 : index
    %swap3A_154 = tpu.vector_load %arg7[%swap3A_153] {strides = array<i32>} : memref<512xi32, #tpu.memory_space<vmem>>, vector<16xi32>,
    tpu.vector_store %arg7[%swap3A_153], %add3A_152 {strides = array<i32>} : memref<512xi32, #tpu.memory_space<vmem>>, vector<16xi32>,
    %get3A_155 = arith.constant 272 : index
    %get3A_156 = tpu.vector_load %arg6[%get3A_155] {strides = array<i32>} : memref<512xi32, #tpu.memory_space<vmem>>, vector<16xi32>,
    %add3A_157 = arith.constant 1 : i32
    %add3A_158 = vector.broadcast %add3A_157 : i32 to vector<16xi32>
    %add3A_159 = arith.addi %get3A_156, %add3A_158 : vector<16xi32>
    %swap3A_160 = arith.constant 272 : index
    %swap3A_161 = tpu.vector_load %arg7[%swap3A_160] {strides = array<i32>} : memref<512xi32, #tpu.memory_space<vmem>>, vector<16xi32>,
    tpu.vector_store %arg7[%swap3A_160], %add3A_159 {strides = array<i32>} : memref<512xi32, #tpu.memory_space<vmem>>, vector<16xi32>,
    %get3A_162 = arith.constant 288 : index
    %get3A_163 = tpu.vector_load %arg6[%get3A_162] {strides = array<i32>} : memref<512xi32, #tpu.memory_space<vmem>>, vector<16xi32>,
    %add3A_164 = arith.constant 1 : i32
    %add3A_165 = vector.broadcast %add3A_164 : i32 to vector<16xi32>
    %add3A_166 = arith.addi %get3A_163, %add3A_165 : vector<16xi32>
    %swap3A_167 = arith.constant 288 : index
    %swap3A_168 = tpu.vector_load %arg7[%swap3A_167] {strides = array<i32>} : memref<512xi32, #tpu.memory_space<vmem>>, vector<16xi32>,
    tpu.vector_store %arg7[%swap3A_167], %add3A_166 {strides = array<i32>} : memref<512xi32, #tpu.memory_space<vmem>>, vector<16xi32>,
    %get3A_169 = arith.constant 304 : index
    %get3A_170 = tpu.vector_load %arg6[%get3A_169] {strides = array<i32>} : memref<512xi32, #tpu.memory_space<vmem>>, vector<16xi32>,
    %add3A_171 = arith.constant 1 : i32
    %add3A_172 = vector.broadcast %add3A_171 : i32 to vector<16xi32>
    %add3A_173 = arith.addi %get3A_170, %add3A_172 : vector<16xi32>
    %swap3A_174 = arith.constant 304 : index
    %swap3A_175 = tpu.vector_load %arg7[%swap3A_174] {strides = array<i32>} : memref<512xi32, #tpu.memory_space<vmem>>, vector<16xi32>,
    tpu.vector_store %arg7[%swap3A_174], %add3A_173 {strides = array<i32>} : memref<512xi32, #tpu.memory_space<vmem>>, vector<16xi32>,
    %get3A_176 = arith.constant 320 : index
    %get3A_177 = tpu.vector_load %arg6[%get3A_176] {strides = array<i32>} : memref<512xi32, #tpu.memory_space<vmem>>, vector<16xi32>,
    %add3A_178 = arith.constant 1 : i32
    %add3A_179 = vector.broadcast %add3A_178 : i32 to vector<16xi32>
    %add3A_180 = arith.addi %get3A_177, %add3A_179 : vector<16xi32>
    %swap3A_181 = arith.constant 320 : index
    %swap3A_182 = tpu.vector_load %arg7[%swap3A_181] {strides = array<i32>} : memref<512xi32, #tpu.memory_space<vmem>>, vector<16xi32>,
    tpu.vector_store %arg7[%swap3A_181], %add3A_180 {strides = array<i32>} : memref<512xi32, #tpu.memory_space<vmem>>, vector<16xi32>,
    %get3A_183 = arith.constant 336 : index
    %get3A_184 = tpu.vector_load %arg6[%get3A_183] {strides = array<i32>} : memref<512xi32, #tpu.memory_space<vmem>>, vector<16xi32>,
    %add3A_185 = arith.constant 1 : i32
    %add3A_186 = vector.broadcast %add3A_185 : i32 to vector<16xi32>
    %add3A_187 = arith.addi %get3A_184, %add3A_186 : vector<16xi32>
    %swap3A_188 = arith.constant 336 : index
    %swap3A_189 = tpu.vector_load %arg7[%swap3A_188] {strides = array<i32>} : memref<512xi32, #tpu.memory_space<vmem>>, vector<16xi32>,
    tpu.vector_store %arg7[%swap3A_188], %add3A_187 {strides = array<i32>} : memref<512xi32, #tpu.memory_space<vmem>>, vector<16xi32>,
    %get3A_190 = arith.constant 352 : index
    %get3A_191 = tpu.vector_load %arg6[%get3A_190] {strides = array<i32>} : memref<512xi32, #tpu.memory_space<vmem>>, vector<16xi32>,
    %add3A_192 = arith.constant 1 : i32
    %add3A_193 = vector.broadcast %add3A_192 : i32 to vector<16xi32>
    %add3A_194 = arith.addi %get3A_191, %add3A_193 : vector<16xi32>
    %swap3A_195 = arith.constant 352 : index
    %swap3A_196 = tpu.vector_load %arg7[%swap3A_195] {strides = array<i32>} : memref<512xi32, #tpu.memory_space<vmem>>, vector<16xi32>,
    tpu.vector_store %arg7[%swap3A_195], %add3A_194 {strides = array<i32>} : memref<512xi32, #tpu.memory_space<vmem>>, vector<16xi32>,
    %get3A_197 = arith.constant 368 : index
    %get3A_198 = tpu.vector_load %arg6[%get3A_197] {strides = array<i32>} : memref<512xi32, #tpu.memory_space<vmem>>, vector<16xi32>,
    %add3A_199 = arith.constant 1 : i32
    %add3A_200 = vector.broadcast %add3A_199 : i32 to vector<16xi32>
    %add3A_201 = arith.addi %get3A_198, %add3A_200 : vector<16xi32>
    %swap3A_202 = arith.constant 368 : index
    %swap3A_203 = tpu.vector_load %arg7[%swap3A_202] {strides = array<i32>} : memref<512xi32, #tpu.memory_space<vmem>>, vector<16xi32>,
    tpu.vector_store %arg7[%swap3A_202], %add3A_201 {strides = array<i32>} : memref<512xi32, #tpu.memory_space<vmem>>, vector<16xi32>,
    %get3A_204 = arith.constant 384 : index
    %get3A_205 = tpu.vector_load %arg6[%get3A_204] {strides = array<i32>} : memref<512xi32, #tpu.memory_space<vmem>>, vector<16xi32>,
    %add3A_206 = arith.constant 1 : i32
    %add3A_207 = vector.broadcast %add3A_206 : i32 to vector<16xi32>
    %add3A_208 = arith.addi %get3A_205, %add3A_207 : vector<16xi32>
    %swap3A_209 = arith.constant 384 : index
    %swap3A_210 = tpu.vector_load %arg7[%swap3A_209] {strides = array<i32>} : memref<512xi32, #tpu.memory_space<vmem>>, vector<16xi32>,
    tpu.vector_store %arg7[%swap3A_209], %add3A_208 {strides = array<i32>} : memref<512xi32, #tpu.memory_space<vmem>>, vector<16xi32>,
    %get3A_211 = arith.constant 400 : index
    %get3A_212 = tpu.vector_load %arg6[%get3A_211] {strides = array<i32>} : memref<512xi32, #tpu.memory_space<vmem>>, vector<16xi32>,
    %add3A_213 = arith.constant 1 : i32
    %add3A_214 = vector.broadcast %add3A_213 : i32 to vector<16xi32>
    %add3A_215 = arith.addi %get3A_212, %add3A_214 : vector<16xi32>
    %swap3A_216 = arith.constant 400 : index
    %swap3A_217 = tpu.vector_load %arg7[%swap3A_216] {strides = array<i32>} : memref<512xi32, #tpu.memory_space<vmem>>, vector<16xi32>,
    tpu.vector_store %arg7[%swap3A_216], %add3A_215 {strides = array<i32>} : memref<512xi32, #tpu.memory_space<vmem>>, vector<16xi32>,
    %get3A_218 = arith.constant 416 : index
    %get3A_219 = tpu.vector_load %arg6[%get3A_218] {strides = array<i32>} : memref<512xi32, #tpu.memory_space<vmem>>, vector<16xi32>,
    %add3A_220 = arith.constant 1 : i32
    %add3A_221 = vector.broadcast %add3A_220 : i32 to vector<16xi32>
    %add3A_222 = arith.addi %get3A_219, %add3A_221 : vector<16xi32>
    %swap3A_223 = arith.constant 416 : index
    %swap3A_224 = tpu.vector_load %arg7[%swap3A_223] {strides = array<i32>} : memref<512xi32, #tpu.memory_space<vmem>>, vector<16xi32>,
    tpu.vector_store %arg7[%swap3A_223], %add3A_222 {strides = array<i32>} : memref<512xi32, #tpu.memory_space<vmem>>, vector<16xi32>,
    %get3A_225 = arith.constant 432 : index
    %get3A_226 = tpu.vector_load %arg6[%get3A_225] {strides = array<i32>} : memref<512xi32, #tpu.memory_space<vmem>>, vector<16xi32>,
    %add3A_227 = arith.constant 1 : i32
    %add3A_228 = vector.broadcast %add3A_227 : i32 to vector<16xi32>
    %add3A_229 = arith.addi %get3A_226, %add3A_228 : vector<16xi32>
    %swap3A_230 = arith.constant 432 : index
    %swap3A_231 = tpu.vector_load %arg7[%swap3A_230] {strides = array<i32>} : memref<512xi32, #tpu.memory_space<vmem>>, vector<16xi32>,
    tpu.vector_store %arg7[%swap3A_230], %add3A_229 {strides = array<i32>} : memref<512xi32, #tpu.memory_space<vmem>>, vector<16xi32>,
    %get3A_232 = arith.constant 448 : index
    %get3A_233 = tpu.vector_load %arg6[%get3A_232] {strides = array<i32>} : memref<512xi32, #tpu.memory_space<vmem>>, vector<16xi32>,
    %add3A_234 = arith.constant 1 : i32
    %add3A_235 = vector.broadcast %add3A_234 : i32 to vector<16xi32>
    %add3A_236 = arith.addi %get3A_233, %add3A_235 : vector<16xi32>
    %swap3A_237 = arith.constant 448 : index
    %swap3A_238 = tpu.vector_load %arg7[%swap3A_237] {strides = array<i32>} : memref<512xi32, #tpu.memory_space<vmem>>, vector<16xi32>,
    tpu.vector_store %arg7[%swap3A_237], %add3A_236 {strides = array<i32>} : memref<512xi32, #tpu.memory_space<vmem>>, vector<16xi32>,
    %get3A_239 = arith.constant 464 : index
    %get3A_240 = tpu.vector_load %arg6[%get3A_239] {strides = array<i32>} : memref<512xi32, #tpu.memory_space<vmem>>, vector<16xi32>,
    %add3A_241 = arith.constant 1 : i32
    %add3A_242 = vector.broadcast %add3A_241 : i32 to vector<16xi32>
    %add3A_243 = arith.addi %get3A_240, %add3A_242 : vector<16xi32>
    %swap3A_244 = arith.constant 464 : index
    %swap3A_245 = tpu.vector_load %arg7[%swap3A_244] {strides = array<i32>} : memref<512xi32, #tpu.memory_space<vmem>>, vector<16xi32>,
    tpu.vector_store %arg7[%swap3A_244], %add3A_243 {strides = array<i32>} : memref<512xi32, #tpu.memory_space<vmem>>, vector<16xi32>,
    %get3A_246 = arith.constant 480 : index
    %get3A_247 = tpu.vector_load %arg6[%get3A_246] {strides = array<i32>} : memref<512xi32, #tpu.memory_space<vmem>>, vector<16xi32>,
    %add3A_248 = arith.constant 1 : i32
    %add3A_249 = vector.broadcast %add3A_248 : i32 to vector<16xi32>
    %add3A_250 = arith.addi %get3A_247, %add3A_249 : vector<16xi32>
    %swap3A_251 = arith.constant 480 : index
    %swap3A_252 = tpu.vector_load %arg7[%swap3A_251] {strides = array<i32>} : memref<512xi32, #tpu.memory_space<vmem>>, vector<16xi32>,
    tpu.vector_store %arg7[%swap3A_251], %add3A_250 {strides = array<i32>} : memref<512xi32, #tpu.memory_space<vmem>>, vector<16xi32>,
    %get3A_253 = arith.constant 496 : index
    %get3A_254 = tpu.vector_load %arg6[%get3A_253] {strides = array<i32>} : memref<512xi32, #tpu.memory_space<vmem>>, vector<16xi32>,
    %add3A_255 = arith.constant 1 : i32
    %add3A_256 = vector.broadcast %add3A_255 : i32 to vector<16xi32>
    %add3A_257 = arith.addi %get3A_254, %add3A_256 : vector<16xi32>
    %swap3A_258 = arith.constant 496 : index
    %swap3A_259 = tpu.vector_load %arg7[%swap3A_258] {strides = array<i32>} : memref<512xi32, #tpu.memory_space<vmem>>, vector<16xi32>,
    tpu.vector_store %arg7[%swap3A_258], %add3A_257 {strides = array<i32>} : memref<512xi32, #tpu.memory_space<vmem>>, vector<16xi32>,
    %dma_start3A_260 = arith.constant 0 : i32
    %dma_start3A_261 = tpu.memref_slice %arg8[%dma_start3A_260] : memref<512xf32, #tpu.memory_space<vmem>> -> memref<128xf32, #tpu.memory_space<vmem>>
    %dma_start3A_262 = arith.constant 0 : i32
    %dma_start3A_263 = tpu.memref_slice %arg6[%dma_start3A_262] : memref<512xi32, #tpu.memory_space<vmem>> -> memref<128xi32, #tpu.memory_space<vmem>>
    %dma_start3A_264 = arith.constant 0 : i32
    %dma_start3A_265 = tpu.memref_slice %arg4[%dma_start3A_264] : memref<100001xf32, #tpu.memory_space<hbm>> -> memref<100001xf32, #tpu.memory_space<hbm>>
    tpu.enqueue_indirect_dma source(%dma_start3A_265 : memref<100001xf32, #tpu.memory_space<hbm>>) target(%dma_start3A_261 : memref<128xf32, #tpu.memory_space<vmem>>) offsets(%dma_start3A_263 : memref<128xi32, #tpu.memory_space<vmem>>) semaphore(%arg18 : memref<!tpu.dma_semaphore, #tpu.memory_space<semaphore_mem>>)
    %dma_start3A_266 = arith.constant 0 : i32
    %dma_start3A_267 = tpu.memref_slice %arg9[%dma_start3A_266] : memref<512xf32, #tpu.memory_space<vmem>> -> memref<128xf32, #tpu.memory_space<vmem>>
    %dma_start3A_268 = arith.constant 0 : i32
    %dma_start3A_269 = tpu.memref_slice %arg7[%dma_start3A_268] : memref<512xi32, #tpu.memory_space<vmem>> -> memref<128xi32, #tpu.memory_space<vmem>>
    %dma_start3A_270 = arith.constant 0 : i32
    %dma_start3A_271 = tpu.memref_slice %arg4[%dma_start3A_270] : memref<100001xf32, #tpu.memory_space<hbm>> -> memref<100001xf32, #tpu.memory_space<hbm>>
    tpu.enqueue_indirect_dma source(%dma_start3A_271 : memref<100001xf32, #tpu.memory_space<hbm>>) target(%dma_start3A_267 : memref<128xf32, #tpu.memory_space<vmem>>) offsets(%dma_start3A_269 : memref<128xi32, #tpu.memory_space<vmem>>) semaphore(%arg18 : memref<!tpu.dma_semaphore, #tpu.memory_space<semaphore_mem>>)
    %dma_start3A_272 = arith.constant 128 : i32
    %dma_start3A_273 = tpu.memref_slice %arg8[%dma_start3A_272] : memref<512xf32, #tpu.memory_space<vmem>> -> memref<128xf32, #tpu.memory_space<vmem>>
    %dma_start3A_274 = arith.constant 128 : i32
    %dma_start3A_275 = tpu.memref_slice %arg6[%dma_start3A_274] : memref<512xi32, #tpu.memory_space<vmem>> -> memref<128xi32, #tpu.memory_space<vmem>>
    %dma_start3A_276 = arith.constant 0 : i32
    %dma_start3A_277 = tpu.memref_slice %arg4[%dma_start3A_276] : memref<100001xf32, #tpu.memory_space<hbm>> -> memref<100001xf32, #tpu.memory_space<hbm>>
    tpu.enqueue_indirect_dma source(%dma_start3A_277 : memref<100001xf32, #tpu.memory_space<hbm>>) target(%dma_start3A_273 : memref<128xf32, #tpu.memory_space<vmem>>) offsets(%dma_start3A_275 : memref<128xi32, #tpu.memory_space<vmem>>) semaphore(%arg18 : memref<!tpu.dma_semaphore, #tpu.memory_space<semaphore_mem>>)
    %dma_start3A_278 = arith.constant 128 : i32
    %dma_start3A_279 = tpu.memref_slice %arg9[%dma_start3A_278] : memref<512xf32, #tpu.memory_space<vmem>> -> memref<128xf32, #tpu.memory_space<vmem>>
    %dma_start3A_280 = arith.constant 128 : i32
    %dma_start3A_281 = tpu.memref_slice %arg7[%dma_start3A_280] : memref<512xi32, #tpu.memory_space<vmem>> -> memref<128xi32, #tpu.memory_space<vmem>>
    %dma_start3A_282 = arith.constant 0 : i32
    %dma_start3A_283 = tpu.memref_slice %arg4[%dma_start3A_282] : memref<100001xf32, #tpu.memory_space<hbm>> -> memref<100001xf32, #tpu.memory_space<hbm>>
    tpu.enqueue_indirect_dma source(%dma_start3A_283 : memref<100001xf32, #tpu.memory_space<hbm>>) target(%dma_start3A_279 : memref<128xf32, #tpu.memory_space<vmem>>) offsets(%dma_start3A_281 : memref<128xi32, #tpu.memory_space<vmem>>) semaphore(%arg18 : memref<!tpu.dma_semaphore, #tpu.memory_space<semaphore_mem>>)
    %dma_start3A_284 = arith.constant 256 : i32
    %dma_start3A_285 = tpu.memref_slice %arg8[%dma_start3A_284] : memref<512xf32, #tpu.memory_space<vmem>> -> memref<128xf32, #tpu.memory_space<vmem>>
    %dma_start3A_286 = arith.constant 256 : i32
    %dma_start3A_287 = tpu.memref_slice %arg6[%dma_start3A_286] : memref<512xi32, #tpu.memory_space<vmem>> -> memref<128xi32, #tpu.memory_space<vmem>>
    %dma_start3A_288 = arith.constant 0 : i32
    %dma_start3A_289 = tpu.memref_slice %arg4[%dma_start3A_288] : memref<100001xf32, #tpu.memory_space<hbm>> -> memref<100001xf32, #tpu.memory_space<hbm>>
    tpu.enqueue_indirect_dma source(%dma_start3A_289 : memref<100001xf32, #tpu.memory_space<hbm>>) target(%dma_start3A_285 : memref<128xf32, #tpu.memory_space<vmem>>) offsets(%dma_start3A_287 : memref<128xi32, #tpu.memory_space<vmem>>) semaphore(%arg18 : memref<!tpu.dma_semaphore, #tpu.memory_space<semaphore_mem>>)
    %dma_start3A_290 = arith.constant 256 : i32
    %dma_start3A_291 = tpu.memref_slice %arg9[%dma_start3A_290] : memref<512xf32, #tpu.memory_space<vmem>> -> memref<128xf32, #tpu.memory_space<vmem>>
    %dma_start3A_292 = arith.constant 256 : i32
    %dma_start3A_293 = tpu.memref_slice %arg7[%dma_start3A_292] : memref<512xi32, #tpu.memory_space<vmem>> -> memref<128xi32, #tpu.memory_space<vmem>>
    %dma_start3A_294 = arith.constant 0 : i32
    %dma_start3A_295 = tpu.memref_slice %arg4[%dma_start3A_294] : memref<100001xf32, #tpu.memory_space<hbm>> -> memref<100001xf32, #tpu.memory_space<hbm>>
    tpu.enqueue_indirect_dma source(%dma_start3A_295 : memref<100001xf32, #tpu.memory_space<hbm>>) target(%dma_start3A_291 : memref<128xf32, #tpu.memory_space<vmem>>) offsets(%dma_start3A_293 : memref<128xi32, #tpu.memory_space<vmem>>) semaphore(%arg18 : memref<!tpu.dma_semaphore, #tpu.memory_space<semaphore_mem>>)
    %dma_start3A_296 = arith.constant 384 : i32
    %dma_start3A_297 = tpu.memref_slice %arg8[%dma_start3A_296] : memref<512xf32, #tpu.memory_space<vmem>> -> memref<128xf32, #tpu.memory_space<vmem>>
    %dma_start3A_298 = arith.constant 384 : i32
    %dma_start3A_299 = tpu.memref_slice %arg6[%dma_start3A_298] : memref<512xi32, #tpu.memory_space<vmem>> -> memref<128xi32, #tpu.memory_space<vmem>>
    %dma_start3A_300 = arith.constant 0 : i32
    %dma_start3A_301 = tpu.memref_slice %arg4[%dma_start3A_300] : memref<100001xf32, #tpu.memory_space<hbm>> -> memref<100001xf32, #tpu.memory_space<hbm>>
    tpu.enqueue_indirect_dma source(%dma_start3A_301 : memref<100001xf32, #tpu.memory_space<hbm>>) target(%dma_start3A_297 : memref<128xf32, #tpu.memory_space<vmem>>) offsets(%dma_start3A_299 : memref<128xi32, #tpu.memory_space<vmem>>) semaphore(%arg18 : memref<!tpu.dma_semaphore, #tpu.memory_space<semaphore_mem>>)
    %dma_start3A_302 = arith.constant 384 : i32
    %dma_start3A_303 = tpu.memref_slice %arg9[%dma_start3A_302] : memref<512xf32, #tpu.memory_space<vmem>> -> memref<128xf32, #tpu.memory_space<vmem>>
    %dma_start3A_304 = arith.constant 384 : i32
    %dma_start3A_305 = tpu.memref_slice %arg7[%dma_start3A_304] : memref<512xi32, #tpu.memory_space<vmem>> -> memref<128xi32, #tpu.memory_space<vmem>>
    %dma_start3A_306 = arith.constant 0 : i32
    %dma_start3A_307 = tpu.memref_slice %arg4[%dma_start3A_306] : memref<100001xf32, #tpu.memory_space<hbm>> -> memref<100001xf32, #tpu.memory_space<hbm>>
    tpu.enqueue_indirect_dma source(%dma_start3A_307 : memref<100001xf32, #tpu.memory_space<hbm>>) target(%dma_start3A_303 : memref<128xf32, #tpu.memory_space<vmem>>) offsets(%dma_start3A_305 : memref<128xi32, #tpu.memory_space<vmem>>) semaphore(%arg18 : memref<!tpu.dma_semaphore, #tpu.memory_space<semaphore_mem>>)
    %dma_wait3A = arith.constant 0 : i32
    %dma_wait3A_308 = tpu.memref_slice %arg8[%dma_wait3A] : memref<512xf32, #tpu.memory_space<vmem>> -> memref<128xf32, #tpu.memory_space<vmem>>
    %dma_wait3A_309 = arith.constant 0 : i32
    %dma_wait3A_310 = tpu.memref_slice %arg6[%dma_wait3A_309] : memref<512xi32, #tpu.memory_space<vmem>> -> memref<128xi32, #tpu.memory_space<vmem>>
    %dma_wait3A_311 = arith.constant 0 : i32
    %dma_wait3A_312 = tpu.memref_slice %arg4[%dma_wait3A_311] : memref<100001xf32, #tpu.memory_space<hbm>> -> memref<100001xf32, #tpu.memory_space<hbm>>
    tpu.wait_indirect_dma semaphore(%arg18 : memref<!tpu.dma_semaphore, #tpu.memory_space<semaphore_mem>>) src(%dma_wait3A_312 : memref<100001xf32, #tpu.memory_space<hbm>>) dst(%dma_wait3A_308 : memref<128xf32, #tpu.memory_space<vmem>>)
    %dma_wait3A_313 = arith.constant 0 : i32
    %dma_wait3A_314 = tpu.memref_slice %arg9[%dma_wait3A_313] : memref<512xf32, #tpu.memory_space<vmem>> -> memref<128xf32, #tpu.memory_space<vmem>>
    %dma_wait3A_315 = arith.constant 0 : i32
    %dma_wait3A_316 = tpu.memref_slice %arg7[%dma_wait3A_315] : memref<512xi32, #tpu.memory_space<vmem>> -> memref<128xi32, #tpu.memory_space<vmem>>
    %dma_wait3A_317 = arith.constant 0 : i32
    %dma_wait3A_318 = tpu.memref_slice %arg4[%dma_wait3A_317] : memref<100001xf32, #tpu.memory_space<hbm>> -> memref<100001xf32, #tpu.memory_space<hbm>>
    tpu.wait_indirect_dma semaphore(%arg18 : memref<!tpu.dma_semaphore, #tpu.memory_space<semaphore_mem>>) src(%dma_wait3A_318 : memref<100001xf32, #tpu.memory_space<hbm>>) dst(%dma_wait3A_314 : memref<128xf32, #tpu.memory_space<vmem>>)
    %dma_wait3A_319 = arith.constant 128 : i32
    %dma_wait3A_320 = tpu.memref_slice %arg8[%dma_wait3A_319] : memref<512xf32, #tpu.memory_space<vmem>> -> memref<128xf32, #tpu.memory_space<vmem>>
    %dma_wait3A_321 = arith.constant 128 : i32
    %dma_wait3A_322 = tpu.memref_slice %arg6[%dma_wait3A_321] : memref<512xi32, #tpu.memory_space<vmem>> -> memref<128xi32, #tpu.memory_space<vmem>>
    %dma_wait3A_323 = arith.constant 0 : i32
    %dma_wait3A_324 = tpu.memref_slice %arg4[%dma_wait3A_323] : memref<100001xf32, #tpu.memory_space<hbm>> -> memref<100001xf32, #tpu.memory_space<hbm>>
    tpu.wait_indirect_dma semaphore(%arg18 : memref<!tpu.dma_semaphore, #tpu.memory_space<semaphore_mem>>) src(%dma_wait3A_324 : memref<100001xf32, #tpu.memory_space<hbm>>) dst(%dma_wait3A_320 : memref<128xf32, #tpu.memory_space<vmem>>)
    %dma_wait3A_325 = arith.constant 128 : i32
    %dma_wait3A_326 = tpu.memref_slice %arg9[%dma_wait3A_325] : memref<512xf32, #tpu.memory_space<vmem>> -> memref<128xf32, #tpu.memory_space<vmem>>
    %dma_wait3A_327 = arith.constant 128 : i32
    %dma_wait3A_328 = tpu.memref_slice %arg7[%dma_wait3A_327] : memref<512xi32, #tpu.memory_space<vmem>> -> memref<128xi32, #tpu.memory_space<vmem>>
    %dma_wait3A_329 = arith.constant 0 : i32
    %dma_wait3A_330 = tpu.memref_slice %arg4[%dma_wait3A_329] : memref<100001xf32, #tpu.memory_space<hbm>> -> memref<100001xf32, #tpu.memory_space<hbm>>
    tpu.wait_indirect_dma semaphore(%arg18 : memref<!tpu.dma_semaphore, #tpu.memory_space<semaphore_mem>>) src(%dma_wait3A_330 : memref<100001xf32, #tpu.memory_space<hbm>>) dst(%dma_wait3A_326 : memref<128xf32, #tpu.memory_space<vmem>>)
    %dma_wait3A_331 = arith.constant 256 : i32
    %dma_wait3A_332 = tpu.memref_slice %arg8[%dma_wait3A_331] : memref<512xf32, #tpu.memory_space<vmem>> -> memref<128xf32, #tpu.memory_space<vmem>>
    %dma_wait3A_333 = arith.constant 256 : i32
    %dma_wait3A_334 = tpu.memref_slice %arg6[%dma_wait3A_333] : memref<512xi32, #tpu.memory_space<vmem>> -> memref<128xi32, #tpu.memory_space<vmem>>
    %dma_wait3A_335 = arith.constant 0 : i32
    %dma_wait3A_336 = tpu.memref_slice %arg4[%dma_wait3A_335] : memref<100001xf32, #tpu.memory_space<hbm>> -> memref<100001xf32, #tpu.memory_space<hbm>>
    tpu.wait_indirect_dma semaphore(%arg18 : memref<!tpu.dma_semaphore, #tpu.memory_space<semaphore_mem>>) src(%dma_wait3A_336 : memref<100001xf32, #tpu.memory_space<hbm>>) dst(%dma_wait3A_332 : memref<128xf32, #tpu.memory_space<vmem>>)
    %dma_wait3A_337 = arith.constant 256 : i32
    %dma_wait3A_338 = tpu.memref_slice %arg9[%dma_wait3A_337] : memref<512xf32, #tpu.memory_space<vmem>> -> memref<128xf32, #tpu.memory_space<vmem>>
    %dma_wait3A_339 = arith.constant 256 : i32
    %dma_wait3A_340 = tpu.memref_slice %arg7[%dma_wait3A_339] : memref<512xi32, #tpu.memory_space<vmem>> -> memref<128xi32, #tpu.memory_space<vmem>>
    %dma_wait3A_341 = arith.constant 0 : i32
    %dma_wait3A_342 = tpu.memref_slice %arg4[%dma_wait3A_341] : memref<100001xf32, #tpu.memory_space<hbm>> -> memref<100001xf32, #tpu.memory_space<hbm>>
    tpu.wait_indirect_dma semaphore(%arg18 : memref<!tpu.dma_semaphore, #tpu.memory_space<semaphore_mem>>) src(%dma_wait3A_342 : memref<100001xf32, #tpu.memory_space<hbm>>) dst(%dma_wait3A_338 : memref<128xf32, #tpu.memory_space<vmem>>)
    %dma_wait3A_343 = arith.constant 384 : i32
    %dma_wait3A_344 = tpu.memref_slice %arg8[%dma_wait3A_343] : memref<512xf32, #tpu.memory_space<vmem>> -> memref<128xf32, #tpu.memory_space<vmem>>
    %dma_wait3A_345 = arith.constant 384 : i32
    %dma_wait3A_346 = tpu.memref_slice %arg6[%dma_wait3A_345] : memref<512xi32, #tpu.memory_space<vmem>> -> memref<128xi32, #tpu.memory_space<vmem>>
    %dma_wait3A_347 = arith.constant 0 : i32
    %dma_wait3A_348 = tpu.memref_slice %arg4[%dma_wait3A_347] : memref<100001xf32, #tpu.memory_space<hbm>> -> memref<100001xf32, #tpu.memory_space<hbm>>
    tpu.wait_indirect_dma semaphore(%arg18 : memref<!tpu.dma_semaphore, #tpu.memory_space<semaphore_mem>>) src(%dma_wait3A_348 : memref<100001xf32, #tpu.memory_space<hbm>>) dst(%dma_wait3A_344 : memref<128xf32, #tpu.memory_space<vmem>>)
    %dma_wait3A_349 = arith.constant 384 : i32
    %dma_wait3A_350 = tpu.memref_slice %arg9[%dma_wait3A_349] : memref<512xf32, #tpu.memory_space<vmem>> -> memref<128xf32, #tpu.memory_space<vmem>>
    %dma_wait3A_351 = arith.constant 384 : i32
    %dma_wait3A_352 = tpu.memref_slice %arg7[%dma_wait3A_351] : memref<512xi32, #tpu.memory_space<vmem>> -> memref<128xi32, #tpu.memory_space<vmem>>
    %dma_wait3A_353 = arith.constant 0 : i32
    %dma_wait3A_354 = tpu.memref_slice %arg4[%dma_wait3A_353] : memref<100001xf32, #tpu.memory_space<hbm>> -> memref<100001xf32, #tpu.memory_space<hbm>>
    tpu.wait_indirect_dma semaphore(%arg18 : memref<!tpu.dma_semaphore, #tpu.memory_space<semaphore_mem>>) src(%dma_wait3A_354 : memref<100001xf32, #tpu.memory_space<hbm>>) dst(%dma_wait3A_350 : memref<128xf32, #tpu.memory_space<vmem>>)
    %dma_wait3A_355 = arith.constant 0 : i32
    %dma_wait3A_356 = arith.constant 0 : i32
    %dma_wait3A_357 = tpu.memref_slice %arg10[%dma_wait3A_355, %dma_wait3A_356] : memref<512x128xf32, #tpu.memory_space<vmem>> -> memref<128x128xf32, #tpu.memory_space<vmem>>
    %dma_wait3A_358 = arith.constant 0 : i32
    %dma_wait3A_359 = tpu.memref_slice %arg2[%add3A_4, %dma_wait3A_358] : memref<16384x128xf32, #tpu.memory_space<hbm>> -> memref<128x128xf32, #tpu.memory_space<hbm>>
    %dma_wait3A_360 = arith.constant 0 : i32
    %dma_wait3A_361 = arith.constant 0 : i32
    %dma_wait3A_362 = tpu.memref_slice %arg10[%dma_wait3A_360, %dma_wait3A_361] : memref<512x128xf32, #tpu.memory_space<vmem>> -> memref<128x128xf32, #tpu.memory_space<vmem>>
    %dma_wait3A_363 = arith.constant 0 : i32
    %dma_wait3A_364 = tpu.memref_slice %arg2[%add3A_4, %dma_wait3A_363] : memref<16384x128xf32, #tpu.memory_space<hbm>> -> memref<128x128xf32, #tpu.memory_space<hbm>>
    tpu.wait_dma2 semaphore(%arg11 : memref<!tpu.dma_semaphore, #tpu.memory_space<semaphore_mem>>) src(%dma_wait3A_364 : memref<128x128xf32, #tpu.memory_space<hbm>>) dst(%dma_wait3A_362 : memref<128x128xf32, #tpu.memory_space<vmem>>)
    %scan3A = arith.constant 0 : i32
    %scan3A_365 = arith.constant 0 : i32
    %scan3A_366 = arith.constant 32 : i32
    %scan3A_367 = arith.addi %scan3A_365, %scan3A_366 : i32
    %scan3A_368 = arith.constant 1 : i32
    %scan3A_369 = scf.for %scan3A_419 = %scan3A_365 to %scan3A_367 step %scan3A_368 iter_args(%scan3A_420 = %scan3A) -> (i32)  : i32 {
      %eq3A = arith.constant 8 : i32
      %eq3A_421 = arith.cmpi eq, %scan3A_419, %eq3A : i32
      %convert_element_type3A = arith.extui %eq3A_421 : i1 to i32
      %cond3A = arith.constant 0 : i32
      %cond3A_422 = arith.cmpi ne, %convert_element_type3A, %cond3A : i32
      scf.if %cond3A_422 {
        %dma_wait3A_2309 = arith.constant 128 : i32
        %dma_wait3A_2310 = arith.constant 0 : i32
        %dma_wait3A_2311 = tpu.memref_slice %arg10[%dma_wait3A_2309, %dma_wait3A_2310] : memref<512x128xf32, #tpu.memory_space<vmem>> -> memref<128x128xf32, #tpu.memory_space<vmem>>
        %dma_wait3A_2312 = arith.constant 0 : i32
        %dma_wait3A_2313 = tpu.memref_slice %arg2[%add3A_15, %dma_wait3A_2312] : memref<16384x128xf32, #tpu.memory_space<hbm>> -> memref<128x128xf32, #tpu.memory_space<hbm>>
        %dma_wait3A_2314 = arith.constant 128 : i32
        %dma_wait3A_2315 = arith.constant 0 : i32
        %dma_wait3A_2316 = tpu.memref_slice %arg10[%dma_wait3A_2314, %dma_wait3A_2315] : memref<512x128xf32, #tpu.memory_space<vmem>> -> memref<128x128xf32, #tpu.memory_space<vmem>>
        %dma_wait3A_2317 = arith.constant 0 : i32
        %dma_wait3A_2318 = tpu.memref_slice %arg2[%add3A_15, %dma_wait3A_2317] : memref<16384x128xf32, #tpu.memory_space<hbm>> -> memref<128x128xf32, #tpu.memory_space<hbm>>
        tpu.wait_dma2 semaphore(%arg12 : memref<!tpu.dma_semaphore, #tpu.memory_space<semaphore_mem>>) src(%dma_wait3A_2318 : memref<128x128xf32, #tpu.memory_space<hbm>>) dst(%dma_wait3A_2316 : memref<128x128xf32, #tpu.memory_space<vmem>>)
      } else {
      }
      %eq3A_423 = arith.constant 16 : i32
      %eq3A_424 = arith.cmpi eq, %scan3A_419, %eq3A_423 : i32
      %convert_element_type3A_425 = arith.extui %eq3A_424 : i1 to i32
      %cond3A_426 = arith.constant 0 : i32
      %cond3A_427 = arith.cmpi ne, %convert_element_type3A_425, %cond3A_426 : i32
      scf.if %cond3A_427 {
        %dma_wait3A_2309 = arith.constant 256 : i32
        %dma_wait3A_2310 = arith.constant 0 : i32
        %dma_wait3A_2311 = tpu.memref_slice %arg10[%dma_wait3A_2309, %dma_wait3A_2310] : memref<512x128xf32, #tpu.memory_space<vmem>> -> memref<256x128xf32, #tpu.memory_space<vmem>>
        %dma_wait3A_2312 = arith.constant 0 : i32
        %dma_wait3A_2313 = tpu.memref_slice %arg2[%add3A_27, %dma_wait3A_2312] : memref<16384x128xf32, #tpu.memory_space<hbm>> -> memref<256x128xf32, #tpu.memory_space<hbm>>
        %dma_wait3A_2314 = arith.constant 256 : i32
        %dma_wait3A_2315 = arith.constant 0 : i32
        %dma_wait3A_2316 = tpu.memref_slice %arg10[%dma_wait3A_2314, %dma_wait3A_2315] : memref<512x128xf32, #tpu.memory_space<vmem>> -> memref<256x128xf32, #tpu.memory_space<vmem>>
        %dma_wait3A_2317 = arith.constant 0 : i32
        %dma_wait3A_2318 = tpu.memref_slice %arg2[%add3A_27, %dma_wait3A_2317] : memref<16384x128xf32, #tpu.memory_space<hbm>> -> memref<256x128xf32, #tpu.memory_space<hbm>>
        tpu.wait_dma2 semaphore(%arg13 : memref<!tpu.dma_semaphore, #tpu.memory_space<semaphore_mem>>) src(%dma_wait3A_2318 : memref<256x128xf32, #tpu.memory_space<hbm>>) dst(%dma_wait3A_2316 : memref<256x128xf32, #tpu.memory_space<vmem>>)
      } else {
      }
      %mul3A_428 = arith.constant 16 : i32
      %mul3A_429 = arith.muli %scan3A_419, %mul3A_428 : i32
      %get3A_430 = arith.index_cast %mul3A_429 : i32 to index
      %get3A_431 = tpu.vector_load %arg8[%get3A_430] {strides = array<i32>} : memref<512xf32, #tpu.memory_space<vmem>>, vector<16xf32>,
      %get3A_432 = arith.index_cast %mul3A_429 : i32 to index
      %get3A_433 = tpu.vector_load %arg9[%get3A_432] {strides = array<i32>} : memref<512xf32, #tpu.memory_space<vmem>>, vector<16xf32>,
      %sub3A = arith.subf %get3A_433, %get3A_431 : vector<16xf32>
      %slice3A = vector.extract_strided_slice %get3A_431 {offsets = [0], sizes = [1], strides = [1]} : vector<16xf32> to vector<1xf32>
      %squeeze3A = vector.extract %slice3A[0] : f32 from vector<1xf32>
      %slice3A_434 = vector.extract_strided_slice %sub3A {offsets = [0], sizes = [1], strides = [1]} : vector<16xf32> to vector<1xf32>
      %squeeze3A_435 = vector.extract %slice3A_434[0] : f32 from vector<1xf32>
      %add3A_436 = arith.constant 0 : i32
      %add3A_437 = arith.addi %mul3A_429, %add3A_436 : i32
      %get3A_438 = arith.index_cast %add3A_437 : i32 to index
      %get3A_439 = arith.constant 0 : index
      %get3A_440 = tpu.vector_load %arg10[%get3A_438, %get3A_439] {strides = array<i32>} : memref<512x128xf32, #tpu.memory_space<vmem>>, vector<16xf32>,
      %mul3A_441 = vector.broadcast %squeeze3A_435 : f32 to vector<16xf32>
      %mul3A_442 = arith.mulf %get3A_440, %mul3A_441 : vector<16xf32>
      %add3A_443 = vector.broadcast %squeeze3A : f32 to vector<16xf32>
      %add3A_444 = arith.addf %mul3A_442, %add3A_443 : vector<16xf32>
      %add3A_445 = arith.constant 0 : i32
      %add3A_446 = arith.addi %mul3A_429, %add3A_445 : i32
      %swap3A_447 = arith.index_cast %add3A_446 : i32 to index
      %swap3A_448 = arith.constant 0 : index
      %swap3A_449 = tpu.vector_load %arg10[%swap3A_447, %swap3A_448] {strides = array<i32>} : memref<512x128xf32, #tpu.memory_space<vmem>>, vector<16xf32>,
      tpu.vector_store %arg10[%swap3A_447, %swap3A_448], %add3A_444 {strides = array<i32>} : memref<512x128xf32, #tpu.memory_space<vmem>>, vector<16xf32>,
      %add3A_450 = arith.constant 0 : i32
      %add3A_451 = arith.addi %mul3A_429, %add3A_450 : i32
      %get3A_452 = arith.index_cast %add3A_451 : i32 to index
      %get3A_453 = arith.constant 16 : index
      %get3A_454 = tpu.vector_load %arg10[%get3A_452, %get3A_453] {strides = array<i32>} : memref<512x128xf32, #tpu.memory_space<vmem>>, vector<16xf32>,
      %mul3A_455 = vector.broadcast %squeeze3A_435 : f32 to vector<16xf32>
      %mul3A_456 = arith.mulf %get3A_454, %mul3A_455 : vector<16xf32>
      %add3A_457 = vector.broadcast %squeeze3A : f32 to vector<16xf32>
      %add3A_458 = arith.addf %mul3A_456, %add3A_457 : vector<16xf32>
      %add3A_459 = arith.constant 0 : i32
      %add3A_460 = arith.addi %mul3A_429, %add3A_459 : i32
      %swap3A_461 = arith.index_cast %add3A_460 : i32 to index
      %swap3A_462 = arith.constant 16 : index
      %swap3A_463 = tpu.vector_load %arg10[%swap3A_461, %swap3A_462] {strides = array<i32>} : memref<512x128xf32, #tpu.memory_space<vmem>>, vector<16xf32>,
      tpu.vector_store %arg10[%swap3A_461, %swap3A_462], %add3A_458 {strides = array<i32>} : memref<512x128xf32, #tpu.memory_space<vmem>>, vector<16xf32>,
      %add3A_464 = arith.constant 0 : i32
      %add3A_465 = arith.addi %mul3A_429, %add3A_464 : i32
      %get3A_466 = arith.index_cast %add3A_465 : i32 to index
      %get3A_467 = arith.constant 32 : index
      %get3A_468 = tpu.vector_load %arg10[%get3A_466, %get3A_467] {strides = array<i32>} : memref<512x128xf32, #tpu.memory_space<vmem>>, vector<16xf32>,
      %mul3A_469 = vector.broadcast %squeeze3A_435 : f32 to vector<16xf32>
      %mul3A_470 = arith.mulf %get3A_468, %mul3A_469 : vector<16xf32>
      %add3A_471 = vector.broadcast %squeeze3A : f32 to vector<16xf32>
      %add3A_472 = arith.addf %mul3A_470, %add3A_471 : vector<16xf32>
      %add3A_473 = arith.constant 0 : i32
      %add3A_474 = arith.addi %mul3A_429, %add3A_473 : i32
      %swap3A_475 = arith.index_cast %add3A_474 : i32 to index
      %swap3A_476 = arith.constant 32 : index
      %swap3A_477 = tpu.vector_load %arg10[%swap3A_475, %swap3A_476] {strides = array<i32>} : memref<512x128xf32, #tpu.memory_space<vmem>>, vector<16xf32>,
      tpu.vector_store %arg10[%swap3A_475, %swap3A_476], %add3A_472 {strides = array<i32>} : memref<512x128xf32, #tpu.memory_space<vmem>>, vector<16xf32>,
      %add3A_478 = arith.constant 0 : i32
      %add3A_479 = arith.addi %mul3A_429, %add3A_478 : i32
      %get3A_480 = arith.index_cast %add3A_479 : i32 to index
      %get3A_481 = arith.constant 48 : index
      %get3A_482 = tpu.vector_load %arg10[%get3A_480, %get3A_481] {strides = array<i32>} : memref<512x128xf32, #tpu.memory_space<vmem>>, vector<16xf32>,
      %mul3A_483 = vector.broadcast %squeeze3A_435 : f32 to vector<16xf32>
      %mul3A_484 = arith.mulf %get3A_482, %mul3A_483 : vector<16xf32>
      %add3A_485 = vector.broadcast %squeeze3A : f32 to vector<16xf32>
      %add3A_486 = arith.addf %mul3A_484, %add3A_485 : vector<16xf32>
      %add3A_487 = arith.constant 0 : i32
      %add3A_488 = arith.addi %mul3A_429, %add3A_487 : i32
      %swap3A_489 = arith.index_cast %add3A_488 : i32 to index
      %swap3A_490 = arith.constant 48 : index
      %swap3A_491 = tpu.vector_load %arg10[%swap3A_489, %swap3A_490] {strides = array<i32>} : memref<512x128xf32, #tpu.memory_space<vmem>>, vector<16xf32>,
      tpu.vector_store %arg10[%swap3A_489, %swap3A_490], %add3A_486 {strides = array<i32>} : memref<512x128xf32, #tpu.memory_space<vmem>>, vector<16xf32>,
      %add3A_492 = arith.constant 0 : i32
      %add3A_493 = arith.addi %mul3A_429, %add3A_492 : i32
      %get3A_494 = arith.index_cast %add3A_493 : i32 to index
      %get3A_495 = arith.constant 64 : index
      %get3A_496 = tpu.vector_load %arg10[%get3A_494, %get3A_495] {strides = array<i32>} : memref<512x128xf32, #tpu.memory_space<vmem>>, vector<16xf32>,
      %mul3A_497 = vector.broadcast %squeeze3A_435 : f32 to vector<16xf32>
      %mul3A_498 = arith.mulf %get3A_496, %mul3A_497 : vector<16xf32>
      %add3A_499 = vector.broadcast %squeeze3A : f32 to vector<16xf32>
      %add3A_500 = arith.addf %mul3A_498, %add3A_499 : vector<16xf32>
      %add3A_501 = arith.constant 0 : i32
      %add3A_502 = arith.addi %mul3A_429, %add3A_501 : i32
      %swap3A_503 = arith.index_cast %add3A_502 : i32 to index
      %swap3A_504 = arith.constant 64 : index
      %swap3A_505 = tpu.vector_load %arg10[%swap3A_503, %swap3A_504] {strides = array<i32>} : memref<512x128xf32, #tpu.memory_space<vmem>>, vector<16xf32>,
      tpu.vector_store %arg10[%swap3A_503, %swap3A_504], %add3A_500 {strides = array<i32>} : memref<512x128xf32, #tpu.memory_space<vmem>>, vector<16xf32>,
      %add3A_506 = arith.constant 0 : i32
      %add3A_507 = arith.addi %mul3A_429, %add3A_506 : i32
      %get3A_508 = arith.index_cast %add3A_507 : i32 to index
      %get3A_509 = arith.constant 80 : index
      %get3A_510 = tpu.vector_load %arg10[%get3A_508, %get3A_509] {strides = array<i32>} : memref<512x128xf32, #tpu.memory_space<vmem>>, vector<16xf32>,
      %mul3A_511 = vector.broadcast %squeeze3A_435 : f32 to vector<16xf32>
      %mul3A_512 = arith.mulf %get3A_510, %mul3A_511 : vector<16xf32>
      %add3A_513 = vector.broadcast %squeeze3A : f32 to vector<16xf32>
      %add3A_514 = arith.addf %mul3A_512, %add3A_513 : vector<16xf32>
      %add3A_515 = arith.constant 0 : i32
      %add3A_516 = arith.addi %mul3A_429, %add3A_515 : i32
      %swap3A_517 = arith.index_cast %add3A_516 : i32 to index
      %swap3A_518 = arith.constant 80 : index
      %swap3A_519 = tpu.vector_load %arg10[%swap3A_517, %swap3A_518] {strides = array<i32>} : memref<512x128xf32, #tpu.memory_space<vmem>>, vector<16xf32>,
      tpu.vector_store %arg10[%swap3A_517, %swap3A_518], %add3A_514 {strides = array<i32>} : memref<512x128xf32, #tpu.memory_space<vmem>>, vector<16xf32>,
      %add3A_520 = arith.constant 0 : i32
      %add3A_521 = arith.addi %mul3A_429, %add3A_520 : i32
      %get3A_522 = arith.index_cast %add3A_521 : i32 to index
      %get3A_523 = arith.constant 96 : index
      %get3A_524 = tpu.vector_load %arg10[%get3A_522, %get3A_523] {strides = array<i32>} : memref<512x128xf32, #tpu.memory_space<vmem>>, vector<16xf32>,
      %mul3A_525 = vector.broadcast %squeeze3A_435 : f32 to vector<16xf32>
      %mul3A_526 = arith.mulf %get3A_524, %mul3A_525 : vector<16xf32>
      %add3A_527 = vector.broadcast %squeeze3A : f32 to vector<16xf32>
      %add3A_528 = arith.addf %mul3A_526, %add3A_527 : vector<16xf32>
      %add3A_529 = arith.constant 0 : i32
      %add3A_530 = arith.addi %mul3A_429, %add3A_529 : i32
      %swap3A_531 = arith.index_cast %add3A_530 : i32 to index
      %swap3A_532 = arith.constant 96 : index
      %swap3A_533 = tpu.vector_load %arg10[%swap3A_531, %swap3A_532] {strides = array<i32>} : memref<512x128xf32, #tpu.memory_space<vmem>>, vector<16xf32>,
      tpu.vector_store %arg10[%swap3A_531, %swap3A_532], %add3A_528 {strides = array<i32>} : memref<512x128xf32, #tpu.memory_space<vmem>>, vector<16xf32>,
      %add3A_534 = arith.constant 0 : i32
      %add3A_535 = arith.addi %mul3A_429, %add3A_534 : i32
      %get3A_536 = arith.index_cast %add3A_535 : i32 to index
      %get3A_537 = arith.constant 112 : index
      %get3A_538 = tpu.vector_load %arg10[%get3A_536, %get3A_537] {strides = array<i32>} : memref<512x128xf32, #tpu.memory_space<vmem>>, vector<16xf32>,
      %mul3A_539 = vector.broadcast %squeeze3A_435 : f32 to vector<16xf32>
      %mul3A_540 = arith.mulf %get3A_538, %mul3A_539 : vector<16xf32>
      %add3A_541 = vector.broadcast %squeeze3A : f32 to vector<16xf32>
      %add3A_542 = arith.addf %mul3A_540, %add3A_541 : vector<16xf32>
      %add3A_543 = arith.constant 0 : i32
      %add3A_544 = arith.addi %mul3A_429, %add3A_543 : i32
      %swap3A_545 = arith.index_cast %add3A_544 : i32 to index
      %swap3A_546 = arith.constant 112 : index
      %swap3A_547 = tpu.vector_load %arg10[%swap3A_545, %swap3A_546] {strides = array<i32>} : memref<512x128xf32, #tpu.memory_space<vmem>>, vector<16xf32>,
      tpu.vector_store %arg10[%swap3A_545, %swap3A_546], %add3A_542 {strides = array<i32>} : memref<512x128xf32, #tpu.memory_space<vmem>>, vector<16xf32>,
      %slice3A_548 = vector.extract_strided_slice %get3A_431 {offsets = [1], sizes = [1], strides = [1]} : vector<16xf32> to vector<1xf32>
      %squeeze3A_549 = vector.extract %slice3A_548[0] : f32 from vector<1xf32>
      %slice3A_550 = vector.extract_strided_slice %sub3A {offsets = [1], sizes = [1], strides = [1]} : vector<16xf32> to vector<1xf32>
      %squeeze3A_551 = vector.extract %slice3A_550[0] : f32 from vector<1xf32>
      %add3A_552 = arith.constant 1 : i32
      %add3A_553 = arith.addi %mul3A_429, %add3A_552 : i32
      %get3A_554 = arith.index_cast %add3A_553 : i32 to index
      %get3A_555 = arith.constant 0 : index
      %get3A_556 = tpu.vector_load %arg10[%get3A_554, %get3A_555] {strides = array<i32>} : memref<512x128xf32, #tpu.memory_space<vmem>>, vector<16xf32>,
      %mul3A_557 = vector.broadcast %squeeze3A_551 : f32 to vector<16xf32>
      %mul3A_558 = arith.mulf %get3A_556, %mul3A_557 : vector<16xf32>
      %add3A_559 = vector.broadcast %squeeze3A_549 : f32 to vector<16xf32>
      %add3A_560 = arith.addf %mul3A_558, %add3A_559 : vector<16xf32>
      %add3A_561 = arith.constant 1 : i32
      %add3A_562 = arith.addi %mul3A_429, %add3A_561 : i32
      %swap3A_563 = arith.index_cast %add3A_562 : i32 to index
      %swap3A_564 = arith.constant 0 : index
      %swap3A_565 = tpu.vector_load %arg10[%swap3A_563, %swap3A_564] {strides = array<i32>} : memref<512x128xf32, #tpu.memory_space<vmem>>, vector<16xf32>,
      tpu.vector_store %arg10[%swap3A_563, %swap3A_564], %add3A_560 {strides = array<i32>} : memref<512x128xf32, #tpu.memory_space<vmem>>, vector<16xf32>,
      %add3A_566 = arith.constant 1 : i32
      %add3A_567 = arith.addi %mul3A_429, %add3A_566 : i32
      %get3A_568 = arith.index_cast %add3A_567 : i32 to index
      %get3A_569 = arith.constant 16 : index
      %get3A_570 = tpu.vector_load %arg10[%get3A_568, %get3A_569] {strides = array<i32>} : memref<512x128xf32, #tpu.memory_space<vmem>>, vector<16xf32>,
      %mul3A_571 = vector.broadcast %squeeze3A_551 : f32 to vector<16xf32>
      %mul3A_572 = arith.mulf %get3A_570, %mul3A_571 : vector<16xf32>
      %add3A_573 = vector.broadcast %squeeze3A_549 : f32 to vector<16xf32>
      %add3A_574 = arith.addf %mul3A_572, %add3A_573 : vector<16xf32>
      %add3A_575 = arith.constant 1 : i32
      %add3A_576 = arith.addi %mul3A_429, %add3A_575 : i32
      %swap3A_577 = arith.index_cast %add3A_576 : i32 to index
      %swap3A_578 = arith.constant 16 : index
      %swap3A_579 = tpu.vector_load %arg10[%swap3A_577, %swap3A_578] {strides = array<i32>} : memref<512x128xf32, #tpu.memory_space<vmem>>, vector<16xf32>,
      tpu.vector_store %arg10[%swap3A_577, %swap3A_578], %add3A_574 {strides = array<i32>} : memref<512x128xf32, #tpu.memory_space<vmem>>, vector<16xf32>,
      %add3A_580 = arith.constant 1 : i32
      %add3A_581 = arith.addi %mul3A_429, %add3A_580 : i32
      %get3A_582 = arith.index_cast %add3A_581 : i32 to index
      %get3A_583 = arith.constant 32 : index
      %get3A_584 = tpu.vector_load %arg10[%get3A_582, %get3A_583] {strides = array<i32>} : memref<512x128xf32, #tpu.memory_space<vmem>>, vector<16xf32>,
      %mul3A_585 = vector.broadcast %squeeze3A_551 : f32 to vector<16xf32>
      %mul3A_586 = arith.mulf %get3A_584, %mul3A_585 : vector<16xf32>
      %add3A_587 = vector.broadcast %squeeze3A_549 : f32 to vector<16xf32>
      %add3A_588 = arith.addf %mul3A_586, %add3A_587 : vector<16xf32>
      %add3A_589 = arith.constant 1 : i32
      %add3A_590 = arith.addi %mul3A_429, %add3A_589 : i32
      %swap3A_591 = arith.index_cast %add3A_590 : i32 to index
      %swap3A_592 = arith.constant 32 : index
      %swap3A_593 = tpu.vector_load %arg10[%swap3A_591, %swap3A_592] {strides = array<i32>} : memref<512x128xf32, #tpu.memory_space<vmem>>, vector<16xf32>,
      tpu.vector_store %arg10[%swap3A_591, %swap3A_592], %add3A_588 {strides = array<i32>} : memref<512x128xf32, #tpu.memory_space<vmem>>, vector<16xf32>,
      %add3A_594 = arith.constant 1 : i32
      %add3A_595 = arith.addi %mul3A_429, %add3A_594 : i32
      %get3A_596 = arith.index_cast %add3A_595 : i32 to index
      %get3A_597 = arith.constant 48 : index
      %get3A_598 = tpu.vector_load %arg10[%get3A_596, %get3A_597] {strides = array<i32>} : memref<512x128xf32, #tpu.memory_space<vmem>>, vector<16xf32>,
      %mul3A_599 = vector.broadcast %squeeze3A_551 : f32 to vector<16xf32>
      %mul3A_600 = arith.mulf %get3A_598, %mul3A_599 : vector<16xf32>
      %add3A_601 = vector.broadcast %squeeze3A_549 : f32 to vector<16xf32>
      %add3A_602 = arith.addf %mul3A_600, %add3A_601 : vector<16xf32>
      %add3A_603 = arith.constant 1 : i32
      %add3A_604 = arith.addi %mul3A_429, %add3A_603 : i32
      %swap3A_605 = arith.index_cast %add3A_604 : i32 to index
      %swap3A_606 = arith.constant 48 : index
      %swap3A_607 = tpu.vector_load %arg10[%swap3A_605, %swap3A_606] {strides = array<i32>} : memref<512x128xf32, #tpu.memory_space<vmem>>, vector<16xf32>,
      tpu.vector_store %arg10[%swap3A_605, %swap3A_606], %add3A_602 {strides = array<i32>} : memref<512x128xf32, #tpu.memory_space<vmem>>, vector<16xf32>,
      %add3A_608 = arith.constant 1 : i32
      %add3A_609 = arith.addi %mul3A_429, %add3A_608 : i32
      %get3A_610 = arith.index_cast %add3A_609 : i32 to index
      %get3A_611 = arith.constant 64 : index
      %get3A_612 = tpu.vector_load %arg10[%get3A_610, %get3A_611] {strides = array<i32>} : memref<512x128xf32, #tpu.memory_space<vmem>>, vector<16xf32>,
      %mul3A_613 = vector.broadcast %squeeze3A_551 : f32 to vector<16xf32>
      %mul3A_614 = arith.mulf %get3A_612, %mul3A_613 : vector<16xf32>
      %add3A_615 = vector.broadcast %squeeze3A_549 : f32 to vector<16xf32>
      %add3A_616 = arith.addf %mul3A_614, %add3A_615 : vector<16xf32>
      %add3A_617 = arith.constant 1 : i32
      %add3A_618 = arith.addi %mul3A_429, %add3A_617 : i32
      %swap3A_619 = arith.index_cast %add3A_618 : i32 to index
      %swap3A_620 = arith.constant 64 : index
      %swap3A_621 = tpu.vector_load %arg10[%swap3A_619, %swap3A_620] {strides = array<i32>} : memref<512x128xf32, #tpu.memory_space<vmem>>, vector<16xf32>,
      tpu.vector_store %arg10[%swap3A_619, %swap3A_620], %add3A_616 {strides = array<i32>} : memref<512x128xf32, #tpu.memory_space<vmem>>, vector<16xf32>,
      %add3A_622 = arith.constant 1 : i32
      %add3A_623 = arith.addi %mul3A_429, %add3A_622 : i32
      %get3A_624 = arith.index_cast %add3A_623 : i32 to index
      %get3A_625 = arith.constant 80 : index
      %get3A_626 = tpu.vector_load %arg10[%get3A_624, %get3A_625] {strides = array<i32>} : memref<512x128xf32, #tpu.memory_space<vmem>>, vector<16xf32>,
      %mul3A_627 = vector.broadcast %squeeze3A_551 : f32 to vector<16xf32>
      %mul3A_628 = arith.mulf %get3A_626, %mul3A_627 : vector<16xf32>
      %add3A_629 = vector.broadcast %squeeze3A_549 : f32 to vector<16xf32>
      %add3A_630 = arith.addf %mul3A_628, %add3A_629 : vector<16xf32>
      %add3A_631 = arith.constant 1 : i32
      %add3A_632 = arith.addi %mul3A_429, %add3A_631 : i32
      %swap3A_633 = arith.index_cast %add3A_632 : i32 to index
      %swap3A_634 = arith.constant 80 : index
      %swap3A_635 = tpu.vector_load %arg10[%swap3A_633, %swap3A_634] {strides = array<i32>} : memref<512x128xf32, #tpu.memory_space<vmem>>, vector<16xf32>,
      tpu.vector_store %arg10[%swap3A_633, %swap3A_634], %add3A_630 {strides = array<i32>} : memref<512x128xf32, #tpu.memory_space<vmem>>, vector<16xf32>,
      %add3A_636 = arith.constant 1 : i32
      %add3A_637 = arith.addi %mul3A_429, %add3A_636 : i32
      %get3A_638 = arith.index_cast %add3A_637 : i32 to index
      %get3A_639 = arith.constant 96 : index
      %get3A_640 = tpu.vector_load %arg10[%get3A_638, %get3A_639] {strides = array<i32>} : memref<512x128xf32, #tpu.memory_space<vmem>>, vector<16xf32>,
      %mul3A_641 = vector.broadcast %squeeze3A_551 : f32 to vector<16xf32>
      %mul3A_642 = arith.mulf %get3A_640, %mul3A_641 : vector<16xf32>
      %add3A_643 = vector.broadcast %squeeze3A_549 : f32 to vector<16xf32>
      %add3A_644 = arith.addf %mul3A_642, %add3A_643 : vector<16xf32>
      %add3A_645 = arith.constant 1 : i32
      %add3A_646 = arith.addi %mul3A_429, %add3A_645 : i32
      %swap3A_647 = arith.index_cast %add3A_646 : i32 to index
      %swap3A_648 = arith.constant 96 : index
      %swap3A_649 = tpu.vector_load %arg10[%swap3A_647, %swap3A_648] {strides = array<i32>} : memref<512x128xf32, #tpu.memory_space<vmem>>, vector<16xf32>,
      tpu.vector_store %arg10[%swap3A_647, %swap3A_648], %add3A_644 {strides = array<i32>} : memref<512x128xf32, #tpu.memory_space<vmem>>, vector<16xf32>,
      %add3A_650 = arith.constant 1 : i32
      %add3A_651 = arith.addi %mul3A_429, %add3A_650 : i32
      %get3A_652 = arith.index_cast %add3A_651 : i32 to index
      %get3A_653 = arith.constant 112 : index
      %get3A_654 = tpu.vector_load %arg10[%get3A_652, %get3A_653] {strides = array<i32>} : memref<512x128xf32, #tpu.memory_space<vmem>>, vector<16xf32>,
      %mul3A_655 = vector.broadcast %squeeze3A_551 : f32 to vector<16xf32>
      %mul3A_656 = arith.mulf %get3A_654, %mul3A_655 : vector<16xf32>
      %add3A_657 = vector.broadcast %squeeze3A_549 : f32 to vector<16xf32>
      %add3A_658 = arith.addf %mul3A_656, %add3A_657 : vector<16xf32>
      %add3A_659 = arith.constant 1 : i32
      %add3A_660 = arith.addi %mul3A_429, %add3A_659 : i32
      %swap3A_661 = arith.index_cast %add3A_660 : i32 to index
      %swap3A_662 = arith.constant 112 : index
      %swap3A_663 = tpu.vector_load %arg10[%swap3A_661, %swap3A_662] {strides = array<i32>} : memref<512x128xf32, #tpu.memory_space<vmem>>, vector<16xf32>,
      tpu.vector_store %arg10[%swap3A_661, %swap3A_662], %add3A_658 {strides = array<i32>} : memref<512x128xf32, #tpu.memory_space<vmem>>, vector<16xf32>,
      %slice3A_664 = vector.extract_strided_slice %get3A_431 {offsets = [2], sizes = [1], strides = [1]} : vector<16xf32> to vector<1xf32>
      %squeeze3A_665 = vector.extract %slice3A_664[0] : f32 from vector<1xf32>
      %slice3A_666 = vector.extract_strided_slice %sub3A {offsets = [2], sizes = [1], strides = [1]} : vector<16xf32> to vector<1xf32>
      %squeeze3A_667 = vector.extract %slice3A_666[0] : f32 from vector<1xf32>
      %add3A_668 = arith.constant 2 : i32
      %add3A_669 = arith.addi %mul3A_429, %add3A_668 : i32
      %get3A_670 = arith.index_cast %add3A_669 : i32 to index
      %get3A_671 = arith.constant 0 : index
      %get3A_672 = tpu.vector_load %arg10[%get3A_670, %get3A_671] {strides = array<i32>} : memref<512x128xf32, #tpu.memory_space<vmem>>, vector<16xf32>,
      %mul3A_673 = vector.broadcast %squeeze3A_667 : f32 to vector<16xf32>
      %mul3A_674 = arith.mulf %get3A_672, %mul3A_673 : vector<16xf32>
      %add3A_675 = vector.broadcast %squeeze3A_665 : f32 to vector<16xf32>
      %add3A_676 = arith.addf %mul3A_674, %add3A_675 : vector<16xf32>
      %add3A_677 = arith.constant 2 : i32
      %add3A_678 = arith.addi %mul3A_429, %add3A_677 : i32
      %swap3A_679 = arith.index_cast %add3A_678 : i32 to index
      %swap3A_680 = arith.constant 0 : index
      %swap3A_681 = tpu.vector_load %arg10[%swap3A_679, %swap3A_680] {strides = array<i32>} : memref<512x128xf32, #tpu.memory_space<vmem>>, vector<16xf32>,
      tpu.vector_store %arg10[%swap3A_679, %swap3A_680], %add3A_676 {strides = array<i32>} : memref<512x128xf32, #tpu.memory_space<vmem>>, vector<16xf32>,
      %add3A_682 = arith.constant 2 : i32
      %add3A_683 = arith.addi %mul3A_429, %add3A_682 : i32
      %get3A_684 = arith.index_cast %add3A_683 : i32 to index
      %get3A_685 = arith.constant 16 : index
      %get3A_686 = tpu.vector_load %arg10[%get3A_684, %get3A_685] {strides = array<i32>} : memref<512x128xf32, #tpu.memory_space<vmem>>, vector<16xf32>,
      %mul3A_687 = vector.broadcast %squeeze3A_667 : f32 to vector<16xf32>
      %mul3A_688 = arith.mulf %get3A_686, %mul3A_687 : vector<16xf32>
      %add3A_689 = vector.broadcast %squeeze3A_665 : f32 to vector<16xf32>
      %add3A_690 = arith.addf %mul3A_688, %add3A_689 : vector<16xf32>
      %add3A_691 = arith.constant 2 : i32
      %add3A_692 = arith.addi %mul3A_429, %add3A_691 : i32
      %swap3A_693 = arith.index_cast %add3A_692 : i32 to index
      %swap3A_694 = arith.constant 16 : index
      %swap3A_695 = tpu.vector_load %arg10[%swap3A_693, %swap3A_694] {strides = array<i32>} : memref<512x128xf32, #tpu.memory_space<vmem>>, vector<16xf32>,
      tpu.vector_store %arg10[%swap3A_693, %swap3A_694], %add3A_690 {strides = array<i32>} : memref<512x128xf32, #tpu.memory_space<vmem>>, vector<16xf32>,
      %add3A_696 = arith.constant 2 : i32
      %add3A_697 = arith.addi %mul3A_429, %add3A_696 : i32
      %get3A_698 = arith.index_cast %add3A_697 : i32 to index
      %get3A_699 = arith.constant 32 : index
      %get3A_700 = tpu.vector_load %arg10[%get3A_698, %get3A_699] {strides = array<i32>} : memref<512x128xf32, #tpu.memory_space<vmem>>, vector<16xf32>,
      %mul3A_701 = vector.broadcast %squeeze3A_667 : f32 to vector<16xf32>
      %mul3A_702 = arith.mulf %get3A_700, %mul3A_701 : vector<16xf32>
      %add3A_703 = vector.broadcast %squeeze3A_665 : f32 to vector<16xf32>
      %add3A_704 = arith.addf %mul3A_702, %add3A_703 : vector<16xf32>
      %add3A_705 = arith.constant 2 : i32
      %add3A_706 = arith.addi %mul3A_429, %add3A_705 : i32
      %swap3A_707 = arith.index_cast %add3A_706 : i32 to index
      %swap3A_708 = arith.constant 32 : index
      %swap3A_709 = tpu.vector_load %arg10[%swap3A_707, %swap3A_708] {strides = array<i32>} : memref<512x128xf32, #tpu.memory_space<vmem>>, vector<16xf32>,
      tpu.vector_store %arg10[%swap3A_707, %swap3A_708], %add3A_704 {strides = array<i32>} : memref<512x128xf32, #tpu.memory_space<vmem>>, vector<16xf32>,
      %add3A_710 = arith.constant 2 : i32
      %add3A_711 = arith.addi %mul3A_429, %add3A_710 : i32
      %get3A_712 = arith.index_cast %add3A_711 : i32 to index
      %get3A_713 = arith.constant 48 : index
      %get3A_714 = tpu.vector_load %arg10[%get3A_712, %get3A_713] {strides = array<i32>} : memref<512x128xf32, #tpu.memory_space<vmem>>, vector<16xf32>,
      %mul3A_715 = vector.broadcast %squeeze3A_667 : f32 to vector<16xf32>
      %mul3A_716 = arith.mulf %get3A_714, %mul3A_715 : vector<16xf32>
      %add3A_717 = vector.broadcast %squeeze3A_665 : f32 to vector<16xf32>
      %add3A_718 = arith.addf %mul3A_716, %add3A_717 : vector<16xf32>
      %add3A_719 = arith.constant 2 : i32
      %add3A_720 = arith.addi %mul3A_429, %add3A_719 : i32
      %swap3A_721 = arith.index_cast %add3A_720 : i32 to index
      %swap3A_722 = arith.constant 48 : index
      %swap3A_723 = tpu.vector_load %arg10[%swap3A_721, %swap3A_722] {strides = array<i32>} : memref<512x128xf32, #tpu.memory_space<vmem>>, vector<16xf32>,
      tpu.vector_store %arg10[%swap3A_721, %swap3A_722], %add3A_718 {strides = array<i32>} : memref<512x128xf32, #tpu.memory_space<vmem>>, vector<16xf32>,
      %add3A_724 = arith.constant 2 : i32
      %add3A_725 = arith.addi %mul3A_429, %add3A_724 : i32
      %get3A_726 = arith.index_cast %add3A_725 : i32 to index
      %get3A_727 = arith.constant 64 : index
      %get3A_728 = tpu.vector_load %arg10[%get3A_726, %get3A_727] {strides = array<i32>} : memref<512x128xf32, #tpu.memory_space<vmem>>, vector<16xf32>,
      %mul3A_729 = vector.broadcast %squeeze3A_667 : f32 to vector<16xf32>
      %mul3A_730 = arith.mulf %get3A_728, %mul3A_729 : vector<16xf32>
      %add3A_731 = vector.broadcast %squeeze3A_665 : f32 to vector<16xf32>
      %add3A_732 = arith.addf %mul3A_730, %add3A_731 : vector<16xf32>
      %add3A_733 = arith.constant 2 : i32
      %add3A_734 = arith.addi %mul3A_429, %add3A_733 : i32
      %swap3A_735 = arith.index_cast %add3A_734 : i32 to index
      %swap3A_736 = arith.constant 64 : index
      %swap3A_737 = tpu.vector_load %arg10[%swap3A_735, %swap3A_736] {strides = array<i32>} : memref<512x128xf32, #tpu.memory_space<vmem>>, vector<16xf32>,
      tpu.vector_store %arg10[%swap3A_735, %swap3A_736], %add3A_732 {strides = array<i32>} : memref<512x128xf32, #tpu.memory_space<vmem>>, vector<16xf32>,
      %add3A_738 = arith.constant 2 : i32
      %add3A_739 = arith.addi %mul3A_429, %add3A_738 : i32
      %get3A_740 = arith.index_cast %add3A_739 : i32 to index
      %get3A_741 = arith.constant 80 : index
      %get3A_742 = tpu.vector_load %arg10[%get3A_740, %get3A_741] {strides = array<i32>} : memref<512x128xf32, #tpu.memory_space<vmem>>, vector<16xf32>,
      %mul3A_743 = vector.broadcast %squeeze3A_667 : f32 to vector<16xf32>
      %mul3A_744 = arith.mulf %get3A_742, %mul3A_743 : vector<16xf32>
      %add3A_745 = vector.broadcast %squeeze3A_665 : f32 to vector<16xf32>
      %add3A_746 = arith.addf %mul3A_744, %add3A_745 : vector<16xf32>
      %add3A_747 = arith.constant 2 : i32
      %add3A_748 = arith.addi %mul3A_429, %add3A_747 : i32
      %swap3A_749 = arith.index_cast %add3A_748 : i32 to index
      %swap3A_750 = arith.constant 80 : index
      %swap3A_751 = tpu.vector_load %arg10[%swap3A_749, %swap3A_750] {strides = array<i32>} : memref<512x128xf32, #tpu.memory_space<vmem>>, vector<16xf32>,
      tpu.vector_store %arg10[%swap3A_749, %swap3A_750], %add3A_746 {strides = array<i32>} : memref<512x128xf32, #tpu.memory_space<vmem>>, vector<16xf32>,
      %add3A_752 = arith.constant 2 : i32
      %add3A_753 = arith.addi %mul3A_429, %add3A_752 : i32
      %get3A_754 = arith.index_cast %add3A_753 : i32 to index
      %get3A_755 = arith.constant 96 : index
      %get3A_756 = tpu.vector_load %arg10[%get3A_754, %get3A_755] {strides = array<i32>} : memref<512x128xf32, #tpu.memory_space<vmem>>, vector<16xf32>,
      %mul3A_757 = vector.broadcast %squeeze3A_667 : f32 to vector<16xf32>
      %mul3A_758 = arith.mulf %get3A_756, %mul3A_757 : vector<16xf32>
      %add3A_759 = vector.broadcast %squeeze3A_665 : f32 to vector<16xf32>
      %add3A_760 = arith.addf %mul3A_758, %add3A_759 : vector<16xf32>
      %add3A_761 = arith.constant 2 : i32
      %add3A_762 = arith.addi %mul3A_429, %add3A_761 : i32
      %swap3A_763 = arith.index_cast %add3A_762 : i32 to index
      %swap3A_764 = arith.constant 96 : index
      %swap3A_765 = tpu.vector_load %arg10[%swap3A_763, %swap3A_764] {strides = array<i32>} : memref<512x128xf32, #tpu.memory_space<vmem>>, vector<16xf32>,
      tpu.vector_store %arg10[%swap3A_763, %swap3A_764], %add3A_760 {strides = array<i32>} : memref<512x128xf32, #tpu.memory_space<vmem>>, vector<16xf32>,
      %add3A_766 = arith.constant 2 : i32
      %add3A_767 = arith.addi %mul3A_429, %add3A_766 : i32
      %get3A_768 = arith.index_cast %add3A_767 : i32 to index
      %get3A_769 = arith.constant 112 : index
      %get3A_770 = tpu.vector_load %arg10[%get3A_768, %get3A_769] {strides = array<i32>} : memref<512x128xf32, #tpu.memory_space<vmem>>, vector<16xf32>,
      %mul3A_771 = vector.broadcast %squeeze3A_667 : f32 to vector<16xf32>
      %mul3A_772 = arith.mulf %get3A_770, %mul3A_771 : vector<16xf32>
      %add3A_773 = vector.broadcast %squeeze3A_665 : f32 to vector<16xf32>
      %add3A_774 = arith.addf %mul3A_772, %add3A_773 : vector<16xf32>
      %add3A_775 = arith.constant 2 : i32
      %add3A_776 = arith.addi %mul3A_429, %add3A_775 : i32
      %swap3A_777 = arith.index_cast %add3A_776 : i32 to index
      %swap3A_778 = arith.constant 112 : index
      %swap3A_779 = tpu.vector_load %arg10[%swap3A_777, %swap3A_778] {strides = array<i32>} : memref<512x128xf32, #tpu.memory_space<vmem>>, vector<16xf32>,
      tpu.vector_store %arg10[%swap3A_777, %swap3A_778], %add3A_774 {strides = array<i32>} : memref<512x128xf32, #tpu.memory_space<vmem>>, vector<16xf32>,
      %slice3A_780 = vector.extract_strided_slice %get3A_431 {offsets = [3], sizes = [1], strides = [1]} : vector<16xf32> to vector<1xf32>
      %squeeze3A_781 = vector.extract %slice3A_780[0] : f32 from vector<1xf32>
      %slice3A_782 = vector.extract_strided_slice %sub3A {offsets = [3], sizes = [1], strides = [1]} : vector<16xf32> to vector<1xf32>
      %squeeze3A_783 = vector.extract %slice3A_782[0] : f32 from vector<1xf32>
      %add3A_784 = arith.constant 3 : i32
      %add3A_785 = arith.addi %mul3A_429, %add3A_784 : i32
      %get3A_786 = arith.index_cast %add3A_785 : i32 to index
      %get3A_787 = arith.constant 0 : index
      %get3A_788 = tpu.vector_load %arg10[%get3A_786, %get3A_787] {strides = array<i32>} : memref<512x128xf32, #tpu.memory_space<vmem>>, vector<16xf32>,
      %mul3A_789 = vector.broadcast %squeeze3A_783 : f32 to vector<16xf32>
      %mul3A_790 = arith.mulf %get3A_788, %mul3A_789 : vector<16xf32>
      %add3A_791 = vector.broadcast %squeeze3A_781 : f32 to vector<16xf32>
      %add3A_792 = arith.addf %mul3A_790, %add3A_791 : vector<16xf32>
      %add3A_793 = arith.constant 3 : i32
      %add3A_794 = arith.addi %mul3A_429, %add3A_793 : i32
      %swap3A_795 = arith.index_cast %add3A_794 : i32 to index
      %swap3A_796 = arith.constant 0 : index
      %swap3A_797 = tpu.vector_load %arg10[%swap3A_795, %swap3A_796] {strides = array<i32>} : memref<512x128xf32, #tpu.memory_space<vmem>>, vector<16xf32>,
      tpu.vector_store %arg10[%swap3A_795, %swap3A_796], %add3A_792 {strides = array<i32>} : memref<512x128xf32, #tpu.memory_space<vmem>>, vector<16xf32>,
      %add3A_798 = arith.constant 3 : i32
      %add3A_799 = arith.addi %mul3A_429, %add3A_798 : i32
      %get3A_800 = arith.index_cast %add3A_799 : i32 to index
      %get3A_801 = arith.constant 16 : index
      %get3A_802 = tpu.vector_load %arg10[%get3A_800, %get3A_801] {strides = array<i32>} : memref<512x128xf32, #tpu.memory_space<vmem>>, vector<16xf32>,
      %mul3A_803 = vector.broadcast %squeeze3A_783 : f32 to vector<16xf32>
      %mul3A_804 = arith.mulf %get3A_802, %mul3A_803 : vector<16xf32>
      %add3A_805 = vector.broadcast %squeeze3A_781 : f32 to vector<16xf32>
      %add3A_806 = arith.addf %mul3A_804, %add3A_805 : vector<16xf32>
      %add3A_807 = arith.constant 3 : i32
      %add3A_808 = arith.addi %mul3A_429, %add3A_807 : i32
      %swap3A_809 = arith.index_cast %add3A_808 : i32 to index
      %swap3A_810 = arith.constant 16 : index
      %swap3A_811 = tpu.vector_load %arg10[%swap3A_809, %swap3A_810] {strides = array<i32>} : memref<512x128xf32, #tpu.memory_space<vmem>>, vector<16xf32>,
      tpu.vector_store %arg10[%swap3A_809, %swap3A_810], %add3A_806 {strides = array<i32>} : memref<512x128xf32, #tpu.memory_space<vmem>>, vector<16xf32>,
      %add3A_812 = arith.constant 3 : i32
      %add3A_813 = arith.addi %mul3A_429, %add3A_812 : i32
      %get3A_814 = arith.index_cast %add3A_813 : i32 to index
      %get3A_815 = arith.constant 32 : index
      %get3A_816 = tpu.vector_load %arg10[%get3A_814, %get3A_815] {strides = array<i32>} : memref<512x128xf32, #tpu.memory_space<vmem>>, vector<16xf32>,
      %mul3A_817 = vector.broadcast %squeeze3A_783 : f32 to vector<16xf32>
      %mul3A_818 = arith.mulf %get3A_816, %mul3A_817 : vector<16xf32>
      %add3A_819 = vector.broadcast %squeeze3A_781 : f32 to vector<16xf32>
      %add3A_820 = arith.addf %mul3A_818, %add3A_819 : vector<16xf32>
      %add3A_821 = arith.constant 3 : i32
      %add3A_822 = arith.addi %mul3A_429, %add3A_821 : i32
      %swap3A_823 = arith.index_cast %add3A_822 : i32 to index
      %swap3A_824 = arith.constant 32 : index
      %swap3A_825 = tpu.vector_load %arg10[%swap3A_823, %swap3A_824] {strides = array<i32>} : memref<512x128xf32, #tpu.memory_space<vmem>>, vector<16xf32>,
      tpu.vector_store %arg10[%swap3A_823, %swap3A_824], %add3A_820 {strides = array<i32>} : memref<512x128xf32, #tpu.memory_space<vmem>>, vector<16xf32>,
      %add3A_826 = arith.constant 3 : i32
      %add3A_827 = arith.addi %mul3A_429, %add3A_826 : i32
      %get3A_828 = arith.index_cast %add3A_827 : i32 to index
      %get3A_829 = arith.constant 48 : index
      %get3A_830 = tpu.vector_load %arg10[%get3A_828, %get3A_829] {strides = array<i32>} : memref<512x128xf32, #tpu.memory_space<vmem>>, vector<16xf32>,
      %mul3A_831 = vector.broadcast %squeeze3A_783 : f32 to vector<16xf32>
      %mul3A_832 = arith.mulf %get3A_830, %mul3A_831 : vector<16xf32>
      %add3A_833 = vector.broadcast %squeeze3A_781 : f32 to vector<16xf32>
      %add3A_834 = arith.addf %mul3A_832, %add3A_833 : vector<16xf32>
      %add3A_835 = arith.constant 3 : i32
      %add3A_836 = arith.addi %mul3A_429, %add3A_835 : i32
      %swap3A_837 = arith.index_cast %add3A_836 : i32 to index
      %swap3A_838 = arith.constant 48 : index
      %swap3A_839 = tpu.vector_load %arg10[%swap3A_837, %swap3A_838] {strides = array<i32>} : memref<512x128xf32, #tpu.memory_space<vmem>>, vector<16xf32>,
      tpu.vector_store %arg10[%swap3A_837, %swap3A_838], %add3A_834 {strides = array<i32>} : memref<512x128xf32, #tpu.memory_space<vmem>>, vector<16xf32>,
      %add3A_840 = arith.constant 3 : i32
      %add3A_841 = arith.addi %mul3A_429, %add3A_840 : i32
      %get3A_842 = arith.index_cast %add3A_841 : i32 to index
      %get3A_843 = arith.constant 64 : index
      %get3A_844 = tpu.vector_load %arg10[%get3A_842, %get3A_843] {strides = array<i32>} : memref<512x128xf32, #tpu.memory_space<vmem>>, vector<16xf32>,
      %mul3A_845 = vector.broadcast %squeeze3A_783 : f32 to vector<16xf32>
      %mul3A_846 = arith.mulf %get3A_844, %mul3A_845 : vector<16xf32>
      %add3A_847 = vector.broadcast %squeeze3A_781 : f32 to vector<16xf32>
      %add3A_848 = arith.addf %mul3A_846, %add3A_847 : vector<16xf32>
      %add3A_849 = arith.constant 3 : i32
      %add3A_850 = arith.addi %mul3A_429, %add3A_849 : i32
      %swap3A_851 = arith.index_cast %add3A_850 : i32 to index
      %swap3A_852 = arith.constant 64 : index
      %swap3A_853 = tpu.vector_load %arg10[%swap3A_851, %swap3A_852] {strides = array<i32>} : memref<512x128xf32, #tpu.memory_space<vmem>>, vector<16xf32>,
      tpu.vector_store %arg10[%swap3A_851, %swap3A_852], %add3A_848 {strides = array<i32>} : memref<512x128xf32, #tpu.memory_space<vmem>>, vector<16xf32>,
      %add3A_854 = arith.constant 3 : i32
      %add3A_855 = arith.addi %mul3A_429, %add3A_854 : i32
      %get3A_856 = arith.index_cast %add3A_855 : i32 to index
      %get3A_857 = arith.constant 80 : index
      %get3A_858 = tpu.vector_load %arg10[%get3A_856, %get3A_857] {strides = array<i32>} : memref<512x128xf32, #tpu.memory_space<vmem>>, vector<16xf32>,
      %mul3A_859 = vector.broadcast %squeeze3A_783 : f32 to vector<16xf32>
      %mul3A_860 = arith.mulf %get3A_858, %mul3A_859 : vector<16xf32>
      %add3A_861 = vector.broadcast %squeeze3A_781 : f32 to vector<16xf32>
      %add3A_862 = arith.addf %mul3A_860, %add3A_861 : vector<16xf32>
      %add3A_863 = arith.constant 3 : i32
      %add3A_864 = arith.addi %mul3A_429, %add3A_863 : i32
      %swap3A_865 = arith.index_cast %add3A_864 : i32 to index
      %swap3A_866 = arith.constant 80 : index
      %swap3A_867 = tpu.vector_load %arg10[%swap3A_865, %swap3A_866] {strides = array<i32>} : memref<512x128xf32, #tpu.memory_space<vmem>>, vector<16xf32>,
      tpu.vector_store %arg10[%swap3A_865, %swap3A_866], %add3A_862 {strides = array<i32>} : memref<512x128xf32, #tpu.memory_space<vmem>>, vector<16xf32>,
      %add3A_868 = arith.constant 3 : i32
      %add3A_869 = arith.addi %mul3A_429, %add3A_868 : i32
      %get3A_870 = arith.index_cast %add3A_869 : i32 to index
      %get3A_871 = arith.constant 96 : index
      %get3A_872 = tpu.vector_load %arg10[%get3A_870, %get3A_871] {strides = array<i32>} : memref<512x128xf32, #tpu.memory_space<vmem>>, vector<16xf32>,
      %mul3A_873 = vector.broadcast %squeeze3A_783 : f32 to vector<16xf32>
      %mul3A_874 = arith.mulf %get3A_872, %mul3A_873 : vector<16xf32>
      %add3A_875 = vector.broadcast %squeeze3A_781 : f32 to vector<16xf32>
      %add3A_876 = arith.addf %mul3A_874, %add3A_875 : vector<16xf32>
      %add3A_877 = arith.constant 3 : i32
      %add3A_878 = arith.addi %mul3A_429, %add3A_877 : i32
      %swap3A_879 = arith.index_cast %add3A_878 : i32 to index
      %swap3A_880 = arith.constant 96 : index
      %swap3A_881 = tpu.vector_load %arg10[%swap3A_879, %swap3A_880] {strides = array<i32>} : memref<512x128xf32, #tpu.memory_space<vmem>>, vector<16xf32>,
      tpu.vector_store %arg10[%swap3A_879, %swap3A_880], %add3A_876 {strides = array<i32>} : memref<512x128xf32, #tpu.memory_space<vmem>>, vector<16xf32>,
      %add3A_882 = arith.constant 3 : i32
      %add3A_883 = arith.addi %mul3A_429, %add3A_882 : i32
      %get3A_884 = arith.index_cast %add3A_883 : i32 to index
      %get3A_885 = arith.constant 112 : index
      %get3A_886 = tpu.vector_load %arg10[%get3A_884, %get3A_885] {strides = array<i32>} : memref<512x128xf32, #tpu.memory_space<vmem>>, vector<16xf32>,
      %mul3A_887 = vector.broadcast %squeeze3A_783 : f32 to vector<16xf32>
      %mul3A_888 = arith.mulf %get3A_886, %mul3A_887 : vector<16xf32>
      %add3A_889 = vector.broadcast %squeeze3A_781 : f32 to vector<16xf32>
      %add3A_890 = arith.addf %mul3A_888, %add3A_889 : vector<16xf32>
      %add3A_891 = arith.constant 3 : i32
      %add3A_892 = arith.addi %mul3A_429, %add3A_891 : i32
      %swap3A_893 = arith.index_cast %add3A_892 : i32 to index
      %swap3A_894 = arith.constant 112 : index
      %swap3A_895 = tpu.vector_load %arg10[%swap3A_893, %swap3A_894] {strides = array<i32>} : memref<512x128xf32, #tpu.memory_space<vmem>>, vector<16xf32>,
      tpu.vector_store %arg10[%swap3A_893, %swap3A_894], %add3A_890 {strides = array<i32>} : memref<512x128xf32, #tpu.memory_space<vmem>>, vector<16xf32>,
      %slice3A_896 = vector.extract_strided_slice %get3A_431 {offsets = [4], sizes = [1], strides = [1]} : vector<16xf32> to vector<1xf32>
      %squeeze3A_897 = vector.extract %slice3A_896[0] : f32 from vector<1xf32>
      %slice3A_898 = vector.extract_strided_slice %sub3A {offsets = [4], sizes = [1], strides = [1]} : vector<16xf32> to vector<1xf32>
      %squeeze3A_899 = vector.extract %slice3A_898[0] : f32 from vector<1xf32>
      %add3A_900 = arith.constant 4 : i32
      %add3A_901 = arith.addi %mul3A_429, %add3A_900 : i32
      %get3A_902 = arith.index_cast %add3A_901 : i32 to index
      %get3A_903 = arith.constant 0 : index
      %get3A_904 = tpu.vector_load %arg10[%get3A_902, %get3A_903] {strides = array<i32>} : memref<512x128xf32, #tpu.memory_space<vmem>>, vector<16xf32>,
      %mul3A_905 = vector.broadcast %squeeze3A_899 : f32 to vector<16xf32>
      %mul3A_906 = arith.mulf %get3A_904, %mul3A_905 : vector<16xf32>
      %add3A_907 = vector.broadcast %squeeze3A_897 : f32 to vector<16xf32>
      %add3A_908 = arith.addf %mul3A_906, %add3A_907 : vector<16xf32>
      %add3A_909 = arith.constant 4 : i32
      %add3A_910 = arith.addi %mul3A_429, %add3A_909 : i32
      %swap3A_911 = arith.index_cast %add3A_910 : i32 to index
      %swap3A_912 = arith.constant 0 : index
      %swap3A_913 = tpu.vector_load %arg10[%swap3A_911, %swap3A_912] {strides = array<i32>} : memref<512x128xf32, #tpu.memory_space<vmem>>, vector<16xf32>,
      tpu.vector_store %arg10[%swap3A_911, %swap3A_912], %add3A_908 {strides = array<i32>} : memref<512x128xf32, #tpu.memory_space<vmem>>, vector<16xf32>,
      %add3A_914 = arith.constant 4 : i32
      %add3A_915 = arith.addi %mul3A_429, %add3A_914 : i32
      %get3A_916 = arith.index_cast %add3A_915 : i32 to index
      %get3A_917 = arith.constant 16 : index
      %get3A_918 = tpu.vector_load %arg10[%get3A_916, %get3A_917] {strides = array<i32>} : memref<512x128xf32, #tpu.memory_space<vmem>>, vector<16xf32>,
      %mul3A_919 = vector.broadcast %squeeze3A_899 : f32 to vector<16xf32>
      %mul3A_920 = arith.mulf %get3A_918, %mul3A_919 : vector<16xf32>
      %add3A_921 = vector.broadcast %squeeze3A_897 : f32 to vector<16xf32>
      %add3A_922 = arith.addf %mul3A_920, %add3A_921 : vector<16xf32>
      %add3A_923 = arith.constant 4 : i32
      %add3A_924 = arith.addi %mul3A_429, %add3A_923 : i32
      %swap3A_925 = arith.index_cast %add3A_924 : i32 to index
      %swap3A_926 = arith.constant 16 : index
      %swap3A_927 = tpu.vector_load %arg10[%swap3A_925, %swap3A_926] {strides = array<i32>} : memref<512x128xf32, #tpu.memory_space<vmem>>, vector<16xf32>,
      tpu.vector_store %arg10[%swap3A_925, %swap3A_926], %add3A_922 {strides = array<i32>} : memref<512x128xf32, #tpu.memory_space<vmem>>, vector<16xf32>,
      %add3A_928 = arith.constant 4 : i32
      %add3A_929 = arith.addi %mul3A_429, %add3A_928 : i32
      %get3A_930 = arith.index_cast %add3A_929 : i32 to index
      %get3A_931 = arith.constant 32 : index
      %get3A_932 = tpu.vector_load %arg10[%get3A_930, %get3A_931] {strides = array<i32>} : memref<512x128xf32, #tpu.memory_space<vmem>>, vector<16xf32>,
      %mul3A_933 = vector.broadcast %squeeze3A_899 : f32 to vector<16xf32>
      %mul3A_934 = arith.mulf %get3A_932, %mul3A_933 : vector<16xf32>
      %add3A_935 = vector.broadcast %squeeze3A_897 : f32 to vector<16xf32>
      %add3A_936 = arith.addf %mul3A_934, %add3A_935 : vector<16xf32>
      %add3A_937 = arith.constant 4 : i32
      %add3A_938 = arith.addi %mul3A_429, %add3A_937 : i32
      %swap3A_939 = arith.index_cast %add3A_938 : i32 to index
      %swap3A_940 = arith.constant 32 : index
      %swap3A_941 = tpu.vector_load %arg10[%swap3A_939, %swap3A_940] {strides = array<i32>} : memref<512x128xf32, #tpu.memory_space<vmem>>, vector<16xf32>,
      tpu.vector_store %arg10[%swap3A_939, %swap3A_940], %add3A_936 {strides = array<i32>} : memref<512x128xf32, #tpu.memory_space<vmem>>, vector<16xf32>,
      %add3A_942 = arith.constant 4 : i32
      %add3A_943 = arith.addi %mul3A_429, %add3A_942 : i32
      %get3A_944 = arith.index_cast %add3A_943 : i32 to index
      %get3A_945 = arith.constant 48 : index
      %get3A_946 = tpu.vector_load %arg10[%get3A_944, %get3A_945] {strides = array<i32>} : memref<512x128xf32, #tpu.memory_space<vmem>>, vector<16xf32>,
      %mul3A_947 = vector.broadcast %squeeze3A_899 : f32 to vector<16xf32>
      %mul3A_948 = arith.mulf %get3A_946, %mul3A_947 : vector<16xf32>
      %add3A_949 = vector.broadcast %squeeze3A_897 : f32 to vector<16xf32>
      %add3A_950 = arith.addf %mul3A_948, %add3A_949 : vector<16xf32>
      %add3A_951 = arith.constant 4 : i32
      %add3A_952 = arith.addi %mul3A_429, %add3A_951 : i32
      %swap3A_953 = arith.index_cast %add3A_952 : i32 to index
      %swap3A_954 = arith.constant 48 : index
      %swap3A_955 = tpu.vector_load %arg10[%swap3A_953, %swap3A_954] {strides = array<i32>} : memref<512x128xf32, #tpu.memory_space<vmem>>, vector<16xf32>,
      tpu.vector_store %arg10[%swap3A_953, %swap3A_954], %add3A_950 {strides = array<i32>} : memref<512x128xf32, #tpu.memory_space<vmem>>, vector<16xf32>,
      %add3A_956 = arith.constant 4 : i32
      %add3A_957 = arith.addi %mul3A_429, %add3A_956 : i32
      %get3A_958 = arith.index_cast %add3A_957 : i32 to index
      %get3A_959 = arith.constant 64 : index
      %get3A_960 = tpu.vector_load %arg10[%get3A_958, %get3A_959] {strides = array<i32>} : memref<512x128xf32, #tpu.memory_space<vmem>>, vector<16xf32>,
      %mul3A_961 = vector.broadcast %squeeze3A_899 : f32 to vector<16xf32>
      %mul3A_962 = arith.mulf %get3A_960, %mul3A_961 : vector<16xf32>
      %add3A_963 = vector.broadcast %squeeze3A_897 : f32 to vector<16xf32>
      %add3A_964 = arith.addf %mul3A_962, %add3A_963 : vector<16xf32>
      %add3A_965 = arith.constant 4 : i32
      %add3A_966 = arith.addi %mul3A_429, %add3A_965 : i32
      %swap3A_967 = arith.index_cast %add3A_966 : i32 to index
      %swap3A_968 = arith.constant 64 : index
      %swap3A_969 = tpu.vector_load %arg10[%swap3A_967, %swap3A_968] {strides = array<i32>} : memref<512x128xf32, #tpu.memory_space<vmem>>, vector<16xf32>,
      tpu.vector_store %arg10[%swap3A_967, %swap3A_968], %add3A_964 {strides = array<i32>} : memref<512x128xf32, #tpu.memory_space<vmem>>, vector<16xf32>,
      %add3A_970 = arith.constant 4 : i32
      %add3A_971 = arith.addi %mul3A_429, %add3A_970 : i32
      %get3A_972 = arith.index_cast %add3A_971 : i32 to index
      %get3A_973 = arith.constant 80 : index
      %get3A_974 = tpu.vector_load %arg10[%get3A_972, %get3A_973] {strides = array<i32>} : memref<512x128xf32, #tpu.memory_space<vmem>>, vector<16xf32>,
      %mul3A_975 = vector.broadcast %squeeze3A_899 : f32 to vector<16xf32>
      %mul3A_976 = arith.mulf %get3A_974, %mul3A_975 : vector<16xf32>
      %add3A_977 = vector.broadcast %squeeze3A_897 : f32 to vector<16xf32>
      %add3A_978 = arith.addf %mul3A_976, %add3A_977 : vector<16xf32>
      %add3A_979 = arith.constant 4 : i32
      %add3A_980 = arith.addi %mul3A_429, %add3A_979 : i32
      %swap3A_981 = arith.index_cast %add3A_980 : i32 to index
      %swap3A_982 = arith.constant 80 : index
      %swap3A_983 = tpu.vector_load %arg10[%swap3A_981, %swap3A_982] {strides = array<i32>} : memref<512x128xf32, #tpu.memory_space<vmem>>, vector<16xf32>,
      tpu.vector_store %arg10[%swap3A_981, %swap3A_982], %add3A_978 {strides = array<i32>} : memref<512x128xf32, #tpu.memory_space<vmem>>, vector<16xf32>,
      %add3A_984 = arith.constant 4 : i32
      %add3A_985 = arith.addi %mul3A_429, %add3A_984 : i32
      %get3A_986 = arith.index_cast %add3A_985 : i32 to index
      %get3A_987 = arith.constant 96 : index
      %get3A_988 = tpu.vector_load %arg10[%get3A_986, %get3A_987] {strides = array<i32>} : memref<512x128xf32, #tpu.memory_space<vmem>>, vector<16xf32>,
      %mul3A_989 = vector.broadcast %squeeze3A_899 : f32 to vector<16xf32>
      %mul3A_990 = arith.mulf %get3A_988, %mul3A_989 : vector<16xf32>
      %add3A_991 = vector.broadcast %squeeze3A_897 : f32 to vector<16xf32>
      %add3A_992 = arith.addf %mul3A_990, %add3A_991 : vector<16xf32>
      %add3A_993 = arith.constant 4 : i32
      %add3A_994 = arith.addi %mul3A_429, %add3A_993 : i32
      %swap3A_995 = arith.index_cast %add3A_994 : i32 to index
      %swap3A_996 = arith.constant 96 : index
      %swap3A_997 = tpu.vector_load %arg10[%swap3A_995, %swap3A_996] {strides = array<i32>} : memref<512x128xf32, #tpu.memory_space<vmem>>, vector<16xf32>,
      tpu.vector_store %arg10[%swap3A_995, %swap3A_996], %add3A_992 {strides = array<i32>} : memref<512x128xf32, #tpu.memory_space<vmem>>, vector<16xf32>,
      %add3A_998 = arith.constant 4 : i32
      %add3A_999 = arith.addi %mul3A_429, %add3A_998 : i32
      %get3A_1000 = arith.index_cast %add3A_999 : i32 to index
      %get3A_1001 = arith.constant 112 : index
      %get3A_1002 = tpu.vector_load %arg10[%get3A_1000, %get3A_1001] {strides = array<i32>} : memref<512x128xf32, #tpu.memory_space<vmem>>, vector<16xf32>,
      %mul3A_1003 = vector.broadcast %squeeze3A_899 : f32 to vector<16xf32>
      %mul3A_1004 = arith.mulf %get3A_1002, %mul3A_1003 : vector<16xf32>
      %add3A_1005 = vector.broadcast %squeeze3A_897 : f32 to vector<16xf32>
      %add3A_1006 = arith.addf %mul3A_1004, %add3A_1005 : vector<16xf32>
      %add3A_1007 = arith.constant 4 : i32
      %add3A_1008 = arith.addi %mul3A_429, %add3A_1007 : i32
      %swap3A_1009 = arith.index_cast %add3A_1008 : i32 to index
      %swap3A_1010 = arith.constant 112 : index
      %swap3A_1011 = tpu.vector_load %arg10[%swap3A_1009, %swap3A_1010] {strides = array<i32>} : memref<512x128xf32, #tpu.memory_space<vmem>>, vector<16xf32>,
      tpu.vector_store %arg10[%swap3A_1009, %swap3A_1010], %add3A_1006 {strides = array<i32>} : memref<512x128xf32, #tpu.memory_space<vmem>>, vector<16xf32>,
      %slice3A_1012 = vector.extract_strided_slice %get3A_431 {offsets = [5], sizes = [1], strides = [1]} : vector<16xf32> to vector<1xf32>
      %squeeze3A_1013 = vector.extract %slice3A_1012[0] : f32 from vector<1xf32>
      %slice3A_1014 = vector.extract_strided_slice %sub3A {offsets = [5], sizes = [1], strides = [1]} : vector<16xf32> to vector<1xf32>
      %squeeze3A_1015 = vector.extract %slice3A_1014[0] : f32 from vector<1xf32>
      %add3A_1016 = arith.constant 5 : i32
      %add3A_1017 = arith.addi %mul3A_429, %add3A_1016 : i32
      %get3A_1018 = arith.index_cast %add3A_1017 : i32 to index
      %get3A_1019 = arith.constant 0 : index
      %get3A_1020 = tpu.vector_load %arg10[%get3A_1018, %get3A_1019] {strides = array<i32>} : memref<512x128xf32, #tpu.memory_space<vmem>>, vector<16xf32>,
      %mul3A_1021 = vector.broadcast %squeeze3A_1015 : f32 to vector<16xf32>
      %mul3A_1022 = arith.mulf %get3A_1020, %mul3A_1021 : vector<16xf32>
      %add3A_1023 = vector.broadcast %squeeze3A_1013 : f32 to vector<16xf32>
      %add3A_1024 = arith.addf %mul3A_1022, %add3A_1023 : vector<16xf32>
      %add3A_1025 = arith.constant 5 : i32
      %add3A_1026 = arith.addi %mul3A_429, %add3A_1025 : i32
      %swap3A_1027 = arith.index_cast %add3A_1026 : i32 to index
      %swap3A_1028 = arith.constant 0 : index
      %swap3A_1029 = tpu.vector_load %arg10[%swap3A_1027, %swap3A_1028] {strides = array<i32>} : memref<512x128xf32, #tpu.memory_space<vmem>>, vector<16xf32>,
      tpu.vector_store %arg10[%swap3A_1027, %swap3A_1028], %add3A_1024 {strides = array<i32>} : memref<512x128xf32, #tpu.memory_space<vmem>>, vector<16xf32>,
      %add3A_1030 = arith.constant 5 : i32
      %add3A_1031 = arith.addi %mul3A_429, %add3A_1030 : i32
      %get3A_1032 = arith.index_cast %add3A_1031 : i32 to index
      %get3A_1033 = arith.constant 16 : index
      %get3A_1034 = tpu.vector_load %arg10[%get3A_1032, %get3A_1033] {strides = array<i32>} : memref<512x128xf32, #tpu.memory_space<vmem>>, vector<16xf32>,
      %mul3A_1035 = vector.broadcast %squeeze3A_1015 : f32 to vector<16xf32>
      %mul3A_1036 = arith.mulf %get3A_1034, %mul3A_1035 : vector<16xf32>
      %add3A_1037 = vector.broadcast %squeeze3A_1013 : f32 to vector<16xf32>
      %add3A_1038 = arith.addf %mul3A_1036, %add3A_1037 : vector<16xf32>
      %add3A_1039 = arith.constant 5 : i32
      %add3A_1040 = arith.addi %mul3A_429, %add3A_1039 : i32
      %swap3A_1041 = arith.index_cast %add3A_1040 : i32 to index
      %swap3A_1042 = arith.constant 16 : index
      %swap3A_1043 = tpu.vector_load %arg10[%swap3A_1041, %swap3A_1042] {strides = array<i32>} : memref<512x128xf32, #tpu.memory_space<vmem>>, vector<16xf32>,
      tpu.vector_store %arg10[%swap3A_1041, %swap3A_1042], %add3A_1038 {strides = array<i32>} : memref<512x128xf32, #tpu.memory_space<vmem>>, vector<16xf32>,
      %add3A_1044 = arith.constant 5 : i32
      %add3A_1045 = arith.addi %mul3A_429, %add3A_1044 : i32
      %get3A_1046 = arith.index_cast %add3A_1045 : i32 to index
      %get3A_1047 = arith.constant 32 : index
      %get3A_1048 = tpu.vector_load %arg10[%get3A_1046, %get3A_1047] {strides = array<i32>} : memref<512x128xf32, #tpu.memory_space<vmem>>, vector<16xf32>,
      %mul3A_1049 = vector.broadcast %squeeze3A_1015 : f32 to vector<16xf32>
      %mul3A_1050 = arith.mulf %get3A_1048, %mul3A_1049 : vector<16xf32>
      %add3A_1051 = vector.broadcast %squeeze3A_1013 : f32 to vector<16xf32>
      %add3A_1052 = arith.addf %mul3A_1050, %add3A_1051 : vector<16xf32>
      %add3A_1053 = arith.constant 5 : i32
      %add3A_1054 = arith.addi %mul3A_429, %add3A_1053 : i32
      %swap3A_1055 = arith.index_cast %add3A_1054 : i32 to index
      %swap3A_1056 = arith.constant 32 : index
      %swap3A_1057 = tpu.vector_load %arg10[%swap3A_1055, %swap3A_1056] {strides = array<i32>} : memref<512x128xf32, #tpu.memory_space<vmem>>, vector<16xf32>,
      tpu.vector_store %arg10[%swap3A_1055, %swap3A_1056], %add3A_1052 {strides = array<i32>} : memref<512x128xf32, #tpu.memory_space<vmem>>, vector<16xf32>,
      %add3A_1058 = arith.constant 5 : i32
      %add3A_1059 = arith.addi %mul3A_429, %add3A_1058 : i32
      %get3A_1060 = arith.index_cast %add3A_1059 : i32 to index
      %get3A_1061 = arith.constant 48 : index
      %get3A_1062 = tpu.vector_load %arg10[%get3A_1060, %get3A_1061] {strides = array<i32>} : memref<512x128xf32, #tpu.memory_space<vmem>>, vector<16xf32>,
      %mul3A_1063 = vector.broadcast %squeeze3A_1015 : f32 to vector<16xf32>
      %mul3A_1064 = arith.mulf %get3A_1062, %mul3A_1063 : vector<16xf32>
      %add3A_1065 = vector.broadcast %squeeze3A_1013 : f32 to vector<16xf32>
      %add3A_1066 = arith.addf %mul3A_1064, %add3A_1065 : vector<16xf32>
      %add3A_1067 = arith.constant 5 : i32
      %add3A_1068 = arith.addi %mul3A_429, %add3A_1067 : i32
      %swap3A_1069 = arith.index_cast %add3A_1068 : i32 to index
      %swap3A_1070 = arith.constant 48 : index
      %swap3A_1071 = tpu.vector_load %arg10[%swap3A_1069, %swap3A_1070] {strides = array<i32>} : memref<512x128xf32, #tpu.memory_space<vmem>>, vector<16xf32>,
      tpu.vector_store %arg10[%swap3A_1069, %swap3A_1070], %add3A_1066 {strides = array<i32>} : memref<512x128xf32, #tpu.memory_space<vmem>>, vector<16xf32>,
      %add3A_1072 = arith.constant 5 : i32
      %add3A_1073 = arith.addi %mul3A_429, %add3A_1072 : i32
      %get3A_1074 = arith.index_cast %add3A_1073 : i32 to index
      %get3A_1075 = arith.constant 64 : index
      %get3A_1076 = tpu.vector_load %arg10[%get3A_1074, %get3A_1075] {strides = array<i32>} : memref<512x128xf32, #tpu.memory_space<vmem>>, vector<16xf32>,
      %mul3A_1077 = vector.broadcast %squeeze3A_1015 : f32 to vector<16xf32>
      %mul3A_1078 = arith.mulf %get3A_1076, %mul3A_1077 : vector<16xf32>
      %add3A_1079 = vector.broadcast %squeeze3A_1013 : f32 to vector<16xf32>
      %add3A_1080 = arith.addf %mul3A_1078, %add3A_1079 : vector<16xf32>
      %add3A_1081 = arith.constant 5 : i32
      %add3A_1082 = arith.addi %mul3A_429, %add3A_1081 : i32
      %swap3A_1083 = arith.index_cast %add3A_1082 : i32 to index
      %swap3A_1084 = arith.constant 64 : index
      %swap3A_1085 = tpu.vector_load %arg10[%swap3A_1083, %swap3A_1084] {strides = array<i32>} : memref<512x128xf32, #tpu.memory_space<vmem>>, vector<16xf32>,
      tpu.vector_store %arg10[%swap3A_1083, %swap3A_1084], %add3A_1080 {strides = array<i32>} : memref<512x128xf32, #tpu.memory_space<vmem>>, vector<16xf32>,
      %add3A_1086 = arith.constant 5 : i32
      %add3A_1087 = arith.addi %mul3A_429, %add3A_1086 : i32
      %get3A_1088 = arith.index_cast %add3A_1087 : i32 to index
      %get3A_1089 = arith.constant 80 : index
      %get3A_1090 = tpu.vector_load %arg10[%get3A_1088, %get3A_1089] {strides = array<i32>} : memref<512x128xf32, #tpu.memory_space<vmem>>, vector<16xf32>,
      %mul3A_1091 = vector.broadcast %squeeze3A_1015 : f32 to vector<16xf32>
      %mul3A_1092 = arith.mulf %get3A_1090, %mul3A_1091 : vector<16xf32>
      %add3A_1093 = vector.broadcast %squeeze3A_1013 : f32 to vector<16xf32>
      %add3A_1094 = arith.addf %mul3A_1092, %add3A_1093 : vector<16xf32>
      %add3A_1095 = arith.constant 5 : i32
      %add3A_1096 = arith.addi %mul3A_429, %add3A_1095 : i32
      %swap3A_1097 = arith.index_cast %add3A_1096 : i32 to index
      %swap3A_1098 = arith.constant 80 : index
      %swap3A_1099 = tpu.vector_load %arg10[%swap3A_1097, %swap3A_1098] {strides = array<i32>} : memref<512x128xf32, #tpu.memory_space<vmem>>, vector<16xf32>,
      tpu.vector_store %arg10[%swap3A_1097, %swap3A_1098], %add3A_1094 {strides = array<i32>} : memref<512x128xf32, #tpu.memory_space<vmem>>, vector<16xf32>,
      %add3A_1100 = arith.constant 5 : i32
      %add3A_1101 = arith.addi %mul3A_429, %add3A_1100 : i32
      %get3A_1102 = arith.index_cast %add3A_1101 : i32 to index
      %get3A_1103 = arith.constant 96 : index
      %get3A_1104 = tpu.vector_load %arg10[%get3A_1102, %get3A_1103] {strides = array<i32>} : memref<512x128xf32, #tpu.memory_space<vmem>>, vector<16xf32>,
      %mul3A_1105 = vector.broadcast %squeeze3A_1015 : f32 to vector<16xf32>
      %mul3A_1106 = arith.mulf %get3A_1104, %mul3A_1105 : vector<16xf32>
      %add3A_1107 = vector.broadcast %squeeze3A_1013 : f32 to vector<16xf32>
      %add3A_1108 = arith.addf %mul3A_1106, %add3A_1107 : vector<16xf32>
      %add3A_1109 = arith.constant 5 : i32
      %add3A_1110 = arith.addi %mul3A_429, %add3A_1109 : i32
      %swap3A_1111 = arith.index_cast %add3A_1110 : i32 to index
      %swap3A_1112 = arith.constant 96 : index
      %swap3A_1113 = tpu.vector_load %arg10[%swap3A_1111, %swap3A_1112] {strides = array<i32>} : memref<512x128xf32, #tpu.memory_space<vmem>>, vector<16xf32>,
      tpu.vector_store %arg10[%swap3A_1111, %swap3A_1112], %add3A_1108 {strides = array<i32>} : memref<512x128xf32, #tpu.memory_space<vmem>>, vector<16xf32>,
      %add3A_1114 = arith.constant 5 : i32
      %add3A_1115 = arith.addi %mul3A_429, %add3A_1114 : i32
      %get3A_1116 = arith.index_cast %add3A_1115 : i32 to index
      %get3A_1117 = arith.constant 112 : index
      %get3A_1118 = tpu.vector_load %arg10[%get3A_1116, %get3A_1117] {strides = array<i32>} : memref<512x128xf32, #tpu.memory_space<vmem>>, vector<16xf32>,
      %mul3A_1119 = vector.broadcast %squeeze3A_1015 : f32 to vector<16xf32>
      %mul3A_1120 = arith.mulf %get3A_1118, %mul3A_1119 : vector<16xf32>
      %add3A_1121 = vector.broadcast %squeeze3A_1013 : f32 to vector<16xf32>
      %add3A_1122 = arith.addf %mul3A_1120, %add3A_1121 : vector<16xf32>
      %add3A_1123 = arith.constant 5 : i32
      %add3A_1124 = arith.addi %mul3A_429, %add3A_1123 : i32
      %swap3A_1125 = arith.index_cast %add3A_1124 : i32 to index
      %swap3A_1126 = arith.constant 112 : index
      %swap3A_1127 = tpu.vector_load %arg10[%swap3A_1125, %swap3A_1126] {strides = array<i32>} : memref<512x128xf32, #tpu.memory_space<vmem>>, vector<16xf32>,
      tpu.vector_store %arg10[%swap3A_1125, %swap3A_1126], %add3A_1122 {strides = array<i32>} : memref<512x128xf32, #tpu.memory_space<vmem>>, vector<16xf32>,
      %slice3A_1128 = vector.extract_strided_slice %get3A_431 {offsets = [6], sizes = [1], strides = [1]} : vector<16xf32> to vector<1xf32>
      %squeeze3A_1129 = vector.extract %slice3A_1128[0] : f32 from vector<1xf32>
      %slice3A_1130 = vector.extract_strided_slice %sub3A {offsets = [6], sizes = [1], strides = [1]} : vector<16xf32> to vector<1xf32>
      %squeeze3A_1131 = vector.extract %slice3A_1130[0] : f32 from vector<1xf32>
      %add3A_1132 = arith.constant 6 : i32
      %add3A_1133 = arith.addi %mul3A_429, %add3A_1132 : i32
      %get3A_1134 = arith.index_cast %add3A_1133 : i32 to index
      %get3A_1135 = arith.constant 0 : index
      %get3A_1136 = tpu.vector_load %arg10[%get3A_1134, %get3A_1135] {strides = array<i32>} : memref<512x128xf32, #tpu.memory_space<vmem>>, vector<16xf32>,
      %mul3A_1137 = vector.broadcast %squeeze3A_1131 : f32 to vector<16xf32>
      %mul3A_1138 = arith.mulf %get3A_1136, %mul3A_1137 : vector<16xf32>
      %add3A_1139 = vector.broadcast %squeeze3A_1129 : f32 to vector<16xf32>
      %add3A_1140 = arith.addf %mul3A_1138, %add3A_1139 : vector<16xf32>
      %add3A_1141 = arith.constant 6 : i32
      %add3A_1142 = arith.addi %mul3A_429, %add3A_1141 : i32
      %swap3A_1143 = arith.index_cast %add3A_1142 : i32 to index
      %swap3A_1144 = arith.constant 0 : index
      %swap3A_1145 = tpu.vector_load %arg10[%swap3A_1143, %swap3A_1144] {strides = array<i32>} : memref<512x128xf32, #tpu.memory_space<vmem>>, vector<16xf32>,
      tpu.vector_store %arg10[%swap3A_1143, %swap3A_1144], %add3A_1140 {strides = array<i32>} : memref<512x128xf32, #tpu.memory_space<vmem>>, vector<16xf32>,
      %add3A_1146 = arith.constant 6 : i32
      %add3A_1147 = arith.addi %mul3A_429, %add3A_1146 : i32
      %get3A_1148 = arith.index_cast %add3A_1147 : i32 to index
      %get3A_1149 = arith.constant 16 : index
      %get3A_1150 = tpu.vector_load %arg10[%get3A_1148, %get3A_1149] {strides = array<i32>} : memref<512x128xf32, #tpu.memory_space<vmem>>, vector<16xf32>,
      %mul3A_1151 = vector.broadcast %squeeze3A_1131 : f32 to vector<16xf32>
      %mul3A_1152 = arith.mulf %get3A_1150, %mul3A_1151 : vector<16xf32>
      %add3A_1153 = vector.broadcast %squeeze3A_1129 : f32 to vector<16xf32>
      %add3A_1154 = arith.addf %mul3A_1152, %add3A_1153 : vector<16xf32>
      %add3A_1155 = arith.constant 6 : i32
      %add3A_1156 = arith.addi %mul3A_429, %add3A_1155 : i32
      %swap3A_1157 = arith.index_cast %add3A_1156 : i32 to index
      %swap3A_1158 = arith.constant 16 : index
      %swap3A_1159 = tpu.vector_load %arg10[%swap3A_1157, %swap3A_1158] {strides = array<i32>} : memref<512x128xf32, #tpu.memory_space<vmem>>, vector<16xf32>,
      tpu.vector_store %arg10[%swap3A_1157, %swap3A_1158], %add3A_1154 {strides = array<i32>} : memref<512x128xf32, #tpu.memory_space<vmem>>, vector<16xf32>,
      %add3A_1160 = arith.constant 6 : i32
      %add3A_1161 = arith.addi %mul3A_429, %add3A_1160 : i32
      %get3A_1162 = arith.index_cast %add3A_1161 : i32 to index
      %get3A_1163 = arith.constant 32 : index
      %get3A_1164 = tpu.vector_load %arg10[%get3A_1162, %get3A_1163] {strides = array<i32>} : memref<512x128xf32, #tpu.memory_space<vmem>>, vector<16xf32>,
      %mul3A_1165 = vector.broadcast %squeeze3A_1131 : f32 to vector<16xf32>
      %mul3A_1166 = arith.mulf %get3A_1164, %mul3A_1165 : vector<16xf32>
      %add3A_1167 = vector.broadcast %squeeze3A_1129 : f32 to vector<16xf32>
      %add3A_1168 = arith.addf %mul3A_1166, %add3A_1167 : vector<16xf32>
      %add3A_1169 = arith.constant 6 : i32
      %add3A_1170 = arith.addi %mul3A_429, %add3A_1169 : i32
      %swap3A_1171 = arith.index_cast %add3A_1170 : i32 to index
      %swap3A_1172 = arith.constant 32 : index
      %swap3A_1173 = tpu.vector_load %arg10[%swap3A_1171, %swap3A_1172] {strides = array<i32>} : memref<512x128xf32, #tpu.memory_space<vmem>>, vector<16xf32>,
      tpu.vector_store %arg10[%swap3A_1171, %swap3A_1172], %add3A_1168 {strides = array<i32>} : memref<512x128xf32, #tpu.memory_space<vmem>>, vector<16xf32>,
      %add3A_1174 = arith.constant 6 : i32
      %add3A_1175 = arith.addi %mul3A_429, %add3A_1174 : i32
      %get3A_1176 = arith.index_cast %add3A_1175 : i32 to index
      %get3A_1177 = arith.constant 48 : index
      %get3A_1178 = tpu.vector_load %arg10[%get3A_1176, %get3A_1177] {strides = array<i32>} : memref<512x128xf32, #tpu.memory_space<vmem>>, vector<16xf32>,
      %mul3A_1179 = vector.broadcast %squeeze3A_1131 : f32 to vector<16xf32>
      %mul3A_1180 = arith.mulf %get3A_1178, %mul3A_1179 : vector<16xf32>
      %add3A_1181 = vector.broadcast %squeeze3A_1129 : f32 to vector<16xf32>
      %add3A_1182 = arith.addf %mul3A_1180, %add3A_1181 : vector<16xf32>
      %add3A_1183 = arith.constant 6 : i32
      %add3A_1184 = arith.addi %mul3A_429, %add3A_1183 : i32
      %swap3A_1185 = arith.index_cast %add3A_1184 : i32 to index
      %swap3A_1186 = arith.constant 48 : index
      %swap3A_1187 = tpu.vector_load %arg10[%swap3A_1185, %swap3A_1186] {strides = array<i32>} : memref<512x128xf32, #tpu.memory_space<vmem>>, vector<16xf32>,
      tpu.vector_store %arg10[%swap3A_1185, %swap3A_1186], %add3A_1182 {strides = array<i32>} : memref<512x128xf32, #tpu.memory_space<vmem>>, vector<16xf32>,
      %add3A_1188 = arith.constant 6 : i32
      %add3A_1189 = arith.addi %mul3A_429, %add3A_1188 : i32
      %get3A_1190 = arith.index_cast %add3A_1189 : i32 to index
      %get3A_1191 = arith.constant 64 : index
      %get3A_1192 = tpu.vector_load %arg10[%get3A_1190, %get3A_1191] {strides = array<i32>} : memref<512x128xf32, #tpu.memory_space<vmem>>, vector<16xf32>,
      %mul3A_1193 = vector.broadcast %squeeze3A_1131 : f32 to vector<16xf32>
      %mul3A_1194 = arith.mulf %get3A_1192, %mul3A_1193 : vector<16xf32>
      %add3A_1195 = vector.broadcast %squeeze3A_1129 : f32 to vector<16xf32>
      %add3A_1196 = arith.addf %mul3A_1194, %add3A_1195 : vector<16xf32>
      %add3A_1197 = arith.constant 6 : i32
      %add3A_1198 = arith.addi %mul3A_429, %add3A_1197 : i32
      %swap3A_1199 = arith.index_cast %add3A_1198 : i32 to index
      %swap3A_1200 = arith.constant 64 : index
      %swap3A_1201 = tpu.vector_load %arg10[%swap3A_1199, %swap3A_1200] {strides = array<i32>} : memref<512x128xf32, #tpu.memory_space<vmem>>, vector<16xf32>,
      tpu.vector_store %arg10[%swap3A_1199, %swap3A_1200], %add3A_1196 {strides = array<i32>} : memref<512x128xf32, #tpu.memory_space<vmem>>, vector<16xf32>,
      %add3A_1202 = arith.constant 6 : i32
      %add3A_1203 = arith.addi %mul3A_429, %add3A_1202 : i32
      %get3A_1204 = arith.index_cast %add3A_1203 : i32 to index
      %get3A_1205 = arith.constant 80 : index
      %get3A_1206 = tpu.vector_load %arg10[%get3A_1204, %get3A_1205] {strides = array<i32>} : memref<512x128xf32, #tpu.memory_space<vmem>>, vector<16xf32>,
      %mul3A_1207 = vector.broadcast %squeeze3A_1131 : f32 to vector<16xf32>
      %mul3A_1208 = arith.mulf %get3A_1206, %mul3A_1207 : vector<16xf32>
      %add3A_1209 = vector.broadcast %squeeze3A_1129 : f32 to vector<16xf32>
      %add3A_1210 = arith.addf %mul3A_1208, %add3A_1209 : vector<16xf32>
      %add3A_1211 = arith.constant 6 : i32
      %add3A_1212 = arith.addi %mul3A_429, %add3A_1211 : i32
      %swap3A_1213 = arith.index_cast %add3A_1212 : i32 to index
      %swap3A_1214 = arith.constant 80 : index
      %swap3A_1215 = tpu.vector_load %arg10[%swap3A_1213, %swap3A_1214] {strides = array<i32>} : memref<512x128xf32, #tpu.memory_space<vmem>>, vector<16xf32>,
      tpu.vector_store %arg10[%swap3A_1213, %swap3A_1214], %add3A_1210 {strides = array<i32>} : memref<512x128xf32, #tpu.memory_space<vmem>>, vector<16xf32>,
      %add3A_1216 = arith.constant 6 : i32
      %add3A_1217 = arith.addi %mul3A_429, %add3A_1216 : i32
      %get3A_1218 = arith.index_cast %add3A_1217 : i32 to index
      %get3A_1219 = arith.constant 96 : index
      %get3A_1220 = tpu.vector_load %arg10[%get3A_1218, %get3A_1219] {strides = array<i32>} : memref<512x128xf32, #tpu.memory_space<vmem>>, vector<16xf32>,
      %mul3A_1221 = vector.broadcast %squeeze3A_1131 : f32 to vector<16xf32>
      %mul3A_1222 = arith.mulf %get3A_1220, %mul3A_1221 : vector<16xf32>
      %add3A_1223 = vector.broadcast %squeeze3A_1129 : f32 to vector<16xf32>
      %add3A_1224 = arith.addf %mul3A_1222, %add3A_1223 : vector<16xf32>
      %add3A_1225 = arith.constant 6 : i32
      %add3A_1226 = arith.addi %mul3A_429, %add3A_1225 : i32
      %swap3A_1227 = arith.index_cast %add3A_1226 : i32 to index
      %swap3A_1228 = arith.constant 96 : index
      %swap3A_1229 = tpu.vector_load %arg10[%swap3A_1227, %swap3A_1228] {strides = array<i32>} : memref<512x128xf32, #tpu.memory_space<vmem>>, vector<16xf32>,
      tpu.vector_store %arg10[%swap3A_1227, %swap3A_1228], %add3A_1224 {strides = array<i32>} : memref<512x128xf32, #tpu.memory_space<vmem>>, vector<16xf32>,
      %add3A_1230 = arith.constant 6 : i32
      %add3A_1231 = arith.addi %mul3A_429, %add3A_1230 : i32
      %get3A_1232 = arith.index_cast %add3A_1231 : i32 to index
      %get3A_1233 = arith.constant 112 : index
      %get3A_1234 = tpu.vector_load %arg10[%get3A_1232, %get3A_1233] {strides = array<i32>} : memref<512x128xf32, #tpu.memory_space<vmem>>, vector<16xf32>,
      %mul3A_1235 = vector.broadcast %squeeze3A_1131 : f32 to vector<16xf32>
      %mul3A_1236 = arith.mulf %get3A_1234, %mul3A_1235 : vector<16xf32>
      %add3A_1237 = vector.broadcast %squeeze3A_1129 : f32 to vector<16xf32>
      %add3A_1238 = arith.addf %mul3A_1236, %add3A_1237 : vector<16xf32>
      %add3A_1239 = arith.constant 6 : i32
      %add3A_1240 = arith.addi %mul3A_429, %add3A_1239 : i32
      %swap3A_1241 = arith.index_cast %add3A_1240 : i32 to index
      %swap3A_1242 = arith.constant 112 : index
      %swap3A_1243 = tpu.vector_load %arg10[%swap3A_1241, %swap3A_1242] {strides = array<i32>} : memref<512x128xf32, #tpu.memory_space<vmem>>, vector<16xf32>,
      tpu.vector_store %arg10[%swap3A_1241, %swap3A_1242], %add3A_1238 {strides = array<i32>} : memref<512x128xf32, #tpu.memory_space<vmem>>, vector<16xf32>,
      %slice3A_1244 = vector.extract_strided_slice %get3A_431 {offsets = [7], sizes = [1], strides = [1]} : vector<16xf32> to vector<1xf32>
      %squeeze3A_1245 = vector.extract %slice3A_1244[0] : f32 from vector<1xf32>
      %slice3A_1246 = vector.extract_strided_slice %sub3A {offsets = [7], sizes = [1], strides = [1]} : vector<16xf32> to vector<1xf32>
      %squeeze3A_1247 = vector.extract %slice3A_1246[0] : f32 from vector<1xf32>
      %add3A_1248 = arith.constant 7 : i32
      %add3A_1249 = arith.addi %mul3A_429, %add3A_1248 : i32
      %get3A_1250 = arith.index_cast %add3A_1249 : i32 to index
      %get3A_1251 = arith.constant 0 : index
      %get3A_1252 = tpu.vector_load %arg10[%get3A_1250, %get3A_1251] {strides = array<i32>} : memref<512x128xf32, #tpu.memory_space<vmem>>, vector<16xf32>,
      %mul3A_1253 = vector.broadcast %squeeze3A_1247 : f32 to vector<16xf32>
      %mul3A_1254 = arith.mulf %get3A_1252, %mul3A_1253 : vector<16xf32>
      %add3A_1255 = vector.broadcast %squeeze3A_1245 : f32 to vector<16xf32>
      %add3A_1256 = arith.addf %mul3A_1254, %add3A_1255 : vector<16xf32>
      %add3A_1257 = arith.constant 7 : i32
      %add3A_1258 = arith.addi %mul3A_429, %add3A_1257 : i32
      %swap3A_1259 = arith.index_cast %add3A_1258 : i32 to index
      %swap3A_1260 = arith.constant 0 : index
      %swap3A_1261 = tpu.vector_load %arg10[%swap3A_1259, %swap3A_1260] {strides = array<i32>} : memref<512x128xf32, #tpu.memory_space<vmem>>, vector<16xf32>,
      tpu.vector_store %arg10[%swap3A_1259, %swap3A_1260], %add3A_1256 {strides = array<i32>} : memref<512x128xf32, #tpu.memory_space<vmem>>, vector<16xf32>,
      %add3A_1262 = arith.constant 7 : i32
      %add3A_1263 = arith.addi %mul3A_429, %add3A_1262 : i32
      %get3A_1264 = arith.index_cast %add3A_1263 : i32 to index
      %get3A_1265 = arith.constant 16 : index
      %get3A_1266 = tpu.vector_load %arg10[%get3A_1264, %get3A_1265] {strides = array<i32>} : memref<512x128xf32, #tpu.memory_space<vmem>>, vector<16xf32>,
      %mul3A_1267 = vector.broadcast %squeeze3A_1247 : f32 to vector<16xf32>
      %mul3A_1268 = arith.mulf %get3A_1266, %mul3A_1267 : vector<16xf32>
      %add3A_1269 = vector.broadcast %squeeze3A_1245 : f32 to vector<16xf32>
      %add3A_1270 = arith.addf %mul3A_1268, %add3A_1269 : vector<16xf32>
      %add3A_1271 = arith.constant 7 : i32
      %add3A_1272 = arith.addi %mul3A_429, %add3A_1271 : i32
      %swap3A_1273 = arith.index_cast %add3A_1272 : i32 to index
      %swap3A_1274 = arith.constant 16 : index
      %swap3A_1275 = tpu.vector_load %arg10[%swap3A_1273, %swap3A_1274] {strides = array<i32>} : memref<512x128xf32, #tpu.memory_space<vmem>>, vector<16xf32>,
      tpu.vector_store %arg10[%swap3A_1273, %swap3A_1274], %add3A_1270 {strides = array<i32>} : memref<512x128xf32, #tpu.memory_space<vmem>>, vector<16xf32>,
      %add3A_1276 = arith.constant 7 : i32
      %add3A_1277 = arith.addi %mul3A_429, %add3A_1276 : i32
      %get3A_1278 = arith.index_cast %add3A_1277 : i32 to index
      %get3A_1279 = arith.constant 32 : index
      %get3A_1280 = tpu.vector_load %arg10[%get3A_1278, %get3A_1279] {strides = array<i32>} : memref<512x128xf32, #tpu.memory_space<vmem>>, vector<16xf32>,
      %mul3A_1281 = vector.broadcast %squeeze3A_1247 : f32 to vector<16xf32>
      %mul3A_1282 = arith.mulf %get3A_1280, %mul3A_1281 : vector<16xf32>
      %add3A_1283 = vector.broadcast %squeeze3A_1245 : f32 to vector<16xf32>
      %add3A_1284 = arith.addf %mul3A_1282, %add3A_1283 : vector<16xf32>
      %add3A_1285 = arith.constant 7 : i32
      %add3A_1286 = arith.addi %mul3A_429, %add3A_1285 : i32
      %swap3A_1287 = arith.index_cast %add3A_1286 : i32 to index
      %swap3A_1288 = arith.constant 32 : index
      %swap3A_1289 = tpu.vector_load %arg10[%swap3A_1287, %swap3A_1288] {strides = array<i32>} : memref<512x128xf32, #tpu.memory_space<vmem>>, vector<16xf32>,
      tpu.vector_store %arg10[%swap3A_1287, %swap3A_1288], %add3A_1284 {strides = array<i32>} : memref<512x128xf32, #tpu.memory_space<vmem>>, vector<16xf32>,
      %add3A_1290 = arith.constant 7 : i32
      %add3A_1291 = arith.addi %mul3A_429, %add3A_1290 : i32
      %get3A_1292 = arith.index_cast %add3A_1291 : i32 to index
      %get3A_1293 = arith.constant 48 : index
      %get3A_1294 = tpu.vector_load %arg10[%get3A_1292, %get3A_1293] {strides = array<i32>} : memref<512x128xf32, #tpu.memory_space<vmem>>, vector<16xf32>,
      %mul3A_1295 = vector.broadcast %squeeze3A_1247 : f32 to vector<16xf32>
      %mul3A_1296 = arith.mulf %get3A_1294, %mul3A_1295 : vector<16xf32>
      %add3A_1297 = vector.broadcast %squeeze3A_1245 : f32 to vector<16xf32>
      %add3A_1298 = arith.addf %mul3A_1296, %add3A_1297 : vector<16xf32>
      %add3A_1299 = arith.constant 7 : i32
      %add3A_1300 = arith.addi %mul3A_429, %add3A_1299 : i32
      %swap3A_1301 = arith.index_cast %add3A_1300 : i32 to index
      %swap3A_1302 = arith.constant 48 : index
      %swap3A_1303 = tpu.vector_load %arg10[%swap3A_1301, %swap3A_1302] {strides = array<i32>} : memref<512x128xf32, #tpu.memory_space<vmem>>, vector<16xf32>,
      tpu.vector_store %arg10[%swap3A_1301, %swap3A_1302], %add3A_1298 {strides = array<i32>} : memref<512x128xf32, #tpu.memory_space<vmem>>, vector<16xf32>,
      %add3A_1304 = arith.constant 7 : i32
      %add3A_1305 = arith.addi %mul3A_429, %add3A_1304 : i32
      %get3A_1306 = arith.index_cast %add3A_1305 : i32 to index
      %get3A_1307 = arith.constant 64 : index
      %get3A_1308 = tpu.vector_load %arg10[%get3A_1306, %get3A_1307] {strides = array<i32>} : memref<512x128xf32, #tpu.memory_space<vmem>>, vector<16xf32>,
      %mul3A_1309 = vector.broadcast %squeeze3A_1247 : f32 to vector<16xf32>
      %mul3A_1310 = arith.mulf %get3A_1308, %mul3A_1309 : vector<16xf32>
      %add3A_1311 = vector.broadcast %squeeze3A_1245 : f32 to vector<16xf32>
      %add3A_1312 = arith.addf %mul3A_1310, %add3A_1311 : vector<16xf32>
      %add3A_1313 = arith.constant 7 : i32
      %add3A_1314 = arith.addi %mul3A_429, %add3A_1313 : i32
      %swap3A_1315 = arith.index_cast %add3A_1314 : i32 to index
      %swap3A_1316 = arith.constant 64 : index
      %swap3A_1317 = tpu.vector_load %arg10[%swap3A_1315, %swap3A_1316] {strides = array<i32>} : memref<512x128xf32, #tpu.memory_space<vmem>>, vector<16xf32>,
      tpu.vector_store %arg10[%swap3A_1315, %swap3A_1316], %add3A_1312 {strides = array<i32>} : memref<512x128xf32, #tpu.memory_space<vmem>>, vector<16xf32>,
      %add3A_1318 = arith.constant 7 : i32
      %add3A_1319 = arith.addi %mul3A_429, %add3A_1318 : i32
      %get3A_1320 = arith.index_cast %add3A_1319 : i32 to index
      %get3A_1321 = arith.constant 80 : index
      %get3A_1322 = tpu.vector_load %arg10[%get3A_1320, %get3A_1321] {strides = array<i32>} : memref<512x128xf32, #tpu.memory_space<vmem>>, vector<16xf32>,
      %mul3A_1323 = vector.broadcast %squeeze3A_1247 : f32 to vector<16xf32>
      %mul3A_1324 = arith.mulf %get3A_1322, %mul3A_1323 : vector<16xf32>
      %add3A_1325 = vector.broadcast %squeeze3A_1245 : f32 to vector<16xf32>
      %add3A_1326 = arith.addf %mul3A_1324, %add3A_1325 : vector<16xf32>
      %add3A_1327 = arith.constant 7 : i32
      %add3A_1328 = arith.addi %mul3A_429, %add3A_1327 : i32
      %swap3A_1329 = arith.index_cast %add3A_1328 : i32 to index
      %swap3A_1330 = arith.constant 80 : index
      %swap3A_1331 = tpu.vector_load %arg10[%swap3A_1329, %swap3A_1330] {strides = array<i32>} : memref<512x128xf32, #tpu.memory_space<vmem>>, vector<16xf32>,
      tpu.vector_store %arg10[%swap3A_1329, %swap3A_1330], %add3A_1326 {strides = array<i32>} : memref<512x128xf32, #tpu.memory_space<vmem>>, vector<16xf32>,
      %add3A_1332 = arith.constant 7 : i32
      %add3A_1333 = arith.addi %mul3A_429, %add3A_1332 : i32
      %get3A_1334 = arith.index_cast %add3A_1333 : i32 to index
      %get3A_1335 = arith.constant 96 : index
      %get3A_1336 = tpu.vector_load %arg10[%get3A_1334, %get3A_1335] {strides = array<i32>} : memref<512x128xf32, #tpu.memory_space<vmem>>, vector<16xf32>,
      %mul3A_1337 = vector.broadcast %squeeze3A_1247 : f32 to vector<16xf32>
      %mul3A_1338 = arith.mulf %get3A_1336, %mul3A_1337 : vector<16xf32>
      %add3A_1339 = vector.broadcast %squeeze3A_1245 : f32 to vector<16xf32>
      %add3A_1340 = arith.addf %mul3A_1338, %add3A_1339 : vector<16xf32>
      %add3A_1341 = arith.constant 7 : i32
      %add3A_1342 = arith.addi %mul3A_429, %add3A_1341 : i32
      %swap3A_1343 = arith.index_cast %add3A_1342 : i32 to index
      %swap3A_1344 = arith.constant 96 : index
      %swap3A_1345 = tpu.vector_load %arg10[%swap3A_1343, %swap3A_1344] {strides = array<i32>} : memref<512x128xf32, #tpu.memory_space<vmem>>, vector<16xf32>,
      tpu.vector_store %arg10[%swap3A_1343, %swap3A_1344], %add3A_1340 {strides = array<i32>} : memref<512x128xf32, #tpu.memory_space<vmem>>, vector<16xf32>,
      %add3A_1346 = arith.constant 7 : i32
      %add3A_1347 = arith.addi %mul3A_429, %add3A_1346 : i32
      %get3A_1348 = arith.index_cast %add3A_1347 : i32 to index
      %get3A_1349 = arith.constant 112 : index
      %get3A_1350 = tpu.vector_load %arg10[%get3A_1348, %get3A_1349] {strides = array<i32>} : memref<512x128xf32, #tpu.memory_space<vmem>>, vector<16xf32>,
      %mul3A_1351 = vector.broadcast %squeeze3A_1247 : f32 to vector<16xf32>
      %mul3A_1352 = arith.mulf %get3A_1350, %mul3A_1351 : vector<16xf32>
      %add3A_1353 = vector.broadcast %squeeze3A_1245 : f32 to vector<16xf32>
      %add3A_1354 = arith.addf %mul3A_1352, %add3A_1353 : vector<16xf32>
      %add3A_1355 = arith.constant 7 : i32
      %add3A_1356 = arith.addi %mul3A_429, %add3A_1355 : i32
      %swap3A_1357 = arith.index_cast %add3A_1356 : i32 to index
      %swap3A_1358 = arith.constant 112 : index
      %swap3A_1359 = tpu.vector_load %arg10[%swap3A_1357, %swap3A_1358] {strides = array<i32>} : memref<512x128xf32, #tpu.memory_space<vmem>>, vector<16xf32>,
      tpu.vector_store %arg10[%swap3A_1357, %swap3A_1358], %add3A_1354 {strides = array<i32>} : memref<512x128xf32, #tpu.memory_space<vmem>>, vector<16xf32>,
      %slice3A_1360 = vector.extract_strided_slice %get3A_431 {offsets = [8], sizes = [1], strides = [1]} : vector<16xf32> to vector<1xf32>
      %squeeze3A_1361 = vector.extract %slice3A_1360[0] : f32 from vector<1xf32>
      %slice3A_1362 = vector.extract_strided_slice %sub3A {offsets = [8], sizes = [1], strides = [1]} : vector<16xf32> to vector<1xf32>
      %squeeze3A_1363 = vector.extract %slice3A_1362[0] : f32 from vector<1xf32>
      %add3A_1364 = arith.constant 8 : i32
      %add3A_1365 = arith.addi %mul3A_429, %add3A_1364 : i32
      %get3A_1366 = arith.index_cast %add3A_1365 : i32 to index
      %get3A_1367 = arith.constant 0 : index
      %get3A_1368 = tpu.vector_load %arg10[%get3A_1366, %get3A_1367] {strides = array<i32>} : memref<512x128xf32, #tpu.memory_space<vmem>>, vector<16xf32>,
      %mul3A_1369 = vector.broadcast %squeeze3A_1363 : f32 to vector<16xf32>
      %mul3A_1370 = arith.mulf %get3A_1368, %mul3A_1369 : vector<16xf32>
      %add3A_1371 = vector.broadcast %squeeze3A_1361 : f32 to vector<16xf32>
      %add3A_1372 = arith.addf %mul3A_1370, %add3A_1371 : vector<16xf32>
      %add3A_1373 = arith.constant 8 : i32
      %add3A_1374 = arith.addi %mul3A_429, %add3A_1373 : i32
      %swap3A_1375 = arith.index_cast %add3A_1374 : i32 to index
      %swap3A_1376 = arith.constant 0 : index
      %swap3A_1377 = tpu.vector_load %arg10[%swap3A_1375, %swap3A_1376] {strides = array<i32>} : memref<512x128xf32, #tpu.memory_space<vmem>>, vector<16xf32>,
      tpu.vector_store %arg10[%swap3A_1375, %swap3A_1376], %add3A_1372 {strides = array<i32>} : memref<512x128xf32, #tpu.memory_space<vmem>>, vector<16xf32>,
      %add3A_1378 = arith.constant 8 : i32
      %add3A_1379 = arith.addi %mul3A_429, %add3A_1378 : i32
      %get3A_1380 = arith.index_cast %add3A_1379 : i32 to index
      %get3A_1381 = arith.constant 16 : index
      %get3A_1382 = tpu.vector_load %arg10[%get3A_1380, %get3A_1381] {strides = array<i32>} : memref<512x128xf32, #tpu.memory_space<vmem>>, vector<16xf32>,
      %mul3A_1383 = vector.broadcast %squeeze3A_1363 : f32 to vector<16xf32>
      %mul3A_1384 = arith.mulf %get3A_1382, %mul3A_1383 : vector<16xf32>
      %add3A_1385 = vector.broadcast %squeeze3A_1361 : f32 to vector<16xf32>
      %add3A_1386 = arith.addf %mul3A_1384, %add3A_1385 : vector<16xf32>
      %add3A_1387 = arith.constant 8 : i32
      %add3A_1388 = arith.addi %mul3A_429, %add3A_1387 : i32
      %swap3A_1389 = arith.index_cast %add3A_1388 : i32 to index
      %swap3A_1390 = arith.constant 16 : index
      %swap3A_1391 = tpu.vector_load %arg10[%swap3A_1389, %swap3A_1390] {strides = array<i32>} : memref<512x128xf32, #tpu.memory_space<vmem>>, vector<16xf32>,
      tpu.vector_store %arg10[%swap3A_1389, %swap3A_1390], %add3A_1386 {strides = array<i32>} : memref<512x128xf32, #tpu.memory_space<vmem>>, vector<16xf32>,
      %add3A_1392 = arith.constant 8 : i32
      %add3A_1393 = arith.addi %mul3A_429, %add3A_1392 : i32
      %get3A_1394 = arith.index_cast %add3A_1393 : i32 to index
      %get3A_1395 = arith.constant 32 : index
      %get3A_1396 = tpu.vector_load %arg10[%get3A_1394, %get3A_1395] {strides = array<i32>} : memref<512x128xf32, #tpu.memory_space<vmem>>, vector<16xf32>,
      %mul3A_1397 = vector.broadcast %squeeze3A_1363 : f32 to vector<16xf32>
      %mul3A_1398 = arith.mulf %get3A_1396, %mul3A_1397 : vector<16xf32>
      %add3A_1399 = vector.broadcast %squeeze3A_1361 : f32 to vector<16xf32>
      %add3A_1400 = arith.addf %mul3A_1398, %add3A_1399 : vector<16xf32>
      %add3A_1401 = arith.constant 8 : i32
      %add3A_1402 = arith.addi %mul3A_429, %add3A_1401 : i32
      %swap3A_1403 = arith.index_cast %add3A_1402 : i32 to index
      %swap3A_1404 = arith.constant 32 : index
      %swap3A_1405 = tpu.vector_load %arg10[%swap3A_1403, %swap3A_1404] {strides = array<i32>} : memref<512x128xf32, #tpu.memory_space<vmem>>, vector<16xf32>,
      tpu.vector_store %arg10[%swap3A_1403, %swap3A_1404], %add3A_1400 {strides = array<i32>} : memref<512x128xf32, #tpu.memory_space<vmem>>, vector<16xf32>,
      %add3A_1406 = arith.constant 8 : i32
      %add3A_1407 = arith.addi %mul3A_429, %add3A_1406 : i32
      %get3A_1408 = arith.index_cast %add3A_1407 : i32 to index
      %get3A_1409 = arith.constant 48 : index
      %get3A_1410 = tpu.vector_load %arg10[%get3A_1408, %get3A_1409] {strides = array<i32>} : memref<512x128xf32, #tpu.memory_space<vmem>>, vector<16xf32>,
      %mul3A_1411 = vector.broadcast %squeeze3A_1363 : f32 to vector<16xf32>
      %mul3A_1412 = arith.mulf %get3A_1410, %mul3A_1411 : vector<16xf32>
      %add3A_1413 = vector.broadcast %squeeze3A_1361 : f32 to vector<16xf32>
      %add3A_1414 = arith.addf %mul3A_1412, %add3A_1413 : vector<16xf32>
      %add3A_1415 = arith.constant 8 : i32
      %add3A_1416 = arith.addi %mul3A_429, %add3A_1415 : i32
      %swap3A_1417 = arith.index_cast %add3A_1416 : i32 to index
      %swap3A_1418 = arith.constant 48 : index
      %swap3A_1419 = tpu.vector_load %arg10[%swap3A_1417, %swap3A_1418] {strides = array<i32>} : memref<512x128xf32, #tpu.memory_space<vmem>>, vector<16xf32>,
      tpu.vector_store %arg10[%swap3A_1417, %swap3A_1418], %add3A_1414 {strides = array<i32>} : memref<512x128xf32, #tpu.memory_space<vmem>>, vector<16xf32>,
      %add3A_1420 = arith.constant 8 : i32
      %add3A_1421 = arith.addi %mul3A_429, %add3A_1420 : i32
      %get3A_1422 = arith.index_cast %add3A_1421 : i32 to index
      %get3A_1423 = arith.constant 64 : index
      %get3A_1424 = tpu.vector_load %arg10[%get3A_1422, %get3A_1423] {strides = array<i32>} : memref<512x128xf32, #tpu.memory_space<vmem>>, vector<16xf32>,
      %mul3A_1425 = vector.broadcast %squeeze3A_1363 : f32 to vector<16xf32>
      %mul3A_1426 = arith.mulf %get3A_1424, %mul3A_1425 : vector<16xf32>
      %add3A_1427 = vector.broadcast %squeeze3A_1361 : f32 to vector<16xf32>
      %add3A_1428 = arith.addf %mul3A_1426, %add3A_1427 : vector<16xf32>
      %add3A_1429 = arith.constant 8 : i32
      %add3A_1430 = arith.addi %mul3A_429, %add3A_1429 : i32
      %swap3A_1431 = arith.index_cast %add3A_1430 : i32 to index
      %swap3A_1432 = arith.constant 64 : index
      %swap3A_1433 = tpu.vector_load %arg10[%swap3A_1431, %swap3A_1432] {strides = array<i32>} : memref<512x128xf32, #tpu.memory_space<vmem>>, vector<16xf32>,
      tpu.vector_store %arg10[%swap3A_1431, %swap3A_1432], %add3A_1428 {strides = array<i32>} : memref<512x128xf32, #tpu.memory_space<vmem>>, vector<16xf32>,
      %add3A_1434 = arith.constant 8 : i32
      %add3A_1435 = arith.addi %mul3A_429, %add3A_1434 : i32
      %get3A_1436 = arith.index_cast %add3A_1435 : i32 to index
      %get3A_1437 = arith.constant 80 : index
      %get3A_1438 = tpu.vector_load %arg10[%get3A_1436, %get3A_1437] {strides = array<i32>} : memref<512x128xf32, #tpu.memory_space<vmem>>, vector<16xf32>,
      %mul3A_1439 = vector.broadcast %squeeze3A_1363 : f32 to vector<16xf32>
      %mul3A_1440 = arith.mulf %get3A_1438, %mul3A_1439 : vector<16xf32>
      %add3A_1441 = vector.broadcast %squeeze3A_1361 : f32 to vector<16xf32>
      %add3A_1442 = arith.addf %mul3A_1440, %add3A_1441 : vector<16xf32>
      %add3A_1443 = arith.constant 8 : i32
      %add3A_1444 = arith.addi %mul3A_429, %add3A_1443 : i32
      %swap3A_1445 = arith.index_cast %add3A_1444 : i32 to index
      %swap3A_1446 = arith.constant 80 : index
      %swap3A_1447 = tpu.vector_load %arg10[%swap3A_1445, %swap3A_1446] {strides = array<i32>} : memref<512x128xf32, #tpu.memory_space<vmem>>, vector<16xf32>,
      tpu.vector_store %arg10[%swap3A_1445, %swap3A_1446], %add3A_1442 {strides = array<i32>} : memref<512x128xf32, #tpu.memory_space<vmem>>, vector<16xf32>,
      %add3A_1448 = arith.constant 8 : i32
      %add3A_1449 = arith.addi %mul3A_429, %add3A_1448 : i32
      %get3A_1450 = arith.index_cast %add3A_1449 : i32 to index
      %get3A_1451 = arith.constant 96 : index
      %get3A_1452 = tpu.vector_load %arg10[%get3A_1450, %get3A_1451] {strides = array<i32>} : memref<512x128xf32, #tpu.memory_space<vmem>>, vector<16xf32>,
      %mul3A_1453 = vector.broadcast %squeeze3A_1363 : f32 to vector<16xf32>
      %mul3A_1454 = arith.mulf %get3A_1452, %mul3A_1453 : vector<16xf32>
      %add3A_1455 = vector.broadcast %squeeze3A_1361 : f32 to vector<16xf32>
      %add3A_1456 = arith.addf %mul3A_1454, %add3A_1455 : vector<16xf32>
      %add3A_1457 = arith.constant 8 : i32
      %add3A_1458 = arith.addi %mul3A_429, %add3A_1457 : i32
      %swap3A_1459 = arith.index_cast %add3A_1458 : i32 to index
      %swap3A_1460 = arith.constant 96 : index
      %swap3A_1461 = tpu.vector_load %arg10[%swap3A_1459, %swap3A_1460] {strides = array<i32>} : memref<512x128xf32, #tpu.memory_space<vmem>>, vector<16xf32>,
      tpu.vector_store %arg10[%swap3A_1459, %swap3A_1460], %add3A_1456 {strides = array<i32>} : memref<512x128xf32, #tpu.memory_space<vmem>>, vector<16xf32>,
      %add3A_1462 = arith.constant 8 : i32
      %add3A_1463 = arith.addi %mul3A_429, %add3A_1462 : i32
      %get3A_1464 = arith.index_cast %add3A_1463 : i32 to index
      %get3A_1465 = arith.constant 112 : index
      %get3A_1466 = tpu.vector_load %arg10[%get3A_1464, %get3A_1465] {strides = array<i32>} : memref<512x128xf32, #tpu.memory_space<vmem>>, vector<16xf32>,
      %mul3A_1467 = vector.broadcast %squeeze3A_1363 : f32 to vector<16xf32>
      %mul3A_1468 = arith.mulf %get3A_1466, %mul3A_1467 : vector<16xf32>
      %add3A_1469 = vector.broadcast %squeeze3A_1361 : f32 to vector<16xf32>
      %add3A_1470 = arith.addf %mul3A_1468, %add3A_1469 : vector<16xf32>
      %add3A_1471 = arith.constant 8 : i32
      %add3A_1472 = arith.addi %mul3A_429, %add3A_1471 : i32
      %swap3A_1473 = arith.index_cast %add3A_1472 : i32 to index
      %swap3A_1474 = arith.constant 112 : index
      %swap3A_1475 = tpu.vector_load %arg10[%swap3A_1473, %swap3A_1474] {strides = array<i32>} : memref<512x128xf32, #tpu.memory_space<vmem>>, vector<16xf32>,
      tpu.vector_store %arg10[%swap3A_1473, %swap3A_1474], %add3A_1470 {strides = array<i32>} : memref<512x128xf32, #tpu.memory_space<vmem>>, vector<16xf32>,
      %slice3A_1476 = vector.extract_strided_slice %get3A_431 {offsets = [9], sizes = [1], strides = [1]} : vector<16xf32> to vector<1xf32>
      %squeeze3A_1477 = vector.extract %slice3A_1476[0] : f32 from vector<1xf32>
      %slice3A_1478 = vector.extract_strided_slice %sub3A {offsets = [9], sizes = [1], strides = [1]} : vector<16xf32> to vector<1xf32>
      %squeeze3A_1479 = vector.extract %slice3A_1478[0] : f32 from vector<1xf32>
      %add3A_1480 = arith.constant 9 : i32
      %add3A_1481 = arith.addi %mul3A_429, %add3A_1480 : i32
      %get3A_1482 = arith.index_cast %add3A_1481 : i32 to index
      %get3A_1483 = arith.constant 0 : index
      %get3A_1484 = tpu.vector_load %arg10[%get3A_1482, %get3A_1483] {strides = array<i32>} : memref<512x128xf32, #tpu.memory_space<vmem>>, vector<16xf32>,
      %mul3A_1485 = vector.broadcast %squeeze3A_1479 : f32 to vector<16xf32>
      %mul3A_1486 = arith.mulf %get3A_1484, %mul3A_1485 : vector<16xf32>
      %add3A_1487 = vector.broadcast %squeeze3A_1477 : f32 to vector<16xf32>
      %add3A_1488 = arith.addf %mul3A_1486, %add3A_1487 : vector<16xf32>
      %add3A_1489 = arith.constant 9 : i32
      %add3A_1490 = arith.addi %mul3A_429, %add3A_1489 : i32
      %swap3A_1491 = arith.index_cast %add3A_1490 : i32 to index
      %swap3A_1492 = arith.constant 0 : index
      %swap3A_1493 = tpu.vector_load %arg10[%swap3A_1491, %swap3A_1492] {strides = array<i32>} : memref<512x128xf32, #tpu.memory_space<vmem>>, vector<16xf32>,
      tpu.vector_store %arg10[%swap3A_1491, %swap3A_1492], %add3A_1488 {strides = array<i32>} : memref<512x128xf32, #tpu.memory_space<vmem>>, vector<16xf32>,
      %add3A_1494 = arith.constant 9 : i32
      %add3A_1495 = arith.addi %mul3A_429, %add3A_1494 : i32
      %get3A_1496 = arith.index_cast %add3A_1495 : i32 to index
      %get3A_1497 = arith.constant 16 : index
      %get3A_1498 = tpu.vector_load %arg10[%get3A_1496, %get3A_1497] {strides = array<i32>} : memref<512x128xf32, #tpu.memory_space<vmem>>, vector<16xf32>,
      %mul3A_1499 = vector.broadcast %squeeze3A_1479 : f32 to vector<16xf32>
      %mul3A_1500 = arith.mulf %get3A_1498, %mul3A_1499 : vector<16xf32>
      %add3A_1501 = vector.broadcast %squeeze3A_1477 : f32 to vector<16xf32>
      %add3A_1502 = arith.addf %mul3A_1500, %add3A_1501 : vector<16xf32>
      %add3A_1503 = arith.constant 9 : i32
      %add3A_1504 = arith.addi %mul3A_429, %add3A_1503 : i32
      %swap3A_1505 = arith.index_cast %add3A_1504 : i32 to index
      %swap3A_1506 = arith.constant 16 : index
      %swap3A_1507 = tpu.vector_load %arg10[%swap3A_1505, %swap3A_1506] {strides = array<i32>} : memref<512x128xf32, #tpu.memory_space<vmem>>, vector<16xf32>,
      tpu.vector_store %arg10[%swap3A_1505, %swap3A_1506], %add3A_1502 {strides = array<i32>} : memref<512x128xf32, #tpu.memory_space<vmem>>, vector<16xf32>,
      %add3A_1508 = arith.constant 9 : i32
      %add3A_1509 = arith.addi %mul3A_429, %add3A_1508 : i32
      %get3A_1510 = arith.index_cast %add3A_1509 : i32 to index
      %get3A_1511 = arith.constant 32 : index
      %get3A_1512 = tpu.vector_load %arg10[%get3A_1510, %get3A_1511] {strides = array<i32>} : memref<512x128xf32, #tpu.memory_space<vmem>>, vector<16xf32>,
      %mul3A_1513 = vector.broadcast %squeeze3A_1479 : f32 to vector<16xf32>
      %mul3A_1514 = arith.mulf %get3A_1512, %mul3A_1513 : vector<16xf32>
      %add3A_1515 = vector.broadcast %squeeze3A_1477 : f32 to vector<16xf32>
      %add3A_1516 = arith.addf %mul3A_1514, %add3A_1515 : vector<16xf32>
      %add3A_1517 = arith.constant 9 : i32
      %add3A_1518 = arith.addi %mul3A_429, %add3A_1517 : i32
      %swap3A_1519 = arith.index_cast %add3A_1518 : i32 to index
      %swap3A_1520 = arith.constant 32 : index
      %swap3A_1521 = tpu.vector_load %arg10[%swap3A_1519, %swap3A_1520] {strides = array<i32>} : memref<512x128xf32, #tpu.memory_space<vmem>>, vector<16xf32>,
      tpu.vector_store %arg10[%swap3A_1519, %swap3A_1520], %add3A_1516 {strides = array<i32>} : memref<512x128xf32, #tpu.memory_space<vmem>>, vector<16xf32>,
      %add3A_1522 = arith.constant 9 : i32
      %add3A_1523 = arith.addi %mul3A_429, %add3A_1522 : i32
      %get3A_1524 = arith.index_cast %add3A_1523 : i32 to index
      %get3A_1525 = arith.constant 48 : index
      %get3A_1526 = tpu.vector_load %arg10[%get3A_1524, %get3A_1525] {strides = array<i32>} : memref<512x128xf32, #tpu.memory_space<vmem>>, vector<16xf32>,
      %mul3A_1527 = vector.broadcast %squeeze3A_1479 : f32 to vector<16xf32>
      %mul3A_1528 = arith.mulf %get3A_1526, %mul3A_1527 : vector<16xf32>
      %add3A_1529 = vector.broadcast %squeeze3A_1477 : f32 to vector<16xf32>
      %add3A_1530 = arith.addf %mul3A_1528, %add3A_1529 : vector<16xf32>
      %add3A_1531 = arith.constant 9 : i32
      %add3A_1532 = arith.addi %mul3A_429, %add3A_1531 : i32
      %swap3A_1533 = arith.index_cast %add3A_1532 : i32 to index
      %swap3A_1534 = arith.constant 48 : index
      %swap3A_1535 = tpu.vector_load %arg10[%swap3A_1533, %swap3A_1534] {strides = array<i32>} : memref<512x128xf32, #tpu.memory_space<vmem>>, vector<16xf32>,
      tpu.vector_store %arg10[%swap3A_1533, %swap3A_1534], %add3A_1530 {strides = array<i32>} : memref<512x128xf32, #tpu.memory_space<vmem>>, vector<16xf32>,
      %add3A_1536 = arith.constant 9 : i32
      %add3A_1537 = arith.addi %mul3A_429, %add3A_1536 : i32
      %get3A_1538 = arith.index_cast %add3A_1537 : i32 to index
      %get3A_1539 = arith.constant 64 : index
      %get3A_1540 = tpu.vector_load %arg10[%get3A_1538, %get3A_1539] {strides = array<i32>} : memref<512x128xf32, #tpu.memory_space<vmem>>, vector<16xf32>,
      %mul3A_1541 = vector.broadcast %squeeze3A_1479 : f32 to vector<16xf32>
      %mul3A_1542 = arith.mulf %get3A_1540, %mul3A_1541 : vector<16xf32>
      %add3A_1543 = vector.broadcast %squeeze3A_1477 : f32 to vector<16xf32>
      %add3A_1544 = arith.addf %mul3A_1542, %add3A_1543 : vector<16xf32>
      %add3A_1545 = arith.constant 9 : i32
      %add3A_1546 = arith.addi %mul3A_429, %add3A_1545 : i32
      %swap3A_1547 = arith.index_cast %add3A_1546 : i32 to index
      %swap3A_1548 = arith.constant 64 : index
      %swap3A_1549 = tpu.vector_load %arg10[%swap3A_1547, %swap3A_1548] {strides = array<i32>} : memref<512x128xf32, #tpu.memory_space<vmem>>, vector<16xf32>,
      tpu.vector_store %arg10[%swap3A_1547, %swap3A_1548], %add3A_1544 {strides = array<i32>} : memref<512x128xf32, #tpu.memory_space<vmem>>, vector<16xf32>,
      %add3A_1550 = arith.constant 9 : i32
      %add3A_1551 = arith.addi %mul3A_429, %add3A_1550 : i32
      %get3A_1552 = arith.index_cast %add3A_1551 : i32 to index
      %get3A_1553 = arith.constant 80 : index
      %get3A_1554 = tpu.vector_load %arg10[%get3A_1552, %get3A_1553] {strides = array<i32>} : memref<512x128xf32, #tpu.memory_space<vmem>>, vector<16xf32>,
      %mul3A_1555 = vector.broadcast %squeeze3A_1479 : f32 to vector<16xf32>
      %mul3A_1556 = arith.mulf %get3A_1554, %mul3A_1555 : vector<16xf32>
      %add3A_1557 = vector.broadcast %squeeze3A_1477 : f32 to vector<16xf32>
      %add3A_1558 = arith.addf %mul3A_1556, %add3A_1557 : vector<16xf32>
      %add3A_1559 = arith.constant 9 : i32
      %add3A_1560 = arith.addi %mul3A_429, %add3A_1559 : i32
      %swap3A_1561 = arith.index_cast %add3A_1560 : i32 to index
      %swap3A_1562 = arith.constant 80 : index
      %swap3A_1563 = tpu.vector_load %arg10[%swap3A_1561, %swap3A_1562] {strides = array<i32>} : memref<512x128xf32, #tpu.memory_space<vmem>>, vector<16xf32>,
      tpu.vector_store %arg10[%swap3A_1561, %swap3A_1562], %add3A_1558 {strides = array<i32>} : memref<512x128xf32, #tpu.memory_space<vmem>>, vector<16xf32>,
      %add3A_1564 = arith.constant 9 : i32
      %add3A_1565 = arith.addi %mul3A_429, %add3A_1564 : i32
      %get3A_1566 = arith.index_cast %add3A_1565 : i32 to index
      %get3A_1567 = arith.constant 96 : index
      %get3A_1568 = tpu.vector_load %arg10[%get3A_1566, %get3A_1567] {strides = array<i32>} : memref<512x128xf32, #tpu.memory_space<vmem>>, vector<16xf32>,
      %mul3A_1569 = vector.broadcast %squeeze3A_1479 : f32 to vector<16xf32>
      %mul3A_1570 = arith.mulf %get3A_1568, %mul3A_1569 : vector<16xf32>
      %add3A_1571 = vector.broadcast %squeeze3A_1477 : f32 to vector<16xf32>
      %add3A_1572 = arith.addf %mul3A_1570, %add3A_1571 : vector<16xf32>
      %add3A_1573 = arith.constant 9 : i32
      %add3A_1574 = arith.addi %mul3A_429, %add3A_1573 : i32
      %swap3A_1575 = arith.index_cast %add3A_1574 : i32 to index
      %swap3A_1576 = arith.constant 96 : index
      %swap3A_1577 = tpu.vector_load %arg10[%swap3A_1575, %swap3A_1576] {strides = array<i32>} : memref<512x128xf32, #tpu.memory_space<vmem>>, vector<16xf32>,
      tpu.vector_store %arg10[%swap3A_1575, %swap3A_1576], %add3A_1572 {strides = array<i32>} : memref<512x128xf32, #tpu.memory_space<vmem>>, vector<16xf32>,
      %add3A_1578 = arith.constant 9 : i32
      %add3A_1579 = arith.addi %mul3A_429, %add3A_1578 : i32
      %get3A_1580 = arith.index_cast %add3A_1579 : i32 to index
      %get3A_1581 = arith.constant 112 : index
      %get3A_1582 = tpu.vector_load %arg10[%get3A_1580, %get3A_1581] {strides = array<i32>} : memref<512x128xf32, #tpu.memory_space<vmem>>, vector<16xf32>,
      %mul3A_1583 = vector.broadcast %squeeze3A_1479 : f32 to vector<16xf32>
      %mul3A_1584 = arith.mulf %get3A_1582, %mul3A_1583 : vector<16xf32>
      %add3A_1585 = vector.broadcast %squeeze3A_1477 : f32 to vector<16xf32>
      %add3A_1586 = arith.addf %mul3A_1584, %add3A_1585 : vector<16xf32>
      %add3A_1587 = arith.constant 9 : i32
      %add3A_1588 = arith.addi %mul3A_429, %add3A_1587 : i32
      %swap3A_1589 = arith.index_cast %add3A_1588 : i32 to index
      %swap3A_1590 = arith.constant 112 : index
      %swap3A_1591 = tpu.vector_load %arg10[%swap3A_1589, %swap3A_1590] {strides = array<i32>} : memref<512x128xf32, #tpu.memory_space<vmem>>, vector<16xf32>,
      tpu.vector_store %arg10[%swap3A_1589, %swap3A_1590], %add3A_1586 {strides = array<i32>} : memref<512x128xf32, #tpu.memory_space<vmem>>, vector<16xf32>,
      %slice3A_1592 = vector.extract_strided_slice %get3A_431 {offsets = [10], sizes = [1], strides = [1]} : vector<16xf32> to vector<1xf32>
      %squeeze3A_1593 = vector.extract %slice3A_1592[0] : f32 from vector<1xf32>
      %slice3A_1594 = vector.extract_strided_slice %sub3A {offsets = [10], sizes = [1], strides = [1]} : vector<16xf32> to vector<1xf32>
      %squeeze3A_1595 = vector.extract %slice3A_1594[0] : f32 from vector<1xf32>
      %add3A_1596 = arith.constant 10 : i32
      %add3A_1597 = arith.addi %mul3A_429, %add3A_1596 : i32
      %get3A_1598 = arith.index_cast %add3A_1597 : i32 to index
      %get3A_1599 = arith.constant 0 : index
      %get3A_1600 = tpu.vector_load %arg10[%get3A_1598, %get3A_1599] {strides = array<i32>} : memref<512x128xf32, #tpu.memory_space<vmem>>, vector<16xf32>,
      %mul3A_1601 = vector.broadcast %squeeze3A_1595 : f32 to vector<16xf32>
      %mul3A_1602 = arith.mulf %get3A_1600, %mul3A_1601 : vector<16xf32>
      %add3A_1603 = vector.broadcast %squeeze3A_1593 : f32 to vector<16xf32>
      %add3A_1604 = arith.addf %mul3A_1602, %add3A_1603 : vector<16xf32>
      %add3A_1605 = arith.constant 10 : i32
      %add3A_1606 = arith.addi %mul3A_429, %add3A_1605 : i32
      %swap3A_1607 = arith.index_cast %add3A_1606 : i32 to index
      %swap3A_1608 = arith.constant 0 : index
      %swap3A_1609 = tpu.vector_load %arg10[%swap3A_1607, %swap3A_1608] {strides = array<i32>} : memref<512x128xf32, #tpu.memory_space<vmem>>, vector<16xf32>,
      tpu.vector_store %arg10[%swap3A_1607, %swap3A_1608], %add3A_1604 {strides = array<i32>} : memref<512x128xf32, #tpu.memory_space<vmem>>, vector<16xf32>,
      %add3A_1610 = arith.constant 10 : i32
      %add3A_1611 = arith.addi %mul3A_429, %add3A_1610 : i32
      %get3A_1612 = arith.index_cast %add3A_1611 : i32 to index
      %get3A_1613 = arith.constant 16 : index
      %get3A_1614 = tpu.vector_load %arg10[%get3A_1612, %get3A_1613] {strides = array<i32>} : memref<512x128xf32, #tpu.memory_space<vmem>>, vector<16xf32>,
      %mul3A_1615 = vector.broadcast %squeeze3A_1595 : f32 to vector<16xf32>
      %mul3A_1616 = arith.mulf %get3A_1614, %mul3A_1615 : vector<16xf32>
      %add3A_1617 = vector.broadcast %squeeze3A_1593 : f32 to vector<16xf32>
      %add3A_1618 = arith.addf %mul3A_1616, %add3A_1617 : vector<16xf32>
      %add3A_1619 = arith.constant 10 : i32
      %add3A_1620 = arith.addi %mul3A_429, %add3A_1619 : i32
      %swap3A_1621 = arith.index_cast %add3A_1620 : i32 to index
      %swap3A_1622 = arith.constant 16 : index
      %swap3A_1623 = tpu.vector_load %arg10[%swap3A_1621, %swap3A_1622] {strides = array<i32>} : memref<512x128xf32, #tpu.memory_space<vmem>>, vector<16xf32>,
      tpu.vector_store %arg10[%swap3A_1621, %swap3A_1622], %add3A_1618 {strides = array<i32>} : memref<512x128xf32, #tpu.memory_space<vmem>>, vector<16xf32>,
      %add3A_1624 = arith.constant 10 : i32
      %add3A_1625 = arith.addi %mul3A_429, %add3A_1624 : i32
      %get3A_1626 = arith.index_cast %add3A_1625 : i32 to index
      %get3A_1627 = arith.constant 32 : index
      %get3A_1628 = tpu.vector_load %arg10[%get3A_1626, %get3A_1627] {strides = array<i32>} : memref<512x128xf32, #tpu.memory_space<vmem>>, vector<16xf32>,
      %mul3A_1629 = vector.broadcast %squeeze3A_1595 : f32 to vector<16xf32>
      %mul3A_1630 = arith.mulf %get3A_1628, %mul3A_1629 : vector<16xf32>
      %add3A_1631 = vector.broadcast %squeeze3A_1593 : f32 to vector<16xf32>
      %add3A_1632 = arith.addf %mul3A_1630, %add3A_1631 : vector<16xf32>
      %add3A_1633 = arith.constant 10 : i32
      %add3A_1634 = arith.addi %mul3A_429, %add3A_1633 : i32
      %swap3A_1635 = arith.index_cast %add3A_1634 : i32 to index
      %swap3A_1636 = arith.constant 32 : index
      %swap3A_1637 = tpu.vector_load %arg10[%swap3A_1635, %swap3A_1636] {strides = array<i32>} : memref<512x128xf32, #tpu.memory_space<vmem>>, vector<16xf32>,
      tpu.vector_store %arg10[%swap3A_1635, %swap3A_1636], %add3A_1632 {strides = array<i32>} : memref<512x128xf32, #tpu.memory_space<vmem>>, vector<16xf32>,
      %add3A_1638 = arith.constant 10 : i32
      %add3A_1639 = arith.addi %mul3A_429, %add3A_1638 : i32
      %get3A_1640 = arith.index_cast %add3A_1639 : i32 to index
      %get3A_1641 = arith.constant 48 : index
      %get3A_1642 = tpu.vector_load %arg10[%get3A_1640, %get3A_1641] {strides = array<i32>} : memref<512x128xf32, #tpu.memory_space<vmem>>, vector<16xf32>,
      %mul3A_1643 = vector.broadcast %squeeze3A_1595 : f32 to vector<16xf32>
      %mul3A_1644 = arith.mulf %get3A_1642, %mul3A_1643 : vector<16xf32>
      %add3A_1645 = vector.broadcast %squeeze3A_1593 : f32 to vector<16xf32>
      %add3A_1646 = arith.addf %mul3A_1644, %add3A_1645 : vector<16xf32>
      %add3A_1647 = arith.constant 10 : i32
      %add3A_1648 = arith.addi %mul3A_429, %add3A_1647 : i32
      %swap3A_1649 = arith.index_cast %add3A_1648 : i32 to index
      %swap3A_1650 = arith.constant 48 : index
      %swap3A_1651 = tpu.vector_load %arg10[%swap3A_1649, %swap3A_1650] {strides = array<i32>} : memref<512x128xf32, #tpu.memory_space<vmem>>, vector<16xf32>,
      tpu.vector_store %arg10[%swap3A_1649, %swap3A_1650], %add3A_1646 {strides = array<i32>} : memref<512x128xf32, #tpu.memory_space<vmem>>, vector<16xf32>,
      %add3A_1652 = arith.constant 10 : i32
      %add3A_1653 = arith.addi %mul3A_429, %add3A_1652 : i32
      %get3A_1654 = arith.index_cast %add3A_1653 : i32 to index
      %get3A_1655 = arith.constant 64 : index
      %get3A_1656 = tpu.vector_load %arg10[%get3A_1654, %get3A_1655] {strides = array<i32>} : memref<512x128xf32, #tpu.memory_space<vmem>>, vector<16xf32>,
      %mul3A_1657 = vector.broadcast %squeeze3A_1595 : f32 to vector<16xf32>
      %mul3A_1658 = arith.mulf %get3A_1656, %mul3A_1657 : vector<16xf32>
      %add3A_1659 = vector.broadcast %squeeze3A_1593 : f32 to vector<16xf32>
      %add3A_1660 = arith.addf %mul3A_1658, %add3A_1659 : vector<16xf32>
      %add3A_1661 = arith.constant 10 : i32
      %add3A_1662 = arith.addi %mul3A_429, %add3A_1661 : i32
      %swap3A_1663 = arith.index_cast %add3A_1662 : i32 to index
      %swap3A_1664 = arith.constant 64 : index
      %swap3A_1665 = tpu.vector_load %arg10[%swap3A_1663, %swap3A_1664] {strides = array<i32>} : memref<512x128xf32, #tpu.memory_space<vmem>>, vector<16xf32>,
      tpu.vector_store %arg10[%swap3A_1663, %swap3A_1664], %add3A_1660 {strides = array<i32>} : memref<512x128xf32, #tpu.memory_space<vmem>>, vector<16xf32>,
      %add3A_1666 = arith.constant 10 : i32
      %add3A_1667 = arith.addi %mul3A_429, %add3A_1666 : i32
      %get3A_1668 = arith.index_cast %add3A_1667 : i32 to index
      %get3A_1669 = arith.constant 80 : index
      %get3A_1670 = tpu.vector_load %arg10[%get3A_1668, %get3A_1669] {strides = array<i32>} : memref<512x128xf32, #tpu.memory_space<vmem>>, vector<16xf32>,
      %mul3A_1671 = vector.broadcast %squeeze3A_1595 : f32 to vector<16xf32>
      %mul3A_1672 = arith.mulf %get3A_1670, %mul3A_1671 : vector<16xf32>
      %add3A_1673 = vector.broadcast %squeeze3A_1593 : f32 to vector<16xf32>
      %add3A_1674 = arith.addf %mul3A_1672, %add3A_1673 : vector<16xf32>
      %add3A_1675 = arith.constant 10 : i32
      %add3A_1676 = arith.addi %mul3A_429, %add3A_1675 : i32
      %swap3A_1677 = arith.index_cast %add3A_1676 : i32 to index
      %swap3A_1678 = arith.constant 80 : index
      %swap3A_1679 = tpu.vector_load %arg10[%swap3A_1677, %swap3A_1678] {strides = array<i32>} : memref<512x128xf32, #tpu.memory_space<vmem>>, vector<16xf32>,
      tpu.vector_store %arg10[%swap3A_1677, %swap3A_1678], %add3A_1674 {strides = array<i32>} : memref<512x128xf32, #tpu.memory_space<vmem>>, vector<16xf32>,
      %add3A_1680 = arith.constant 10 : i32
      %add3A_1681 = arith.addi %mul3A_429, %add3A_1680 : i32
      %get3A_1682 = arith.index_cast %add3A_1681 : i32 to index
      %get3A_1683 = arith.constant 96 : index
      %get3A_1684 = tpu.vector_load %arg10[%get3A_1682, %get3A_1683] {strides = array<i32>} : memref<512x128xf32, #tpu.memory_space<vmem>>, vector<16xf32>,
      %mul3A_1685 = vector.broadcast %squeeze3A_1595 : f32 to vector<16xf32>
      %mul3A_1686 = arith.mulf %get3A_1684, %mul3A_1685 : vector<16xf32>
      %add3A_1687 = vector.broadcast %squeeze3A_1593 : f32 to vector<16xf32>
      %add3A_1688 = arith.addf %mul3A_1686, %add3A_1687 : vector<16xf32>
      %add3A_1689 = arith.constant 10 : i32
      %add3A_1690 = arith.addi %mul3A_429, %add3A_1689 : i32
      %swap3A_1691 = arith.index_cast %add3A_1690 : i32 to index
      %swap3A_1692 = arith.constant 96 : index
      %swap3A_1693 = tpu.vector_load %arg10[%swap3A_1691, %swap3A_1692] {strides = array<i32>} : memref<512x128xf32, #tpu.memory_space<vmem>>, vector<16xf32>,
      tpu.vector_store %arg10[%swap3A_1691, %swap3A_1692], %add3A_1688 {strides = array<i32>} : memref<512x128xf32, #tpu.memory_space<vmem>>, vector<16xf32>,
      %add3A_1694 = arith.constant 10 : i32
      %add3A_1695 = arith.addi %mul3A_429, %add3A_1694 : i32
      %get3A_1696 = arith.index_cast %add3A_1695 : i32 to index
      %get3A_1697 = arith.constant 112 : index
      %get3A_1698 = tpu.vector_load %arg10[%get3A_1696, %get3A_1697] {strides = array<i32>} : memref<512x128xf32, #tpu.memory_space<vmem>>, vector<16xf32>,
      %mul3A_1699 = vector.broadcast %squeeze3A_1595 : f32 to vector<16xf32>
      %mul3A_1700 = arith.mulf %get3A_1698, %mul3A_1699 : vector<16xf32>
      %add3A_1701 = vector.broadcast %squeeze3A_1593 : f32 to vector<16xf32>
      %add3A_1702 = arith.addf %mul3A_1700, %add3A_1701 : vector<16xf32>
      %add3A_1703 = arith.constant 10 : i32
      %add3A_1704 = arith.addi %mul3A_429, %add3A_1703 : i32
      %swap3A_1705 = arith.index_cast %add3A_1704 : i32 to index
      %swap3A_1706 = arith.constant 112 : index
      %swap3A_1707 = tpu.vector_load %arg10[%swap3A_1705, %swap3A_1706] {strides = array<i32>} : memref<512x128xf32, #tpu.memory_space<vmem>>, vector<16xf32>,
      tpu.vector_store %arg10[%swap3A_1705, %swap3A_1706], %add3A_1702 {strides = array<i32>} : memref<512x128xf32, #tpu.memory_space<vmem>>, vector<16xf32>,
      %slice3A_1708 = vector.extract_strided_slice %get3A_431 {offsets = [11], sizes = [1], strides = [1]} : vector<16xf32> to vector<1xf32>
      %squeeze3A_1709 = vector.extract %slice3A_1708[0] : f32 from vector<1xf32>
      %slice3A_1710 = vector.extract_strided_slice %sub3A {offsets = [11], sizes = [1], strides = [1]} : vector<16xf32> to vector<1xf32>
      %squeeze3A_1711 = vector.extract %slice3A_1710[0] : f32 from vector<1xf32>
      %add3A_1712 = arith.constant 11 : i32
      %add3A_1713 = arith.addi %mul3A_429, %add3A_1712 : i32
      %get3A_1714 = arith.index_cast %add3A_1713 : i32 to index
      %get3A_1715 = arith.constant 0 : index
      %get3A_1716 = tpu.vector_load %arg10[%get3A_1714, %get3A_1715] {strides = array<i32>} : memref<512x128xf32, #tpu.memory_space<vmem>>, vector<16xf32>,
      %mul3A_1717 = vector.broadcast %squeeze3A_1711 : f32 to vector<16xf32>
      %mul3A_1718 = arith.mulf %get3A_1716, %mul3A_1717 : vector<16xf32>
      %add3A_1719 = vector.broadcast %squeeze3A_1709 : f32 to vector<16xf32>
      %add3A_1720 = arith.addf %mul3A_1718, %add3A_1719 : vector<16xf32>
      %add3A_1721 = arith.constant 11 : i32
      %add3A_1722 = arith.addi %mul3A_429, %add3A_1721 : i32
      %swap3A_1723 = arith.index_cast %add3A_1722 : i32 to index
      %swap3A_1724 = arith.constant 0 : index
      %swap3A_1725 = tpu.vector_load %arg10[%swap3A_1723, %swap3A_1724] {strides = array<i32>} : memref<512x128xf32, #tpu.memory_space<vmem>>, vector<16xf32>,
      tpu.vector_store %arg10[%swap3A_1723, %swap3A_1724], %add3A_1720 {strides = array<i32>} : memref<512x128xf32, #tpu.memory_space<vmem>>, vector<16xf32>,
      %add3A_1726 = arith.constant 11 : i32
      %add3A_1727 = arith.addi %mul3A_429, %add3A_1726 : i32
      %get3A_1728 = arith.index_cast %add3A_1727 : i32 to index
      %get3A_1729 = arith.constant 16 : index
      %get3A_1730 = tpu.vector_load %arg10[%get3A_1728, %get3A_1729] {strides = array<i32>} : memref<512x128xf32, #tpu.memory_space<vmem>>, vector<16xf32>,
      %mul3A_1731 = vector.broadcast %squeeze3A_1711 : f32 to vector<16xf32>
      %mul3A_1732 = arith.mulf %get3A_1730, %mul3A_1731 : vector<16xf32>
      %add3A_1733 = vector.broadcast %squeeze3A_1709 : f32 to vector<16xf32>
      %add3A_1734 = arith.addf %mul3A_1732, %add3A_1733 : vector<16xf32>
      %add3A_1735 = arith.constant 11 : i32
      %add3A_1736 = arith.addi %mul3A_429, %add3A_1735 : i32
      %swap3A_1737 = arith.index_cast %add3A_1736 : i32 to index
      %swap3A_1738 = arith.constant 16 : index
      %swap3A_1739 = tpu.vector_load %arg10[%swap3A_1737, %swap3A_1738] {strides = array<i32>} : memref<512x128xf32, #tpu.memory_space<vmem>>, vector<16xf32>,
      tpu.vector_store %arg10[%swap3A_1737, %swap3A_1738], %add3A_1734 {strides = array<i32>} : memref<512x128xf32, #tpu.memory_space<vmem>>, vector<16xf32>,
      %add3A_1740 = arith.constant 11 : i32
      %add3A_1741 = arith.addi %mul3A_429, %add3A_1740 : i32
      %get3A_1742 = arith.index_cast %add3A_1741 : i32 to index
      %get3A_1743 = arith.constant 32 : index
      %get3A_1744 = tpu.vector_load %arg10[%get3A_1742, %get3A_1743] {strides = array<i32>} : memref<512x128xf32, #tpu.memory_space<vmem>>, vector<16xf32>,
      %mul3A_1745 = vector.broadcast %squeeze3A_1711 : f32 to vector<16xf32>
      %mul3A_1746 = arith.mulf %get3A_1744, %mul3A_1745 : vector<16xf32>
      %add3A_1747 = vector.broadcast %squeeze3A_1709 : f32 to vector<16xf32>
      %add3A_1748 = arith.addf %mul3A_1746, %add3A_1747 : vector<16xf32>
      %add3A_1749 = arith.constant 11 : i32
      %add3A_1750 = arith.addi %mul3A_429, %add3A_1749 : i32
      %swap3A_1751 = arith.index_cast %add3A_1750 : i32 to index
      %swap3A_1752 = arith.constant 32 : index
      %swap3A_1753 = tpu.vector_load %arg10[%swap3A_1751, %swap3A_1752] {strides = array<i32>} : memref<512x128xf32, #tpu.memory_space<vmem>>, vector<16xf32>,
      tpu.vector_store %arg10[%swap3A_1751, %swap3A_1752], %add3A_1748 {strides = array<i32>} : memref<512x128xf32, #tpu.memory_space<vmem>>, vector<16xf32>,
      %add3A_1754 = arith.constant 11 : i32
      %add3A_1755 = arith.addi %mul3A_429, %add3A_1754 : i32
      %get3A_1756 = arith.index_cast %add3A_1755 : i32 to index
      %get3A_1757 = arith.constant 48 : index
      %get3A_1758 = tpu.vector_load %arg10[%get3A_1756, %get3A_1757] {strides = array<i32>} : memref<512x128xf32, #tpu.memory_space<vmem>>, vector<16xf32>,
      %mul3A_1759 = vector.broadcast %squeeze3A_1711 : f32 to vector<16xf32>
      %mul3A_1760 = arith.mulf %get3A_1758, %mul3A_1759 : vector<16xf32>
      %add3A_1761 = vector.broadcast %squeeze3A_1709 : f32 to vector<16xf32>
      %add3A_1762 = arith.addf %mul3A_1760, %add3A_1761 : vector<16xf32>
      %add3A_1763 = arith.constant 11 : i32
      %add3A_1764 = arith.addi %mul3A_429, %add3A_1763 : i32
      %swap3A_1765 = arith.index_cast %add3A_1764 : i32 to index
      %swap3A_1766 = arith.constant 48 : index
      %swap3A_1767 = tpu.vector_load %arg10[%swap3A_1765, %swap3A_1766] {strides = array<i32>} : memref<512x128xf32, #tpu.memory_space<vmem>>, vector<16xf32>,
      tpu.vector_store %arg10[%swap3A_1765, %swap3A_1766], %add3A_1762 {strides = array<i32>} : memref<512x128xf32, #tpu.memory_space<vmem>>, vector<16xf32>,
      %add3A_1768 = arith.constant 11 : i32
      %add3A_1769 = arith.addi %mul3A_429, %add3A_1768 : i32
      %get3A_1770 = arith.index_cast %add3A_1769 : i32 to index
      %get3A_1771 = arith.constant 64 : index
      %get3A_1772 = tpu.vector_load %arg10[%get3A_1770, %get3A_1771] {strides = array<i32>} : memref<512x128xf32, #tpu.memory_space<vmem>>, vector<16xf32>,
      %mul3A_1773 = vector.broadcast %squeeze3A_1711 : f32 to vector<16xf32>
      %mul3A_1774 = arith.mulf %get3A_1772, %mul3A_1773 : vector<16xf32>
      %add3A_1775 = vector.broadcast %squeeze3A_1709 : f32 to vector<16xf32>
      %add3A_1776 = arith.addf %mul3A_1774, %add3A_1775 : vector<16xf32>
      %add3A_1777 = arith.constant 11 : i32
      %add3A_1778 = arith.addi %mul3A_429, %add3A_1777 : i32
      %swap3A_1779 = arith.index_cast %add3A_1778 : i32 to index
      %swap3A_1780 = arith.constant 64 : index
      %swap3A_1781 = tpu.vector_load %arg10[%swap3A_1779, %swap3A_1780] {strides = array<i32>} : memref<512x128xf32, #tpu.memory_space<vmem>>, vector<16xf32>,
      tpu.vector_store %arg10[%swap3A_1779, %swap3A_1780], %add3A_1776 {strides = array<i32>} : memref<512x128xf32, #tpu.memory_space<vmem>>, vector<16xf32>,
      %add3A_1782 = arith.constant 11 : i32
      %add3A_1783 = arith.addi %mul3A_429, %add3A_1782 : i32
      %get3A_1784 = arith.index_cast %add3A_1783 : i32 to index
      %get3A_1785 = arith.constant 80 : index
      %get3A_1786 = tpu.vector_load %arg10[%get3A_1784, %get3A_1785] {strides = array<i32>} : memref<512x128xf32, #tpu.memory_space<vmem>>, vector<16xf32>,
      %mul3A_1787 = vector.broadcast %squeeze3A_1711 : f32 to vector<16xf32>
      %mul3A_1788 = arith.mulf %get3A_1786, %mul3A_1787 : vector<16xf32>
      %add3A_1789 = vector.broadcast %squeeze3A_1709 : f32 to vector<16xf32>
      %add3A_1790 = arith.addf %mul3A_1788, %add3A_1789 : vector<16xf32>
      %add3A_1791 = arith.constant 11 : i32
      %add3A_1792 = arith.addi %mul3A_429, %add3A_1791 : i32
      %swap3A_1793 = arith.index_cast %add3A_1792 : i32 to index
      %swap3A_1794 = arith.constant 80 : index
      %swap3A_1795 = tpu.vector_load %arg10[%swap3A_1793, %swap3A_1794] {strides = array<i32>} : memref<512x128xf32, #tpu.memory_space<vmem>>, vector<16xf32>,
      tpu.vector_store %arg10[%swap3A_1793, %swap3A_1794], %add3A_1790 {strides = array<i32>} : memref<512x128xf32, #tpu.memory_space<vmem>>, vector<16xf32>,
      %add3A_1796 = arith.constant 11 : i32
      %add3A_1797 = arith.addi %mul3A_429, %add3A_1796 : i32
      %get3A_1798 = arith.index_cast %add3A_1797 : i32 to index
      %get3A_1799 = arith.constant 96 : index
      %get3A_1800 = tpu.vector_load %arg10[%get3A_1798, %get3A_1799] {strides = array<i32>} : memref<512x128xf32, #tpu.memory_space<vmem>>, vector<16xf32>,
      %mul3A_1801 = vector.broadcast %squeeze3A_1711 : f32 to vector<16xf32>
      %mul3A_1802 = arith.mulf %get3A_1800, %mul3A_1801 : vector<16xf32>
      %add3A_1803 = vector.broadcast %squeeze3A_1709 : f32 to vector<16xf32>
      %add3A_1804 = arith.addf %mul3A_1802, %add3A_1803 : vector<16xf32>
      %add3A_1805 = arith.constant 11 : i32
      %add3A_1806 = arith.addi %mul3A_429, %add3A_1805 : i32
      %swap3A_1807 = arith.index_cast %add3A_1806 : i32 to index
      %swap3A_1808 = arith.constant 96 : index
      %swap3A_1809 = tpu.vector_load %arg10[%swap3A_1807, %swap3A_1808] {strides = array<i32>} : memref<512x128xf32, #tpu.memory_space<vmem>>, vector<16xf32>,
      tpu.vector_store %arg10[%swap3A_1807, %swap3A_1808], %add3A_1804 {strides = array<i32>} : memref<512x128xf32, #tpu.memory_space<vmem>>, vector<16xf32>,
      %add3A_1810 = arith.constant 11 : i32
      %add3A_1811 = arith.addi %mul3A_429, %add3A_1810 : i32
      %get3A_1812 = arith.index_cast %add3A_1811 : i32 to index
      %get3A_1813 = arith.constant 112 : index
      %get3A_1814 = tpu.vector_load %arg10[%get3A_1812, %get3A_1813] {strides = array<i32>} : memref<512x128xf32, #tpu.memory_space<vmem>>, vector<16xf32>,
      %mul3A_1815 = vector.broadcast %squeeze3A_1711 : f32 to vector<16xf32>
      %mul3A_1816 = arith.mulf %get3A_1814, %mul3A_1815 : vector<16xf32>
      %add3A_1817 = vector.broadcast %squeeze3A_1709 : f32 to vector<16xf32>
      %add3A_1818 = arith.addf %mul3A_1816, %add3A_1817 : vector<16xf32>
      %add3A_1819 = arith.constant 11 : i32
      %add3A_1820 = arith.addi %mul3A_429, %add3A_1819 : i32
      %swap3A_1821 = arith.index_cast %add3A_1820 : i32 to index
      %swap3A_1822 = arith.constant 112 : index
      %swap3A_1823 = tpu.vector_load %arg10[%swap3A_1821, %swap3A_1822] {strides = array<i32>} : memref<512x128xf32, #tpu.memory_space<vmem>>, vector<16xf32>,
      tpu.vector_store %arg10[%swap3A_1821, %swap3A_1822], %add3A_1818 {strides = array<i32>} : memref<512x128xf32, #tpu.memory_space<vmem>>, vector<16xf32>,
      %slice3A_1824 = vector.extract_strided_slice %get3A_431 {offsets = [12], sizes = [1], strides = [1]} : vector<16xf32> to vector<1xf32>
      %squeeze3A_1825 = vector.extract %slice3A_1824[0] : f32 from vector<1xf32>
      %slice3A_1826 = vector.extract_strided_slice %sub3A {offsets = [12], sizes = [1], strides = [1]} : vector<16xf32> to vector<1xf32>
      %squeeze3A_1827 = vector.extract %slice3A_1826[0] : f32 from vector<1xf32>
      %add3A_1828 = arith.constant 12 : i32
      %add3A_1829 = arith.addi %mul3A_429, %add3A_1828 : i32
      %get3A_1830 = arith.index_cast %add3A_1829 : i32 to index
      %get3A_1831 = arith.constant 0 : index
      %get3A_1832 = tpu.vector_load %arg10[%get3A_1830, %get3A_1831] {strides = array<i32>} : memref<512x128xf32, #tpu.memory_space<vmem>>, vector<16xf32>,
      %mul3A_1833 = vector.broadcast %squeeze3A_1827 : f32 to vector<16xf32>
      %mul3A_1834 = arith.mulf %get3A_1832, %mul3A_1833 : vector<16xf32>
      %add3A_1835 = vector.broadcast %squeeze3A_1825 : f32 to vector<16xf32>
      %add3A_1836 = arith.addf %mul3A_1834, %add3A_1835 : vector<16xf32>
      %add3A_1837 = arith.constant 12 : i32
      %add3A_1838 = arith.addi %mul3A_429, %add3A_1837 : i32
      %swap3A_1839 = arith.index_cast %add3A_1838 : i32 to index
      %swap3A_1840 = arith.constant 0 : index
      %swap3A_1841 = tpu.vector_load %arg10[%swap3A_1839, %swap3A_1840] {strides = array<i32>} : memref<512x128xf32, #tpu.memory_space<vmem>>, vector<16xf32>,
      tpu.vector_store %arg10[%swap3A_1839, %swap3A_1840], %add3A_1836 {strides = array<i32>} : memref<512x128xf32, #tpu.memory_space<vmem>>, vector<16xf32>,
      %add3A_1842 = arith.constant 12 : i32
      %add3A_1843 = arith.addi %mul3A_429, %add3A_1842 : i32
      %get3A_1844 = arith.index_cast %add3A_1843 : i32 to index
      %get3A_1845 = arith.constant 16 : index
      %get3A_1846 = tpu.vector_load %arg10[%get3A_1844, %get3A_1845] {strides = array<i32>} : memref<512x128xf32, #tpu.memory_space<vmem>>, vector<16xf32>,
      %mul3A_1847 = vector.broadcast %squeeze3A_1827 : f32 to vector<16xf32>
      %mul3A_1848 = arith.mulf %get3A_1846, %mul3A_1847 : vector<16xf32>
      %add3A_1849 = vector.broadcast %squeeze3A_1825 : f32 to vector<16xf32>
      %add3A_1850 = arith.addf %mul3A_1848, %add3A_1849 : vector<16xf32>
      %add3A_1851 = arith.constant 12 : i32
      %add3A_1852 = arith.addi %mul3A_429, %add3A_1851 : i32
      %swap3A_1853 = arith.index_cast %add3A_1852 : i32 to index
      %swap3A_1854 = arith.constant 16 : index
      %swap3A_1855 = tpu.vector_load %arg10[%swap3A_1853, %swap3A_1854] {strides = array<i32>} : memref<512x128xf32, #tpu.memory_space<vmem>>, vector<16xf32>,
      tpu.vector_store %arg10[%swap3A_1853, %swap3A_1854], %add3A_1850 {strides = array<i32>} : memref<512x128xf32, #tpu.memory_space<vmem>>, vector<16xf32>,
      %add3A_1856 = arith.constant 12 : i32
      %add3A_1857 = arith.addi %mul3A_429, %add3A_1856 : i32
      %get3A_1858 = arith.index_cast %add3A_1857 : i32 to index
      %get3A_1859 = arith.constant 32 : index
      %get3A_1860 = tpu.vector_load %arg10[%get3A_1858, %get3A_1859] {strides = array<i32>} : memref<512x128xf32, #tpu.memory_space<vmem>>, vector<16xf32>,
      %mul3A_1861 = vector.broadcast %squeeze3A_1827 : f32 to vector<16xf32>
      %mul3A_1862 = arith.mulf %get3A_1860, %mul3A_1861 : vector<16xf32>
      %add3A_1863 = vector.broadcast %squeeze3A_1825 : f32 to vector<16xf32>
      %add3A_1864 = arith.addf %mul3A_1862, %add3A_1863 : vector<16xf32>
      %add3A_1865 = arith.constant 12 : i32
      %add3A_1866 = arith.addi %mul3A_429, %add3A_1865 : i32
      %swap3A_1867 = arith.index_cast %add3A_1866 : i32 to index
      %swap3A_1868 = arith.constant 32 : index
      %swap3A_1869 = tpu.vector_load %arg10[%swap3A_1867, %swap3A_1868] {strides = array<i32>} : memref<512x128xf32, #tpu.memory_space<vmem>>, vector<16xf32>,
      tpu.vector_store %arg10[%swap3A_1867, %swap3A_1868], %add3A_1864 {strides = array<i32>} : memref<512x128xf32, #tpu.memory_space<vmem>>, vector<16xf32>,
      %add3A_1870 = arith.constant 12 : i32
      %add3A_1871 = arith.addi %mul3A_429, %add3A_1870 : i32
      %get3A_1872 = arith.index_cast %add3A_1871 : i32 to index
      %get3A_1873 = arith.constant 48 : index
      %get3A_1874 = tpu.vector_load %arg10[%get3A_1872, %get3A_1873] {strides = array<i32>} : memref<512x128xf32, #tpu.memory_space<vmem>>, vector<16xf32>,
      %mul3A_1875 = vector.broadcast %squeeze3A_1827 : f32 to vector<16xf32>
      %mul3A_1876 = arith.mulf %get3A_1874, %mul3A_1875 : vector<16xf32>
      %add3A_1877 = vector.broadcast %squeeze3A_1825 : f32 to vector<16xf32>
      %add3A_1878 = arith.addf %mul3A_1876, %add3A_1877 : vector<16xf32>
      %add3A_1879 = arith.constant 12 : i32
      %add3A_1880 = arith.addi %mul3A_429, %add3A_1879 : i32
      %swap3A_1881 = arith.index_cast %add3A_1880 : i32 to index
      %swap3A_1882 = arith.constant 48 : index
      %swap3A_1883 = tpu.vector_load %arg10[%swap3A_1881, %swap3A_1882] {strides = array<i32>} : memref<512x128xf32, #tpu.memory_space<vmem>>, vector<16xf32>,
      tpu.vector_store %arg10[%swap3A_1881, %swap3A_1882], %add3A_1878 {strides = array<i32>} : memref<512x128xf32, #tpu.memory_space<vmem>>, vector<16xf32>,
      %add3A_1884 = arith.constant 12 : i32
      %add3A_1885 = arith.addi %mul3A_429, %add3A_1884 : i32
      %get3A_1886 = arith.index_cast %add3A_1885 : i32 to index
      %get3A_1887 = arith.constant 64 : index
      %get3A_1888 = tpu.vector_load %arg10[%get3A_1886, %get3A_1887] {strides = array<i32>} : memref<512x128xf32, #tpu.memory_space<vmem>>, vector<16xf32>,
      %mul3A_1889 = vector.broadcast %squeeze3A_1827 : f32 to vector<16xf32>
      %mul3A_1890 = arith.mulf %get3A_1888, %mul3A_1889 : vector<16xf32>
      %add3A_1891 = vector.broadcast %squeeze3A_1825 : f32 to vector<16xf32>
      %add3A_1892 = arith.addf %mul3A_1890, %add3A_1891 : vector<16xf32>
      %add3A_1893 = arith.constant 12 : i32
      %add3A_1894 = arith.addi %mul3A_429, %add3A_1893 : i32
      %swap3A_1895 = arith.index_cast %add3A_1894 : i32 to index
      %swap3A_1896 = arith.constant 64 : index
      %swap3A_1897 = tpu.vector_load %arg10[%swap3A_1895, %swap3A_1896] {strides = array<i32>} : memref<512x128xf32, #tpu.memory_space<vmem>>, vector<16xf32>,
      tpu.vector_store %arg10[%swap3A_1895, %swap3A_1896], %add3A_1892 {strides = array<i32>} : memref<512x128xf32, #tpu.memory_space<vmem>>, vector<16xf32>,
      %add3A_1898 = arith.constant 12 : i32
      %add3A_1899 = arith.addi %mul3A_429, %add3A_1898 : i32
      %get3A_1900 = arith.index_cast %add3A_1899 : i32 to index
      %get3A_1901 = arith.constant 80 : index
      %get3A_1902 = tpu.vector_load %arg10[%get3A_1900, %get3A_1901] {strides = array<i32>} : memref<512x128xf32, #tpu.memory_space<vmem>>, vector<16xf32>,
      %mul3A_1903 = vector.broadcast %squeeze3A_1827 : f32 to vector<16xf32>
      %mul3A_1904 = arith.mulf %get3A_1902, %mul3A_1903 : vector<16xf32>
      %add3A_1905 = vector.broadcast %squeeze3A_1825 : f32 to vector<16xf32>
      %add3A_1906 = arith.addf %mul3A_1904, %add3A_1905 : vector<16xf32>
      %add3A_1907 = arith.constant 12 : i32
      %add3A_1908 = arith.addi %mul3A_429, %add3A_1907 : i32
      %swap3A_1909 = arith.index_cast %add3A_1908 : i32 to index
      %swap3A_1910 = arith.constant 80 : index
      %swap3A_1911 = tpu.vector_load %arg10[%swap3A_1909, %swap3A_1910] {strides = array<i32>} : memref<512x128xf32, #tpu.memory_space<vmem>>, vector<16xf32>,
      tpu.vector_store %arg10[%swap3A_1909, %swap3A_1910], %add3A_1906 {strides = array<i32>} : memref<512x128xf32, #tpu.memory_space<vmem>>, vector<16xf32>,
      %add3A_1912 = arith.constant 12 : i32
      %add3A_1913 = arith.addi %mul3A_429, %add3A_1912 : i32
      %get3A_1914 = arith.index_cast %add3A_1913 : i32 to index
      %get3A_1915 = arith.constant 96 : index
      %get3A_1916 = tpu.vector_load %arg10[%get3A_1914, %get3A_1915] {strides = array<i32>} : memref<512x128xf32, #tpu.memory_space<vmem>>, vector<16xf32>,
      %mul3A_1917 = vector.broadcast %squeeze3A_1827 : f32 to vector<16xf32>
      %mul3A_1918 = arith.mulf %get3A_1916, %mul3A_1917 : vector<16xf32>
      %add3A_1919 = vector.broadcast %squeeze3A_1825 : f32 to vector<16xf32>
      %add3A_1920 = arith.addf %mul3A_1918, %add3A_1919 : vector<16xf32>
      %add3A_1921 = arith.constant 12 : i32
      %add3A_1922 = arith.addi %mul3A_429, %add3A_1921 : i32
      %swap3A_1923 = arith.index_cast %add3A_1922 : i32 to index
      %swap3A_1924 = arith.constant 96 : index
      %swap3A_1925 = tpu.vector_load %arg10[%swap3A_1923, %swap3A_1924] {strides = array<i32>} : memref<512x128xf32, #tpu.memory_space<vmem>>, vector<16xf32>,
      tpu.vector_store %arg10[%swap3A_1923, %swap3A_1924], %add3A_1920 {strides = array<i32>} : memref<512x128xf32, #tpu.memory_space<vmem>>, vector<16xf32>,
      %add3A_1926 = arith.constant 12 : i32
      %add3A_1927 = arith.addi %mul3A_429, %add3A_1926 : i32
      %get3A_1928 = arith.index_cast %add3A_1927 : i32 to index
      %get3A_1929 = arith.constant 112 : index
      %get3A_1930 = tpu.vector_load %arg10[%get3A_1928, %get3A_1929] {strides = array<i32>} : memref<512x128xf32, #tpu.memory_space<vmem>>, vector<16xf32>,
      %mul3A_1931 = vector.broadcast %squeeze3A_1827 : f32 to vector<16xf32>
      %mul3A_1932 = arith.mulf %get3A_1930, %mul3A_1931 : vector<16xf32>
      %add3A_1933 = vector.broadcast %squeeze3A_1825 : f32 to vector<16xf32>
      %add3A_1934 = arith.addf %mul3A_1932, %add3A_1933 : vector<16xf32>
      %add3A_1935 = arith.constant 12 : i32
      %add3A_1936 = arith.addi %mul3A_429, %add3A_1935 : i32
      %swap3A_1937 = arith.index_cast %add3A_1936 : i32 to index
      %swap3A_1938 = arith.constant 112 : index
      %swap3A_1939 = tpu.vector_load %arg10[%swap3A_1937, %swap3A_1938] {strides = array<i32>} : memref<512x128xf32, #tpu.memory_space<vmem>>, vector<16xf32>,
      tpu.vector_store %arg10[%swap3A_1937, %swap3A_1938], %add3A_1934 {strides = array<i32>} : memref<512x128xf32, #tpu.memory_space<vmem>>, vector<16xf32>,
      %slice3A_1940 = vector.extract_strided_slice %get3A_431 {offsets = [13], sizes = [1], strides = [1]} : vector<16xf32> to vector<1xf32>
      %squeeze3A_1941 = vector.extract %slice3A_1940[0] : f32 from vector<1xf32>
      %slice3A_1942 = vector.extract_strided_slice %sub3A {offsets = [13], sizes = [1], strides = [1]} : vector<16xf32> to vector<1xf32>
      %squeeze3A_1943 = vector.extract %slice3A_1942[0] : f32 from vector<1xf32>
      %add3A_1944 = arith.constant 13 : i32
      %add3A_1945 = arith.addi %mul3A_429, %add3A_1944 : i32
      %get3A_1946 = arith.index_cast %add3A_1945 : i32 to index
      %get3A_1947 = arith.constant 0 : index
      %get3A_1948 = tpu.vector_load %arg10[%get3A_1946, %get3A_1947] {strides = array<i32>} : memref<512x128xf32, #tpu.memory_space<vmem>>, vector<16xf32>,
      %mul3A_1949 = vector.broadcast %squeeze3A_1943 : f32 to vector<16xf32>
      %mul3A_1950 = arith.mulf %get3A_1948, %mul3A_1949 : vector<16xf32>
      %add3A_1951 = vector.broadcast %squeeze3A_1941 : f32 to vector<16xf32>
      %add3A_1952 = arith.addf %mul3A_1950, %add3A_1951 : vector<16xf32>
      %add3A_1953 = arith.constant 13 : i32
      %add3A_1954 = arith.addi %mul3A_429, %add3A_1953 : i32
      %swap3A_1955 = arith.index_cast %add3A_1954 : i32 to index
      %swap3A_1956 = arith.constant 0 : index
      %swap3A_1957 = tpu.vector_load %arg10[%swap3A_1955, %swap3A_1956] {strides = array<i32>} : memref<512x128xf32, #tpu.memory_space<vmem>>, vector<16xf32>,
      tpu.vector_store %arg10[%swap3A_1955, %swap3A_1956], %add3A_1952 {strides = array<i32>} : memref<512x128xf32, #tpu.memory_space<vmem>>, vector<16xf32>,
      %add3A_1958 = arith.constant 13 : i32
      %add3A_1959 = arith.addi %mul3A_429, %add3A_1958 : i32
      %get3A_1960 = arith.index_cast %add3A_1959 : i32 to index
      %get3A_1961 = arith.constant 16 : index
      %get3A_1962 = tpu.vector_load %arg10[%get3A_1960, %get3A_1961] {strides = array<i32>} : memref<512x128xf32, #tpu.memory_space<vmem>>, vector<16xf32>,
      %mul3A_1963 = vector.broadcast %squeeze3A_1943 : f32 to vector<16xf32>
      %mul3A_1964 = arith.mulf %get3A_1962, %mul3A_1963 : vector<16xf32>
      %add3A_1965 = vector.broadcast %squeeze3A_1941 : f32 to vector<16xf32>
      %add3A_1966 = arith.addf %mul3A_1964, %add3A_1965 : vector<16xf32>
      %add3A_1967 = arith.constant 13 : i32
      %add3A_1968 = arith.addi %mul3A_429, %add3A_1967 : i32
      %swap3A_1969 = arith.index_cast %add3A_1968 : i32 to index
      %swap3A_1970 = arith.constant 16 : index
      %swap3A_1971 = tpu.vector_load %arg10[%swap3A_1969, %swap3A_1970] {strides = array<i32>} : memref<512x128xf32, #tpu.memory_space<vmem>>, vector<16xf32>,
      tpu.vector_store %arg10[%swap3A_1969, %swap3A_1970], %add3A_1966 {strides = array<i32>} : memref<512x128xf32, #tpu.memory_space<vmem>>, vector<16xf32>,
      %add3A_1972 = arith.constant 13 : i32
      %add3A_1973 = arith.addi %mul3A_429, %add3A_1972 : i32
      %get3A_1974 = arith.index_cast %add3A_1973 : i32 to index
      %get3A_1975 = arith.constant 32 : index
      %get3A_1976 = tpu.vector_load %arg10[%get3A_1974, %get3A_1975] {strides = array<i32>} : memref<512x128xf32, #tpu.memory_space<vmem>>, vector<16xf32>,
      %mul3A_1977 = vector.broadcast %squeeze3A_1943 : f32 to vector<16xf32>
      %mul3A_1978 = arith.mulf %get3A_1976, %mul3A_1977 : vector<16xf32>
      %add3A_1979 = vector.broadcast %squeeze3A_1941 : f32 to vector<16xf32>
      %add3A_1980 = arith.addf %mul3A_1978, %add3A_1979 : vector<16xf32>
      %add3A_1981 = arith.constant 13 : i32
      %add3A_1982 = arith.addi %mul3A_429, %add3A_1981 : i32
      %swap3A_1983 = arith.index_cast %add3A_1982 : i32 to index
      %swap3A_1984 = arith.constant 32 : index
      %swap3A_1985 = tpu.vector_load %arg10[%swap3A_1983, %swap3A_1984] {strides = array<i32>} : memref<512x128xf32, #tpu.memory_space<vmem>>, vector<16xf32>,
      tpu.vector_store %arg10[%swap3A_1983, %swap3A_1984], %add3A_1980 {strides = array<i32>} : memref<512x128xf32, #tpu.memory_space<vmem>>, vector<16xf32>,
      %add3A_1986 = arith.constant 13 : i32
      %add3A_1987 = arith.addi %mul3A_429, %add3A_1986 : i32
      %get3A_1988 = arith.index_cast %add3A_1987 : i32 to index
      %get3A_1989 = arith.constant 48 : index
      %get3A_1990 = tpu.vector_load %arg10[%get3A_1988, %get3A_1989] {strides = array<i32>} : memref<512x128xf32, #tpu.memory_space<vmem>>, vector<16xf32>,
      %mul3A_1991 = vector.broadcast %squeeze3A_1943 : f32 to vector<16xf32>
      %mul3A_1992 = arith.mulf %get3A_1990, %mul3A_1991 : vector<16xf32>
      %add3A_1993 = vector.broadcast %squeeze3A_1941 : f32 to vector<16xf32>
      %add3A_1994 = arith.addf %mul3A_1992, %add3A_1993 : vector<16xf32>
      %add3A_1995 = arith.constant 13 : i32
      %add3A_1996 = arith.addi %mul3A_429, %add3A_1995 : i32
      %swap3A_1997 = arith.index_cast %add3A_1996 : i32 to index
      %swap3A_1998 = arith.constant 48 : index
      %swap3A_1999 = tpu.vector_load %arg10[%swap3A_1997, %swap3A_1998] {strides = array<i32>} : memref<512x128xf32, #tpu.memory_space<vmem>>, vector<16xf32>,
      tpu.vector_store %arg10[%swap3A_1997, %swap3A_1998], %add3A_1994 {strides = array<i32>} : memref<512x128xf32, #tpu.memory_space<vmem>>, vector<16xf32>,
      %add3A_2000 = arith.constant 13 : i32
      %add3A_2001 = arith.addi %mul3A_429, %add3A_2000 : i32
      %get3A_2002 = arith.index_cast %add3A_2001 : i32 to index
      %get3A_2003 = arith.constant 64 : index
      %get3A_2004 = tpu.vector_load %arg10[%get3A_2002, %get3A_2003] {strides = array<i32>} : memref<512x128xf32, #tpu.memory_space<vmem>>, vector<16xf32>,
      %mul3A_2005 = vector.broadcast %squeeze3A_1943 : f32 to vector<16xf32>
      %mul3A_2006 = arith.mulf %get3A_2004, %mul3A_2005 : vector<16xf32>
      %add3A_2007 = vector.broadcast %squeeze3A_1941 : f32 to vector<16xf32>
      %add3A_2008 = arith.addf %mul3A_2006, %add3A_2007 : vector<16xf32>
      %add3A_2009 = arith.constant 13 : i32
      %add3A_2010 = arith.addi %mul3A_429, %add3A_2009 : i32
      %swap3A_2011 = arith.index_cast %add3A_2010 : i32 to index
      %swap3A_2012 = arith.constant 64 : index
      %swap3A_2013 = tpu.vector_load %arg10[%swap3A_2011, %swap3A_2012] {strides = array<i32>} : memref<512x128xf32, #tpu.memory_space<vmem>>, vector<16xf32>,
      tpu.vector_store %arg10[%swap3A_2011, %swap3A_2012], %add3A_2008 {strides = array<i32>} : memref<512x128xf32, #tpu.memory_space<vmem>>, vector<16xf32>,
      %add3A_2014 = arith.constant 13 : i32
      %add3A_2015 = arith.addi %mul3A_429, %add3A_2014 : i32
      %get3A_2016 = arith.index_cast %add3A_2015 : i32 to index
      %get3A_2017 = arith.constant 80 : index
      %get3A_2018 = tpu.vector_load %arg10[%get3A_2016, %get3A_2017] {strides = array<i32>} : memref<512x128xf32, #tpu.memory_space<vmem>>, vector<16xf32>,
      %mul3A_2019 = vector.broadcast %squeeze3A_1943 : f32 to vector<16xf32>
      %mul3A_2020 = arith.mulf %get3A_2018, %mul3A_2019 : vector<16xf32>
      %add3A_2021 = vector.broadcast %squeeze3A_1941 : f32 to vector<16xf32>
      %add3A_2022 = arith.addf %mul3A_2020, %add3A_2021 : vector<16xf32>
      %add3A_2023 = arith.constant 13 : i32
      %add3A_2024 = arith.addi %mul3A_429, %add3A_2023 : i32
      %swap3A_2025 = arith.index_cast %add3A_2024 : i32 to index
      %swap3A_2026 = arith.constant 80 : index
      %swap3A_2027 = tpu.vector_load %arg10[%swap3A_2025, %swap3A_2026] {strides = array<i32>} : memref<512x128xf32, #tpu.memory_space<vmem>>, vector<16xf32>,
      tpu.vector_store %arg10[%swap3A_2025, %swap3A_2026], %add3A_2022 {strides = array<i32>} : memref<512x128xf32, #tpu.memory_space<vmem>>, vector<16xf32>,
      %add3A_2028 = arith.constant 13 : i32
      %add3A_2029 = arith.addi %mul3A_429, %add3A_2028 : i32
      %get3A_2030 = arith.index_cast %add3A_2029 : i32 to index
      %get3A_2031 = arith.constant 96 : index
      %get3A_2032 = tpu.vector_load %arg10[%get3A_2030, %get3A_2031] {strides = array<i32>} : memref<512x128xf32, #tpu.memory_space<vmem>>, vector<16xf32>,
      %mul3A_2033 = vector.broadcast %squeeze3A_1943 : f32 to vector<16xf32>
      %mul3A_2034 = arith.mulf %get3A_2032, %mul3A_2033 : vector<16xf32>
      %add3A_2035 = vector.broadcast %squeeze3A_1941 : f32 to vector<16xf32>
      %add3A_2036 = arith.addf %mul3A_2034, %add3A_2035 : vector<16xf32>
      %add3A_2037 = arith.constant 13 : i32
      %add3A_2038 = arith.addi %mul3A_429, %add3A_2037 : i32
      %swap3A_2039 = arith.index_cast %add3A_2038 : i32 to index
      %swap3A_2040 = arith.constant 96 : index
      %swap3A_2041 = tpu.vector_load %arg10[%swap3A_2039, %swap3A_2040] {strides = array<i32>} : memref<512x128xf32, #tpu.memory_space<vmem>>, vector<16xf32>,
      tpu.vector_store %arg10[%swap3A_2039, %swap3A_2040], %add3A_2036 {strides = array<i32>} : memref<512x128xf32, #tpu.memory_space<vmem>>, vector<16xf32>,
      %add3A_2042 = arith.constant 13 : i32
      %add3A_2043 = arith.addi %mul3A_429, %add3A_2042 : i32
      %get3A_2044 = arith.index_cast %add3A_2043 : i32 to index
      %get3A_2045 = arith.constant 112 : index
      %get3A_2046 = tpu.vector_load %arg10[%get3A_2044, %get3A_2045] {strides = array<i32>} : memref<512x128xf32, #tpu.memory_space<vmem>>, vector<16xf32>,
      %mul3A_2047 = vector.broadcast %squeeze3A_1943 : f32 to vector<16xf32>
      %mul3A_2048 = arith.mulf %get3A_2046, %mul3A_2047 : vector<16xf32>
      %add3A_2049 = vector.broadcast %squeeze3A_1941 : f32 to vector<16xf32>
      %add3A_2050 = arith.addf %mul3A_2048, %add3A_2049 : vector<16xf32>
      %add3A_2051 = arith.constant 13 : i32
      %add3A_2052 = arith.addi %mul3A_429, %add3A_2051 : i32
      %swap3A_2053 = arith.index_cast %add3A_2052 : i32 to index
      %swap3A_2054 = arith.constant 112 : index
      %swap3A_2055 = tpu.vector_load %arg10[%swap3A_2053, %swap3A_2054] {strides = array<i32>} : memref<512x128xf32, #tpu.memory_space<vmem>>, vector<16xf32>,
      tpu.vector_store %arg10[%swap3A_2053, %swap3A_2054], %add3A_2050 {strides = array<i32>} : memref<512x128xf32, #tpu.memory_space<vmem>>, vector<16xf32>,
      %slice3A_2056 = vector.extract_strided_slice %get3A_431 {offsets = [14], sizes = [1], strides = [1]} : vector<16xf32> to vector<1xf32>
      %squeeze3A_2057 = vector.extract %slice3A_2056[0] : f32 from vector<1xf32>
      %slice3A_2058 = vector.extract_strided_slice %sub3A {offsets = [14], sizes = [1], strides = [1]} : vector<16xf32> to vector<1xf32>
      %squeeze3A_2059 = vector.extract %slice3A_2058[0] : f32 from vector<1xf32>
      %add3A_2060 = arith.constant 14 : i32
      %add3A_2061 = arith.addi %mul3A_429, %add3A_2060 : i32
      %get3A_2062 = arith.index_cast %add3A_2061 : i32 to index
      %get3A_2063 = arith.constant 0 : index
      %get3A_2064 = tpu.vector_load %arg10[%get3A_2062, %get3A_2063] {strides = array<i32>} : memref<512x128xf32, #tpu.memory_space<vmem>>, vector<16xf32>,
      %mul3A_2065 = vector.broadcast %squeeze3A_2059 : f32 to vector<16xf32>
      %mul3A_2066 = arith.mulf %get3A_2064, %mul3A_2065 : vector<16xf32>
      %add3A_2067 = vector.broadcast %squeeze3A_2057 : f32 to vector<16xf32>
      %add3A_2068 = arith.addf %mul3A_2066, %add3A_2067 : vector<16xf32>
      %add3A_2069 = arith.constant 14 : i32
      %add3A_2070 = arith.addi %mul3A_429, %add3A_2069 : i32
      %swap3A_2071 = arith.index_cast %add3A_2070 : i32 to index
      %swap3A_2072 = arith.constant 0 : index
      %swap3A_2073 = tpu.vector_load %arg10[%swap3A_2071, %swap3A_2072] {strides = array<i32>} : memref<512x128xf32, #tpu.memory_space<vmem>>, vector<16xf32>,
      tpu.vector_store %arg10[%swap3A_2071, %swap3A_2072], %add3A_2068 {strides = array<i32>} : memref<512x128xf32, #tpu.memory_space<vmem>>, vector<16xf32>,
      %add3A_2074 = arith.constant 14 : i32
      %add3A_2075 = arith.addi %mul3A_429, %add3A_2074 : i32
      %get3A_2076 = arith.index_cast %add3A_2075 : i32 to index
      %get3A_2077 = arith.constant 16 : index
      %get3A_2078 = tpu.vector_load %arg10[%get3A_2076, %get3A_2077] {strides = array<i32>} : memref<512x128xf32, #tpu.memory_space<vmem>>, vector<16xf32>,
      %mul3A_2079 = vector.broadcast %squeeze3A_2059 : f32 to vector<16xf32>
      %mul3A_2080 = arith.mulf %get3A_2078, %mul3A_2079 : vector<16xf32>
      %add3A_2081 = vector.broadcast %squeeze3A_2057 : f32 to vector<16xf32>
      %add3A_2082 = arith.addf %mul3A_2080, %add3A_2081 : vector<16xf32>
      %add3A_2083 = arith.constant 14 : i32
      %add3A_2084 = arith.addi %mul3A_429, %add3A_2083 : i32
      %swap3A_2085 = arith.index_cast %add3A_2084 : i32 to index
      %swap3A_2086 = arith.constant 16 : index
      %swap3A_2087 = tpu.vector_load %arg10[%swap3A_2085, %swap3A_2086] {strides = array<i32>} : memref<512x128xf32, #tpu.memory_space<vmem>>, vector<16xf32>,
      tpu.vector_store %arg10[%swap3A_2085, %swap3A_2086], %add3A_2082 {strides = array<i32>} : memref<512x128xf32, #tpu.memory_space<vmem>>, vector<16xf32>,
      %add3A_2088 = arith.constant 14 : i32
      %add3A_2089 = arith.addi %mul3A_429, %add3A_2088 : i32
      %get3A_2090 = arith.index_cast %add3A_2089 : i32 to index
      %get3A_2091 = arith.constant 32 : index
      %get3A_2092 = tpu.vector_load %arg10[%get3A_2090, %get3A_2091] {strides = array<i32>} : memref<512x128xf32, #tpu.memory_space<vmem>>, vector<16xf32>,
      %mul3A_2093 = vector.broadcast %squeeze3A_2059 : f32 to vector<16xf32>
      %mul3A_2094 = arith.mulf %get3A_2092, %mul3A_2093 : vector<16xf32>
      %add3A_2095 = vector.broadcast %squeeze3A_2057 : f32 to vector<16xf32>
      %add3A_2096 = arith.addf %mul3A_2094, %add3A_2095 : vector<16xf32>
      %add3A_2097 = arith.constant 14 : i32
      %add3A_2098 = arith.addi %mul3A_429, %add3A_2097 : i32
      %swap3A_2099 = arith.index_cast %add3A_2098 : i32 to index
      %swap3A_2100 = arith.constant 32 : index
      %swap3A_2101 = tpu.vector_load %arg10[%swap3A_2099, %swap3A_2100] {strides = array<i32>} : memref<512x128xf32, #tpu.memory_space<vmem>>, vector<16xf32>,
      tpu.vector_store %arg10[%swap3A_2099, %swap3A_2100], %add3A_2096 {strides = array<i32>} : memref<512x128xf32, #tpu.memory_space<vmem>>, vector<16xf32>,
      %add3A_2102 = arith.constant 14 : i32
      %add3A_2103 = arith.addi %mul3A_429, %add3A_2102 : i32
      %get3A_2104 = arith.index_cast %add3A_2103 : i32 to index
      %get3A_2105 = arith.constant 48 : index
      %get3A_2106 = tpu.vector_load %arg10[%get3A_2104, %get3A_2105] {strides = array<i32>} : memref<512x128xf32, #tpu.memory_space<vmem>>, vector<16xf32>,
      %mul3A_2107 = vector.broadcast %squeeze3A_2059 : f32 to vector<16xf32>
      %mul3A_2108 = arith.mulf %get3A_2106, %mul3A_2107 : vector<16xf32>
      %add3A_2109 = vector.broadcast %squeeze3A_2057 : f32 to vector<16xf32>
      %add3A_2110 = arith.addf %mul3A_2108, %add3A_2109 : vector<16xf32>
      %add3A_2111 = arith.constant 14 : i32
      %add3A_2112 = arith.addi %mul3A_429, %add3A_2111 : i32
      %swap3A_2113 = arith.index_cast %add3A_2112 : i32 to index
      %swap3A_2114 = arith.constant 48 : index
      %swap3A_2115 = tpu.vector_load %arg10[%swap3A_2113, %swap3A_2114] {strides = array<i32>} : memref<512x128xf32, #tpu.memory_space<vmem>>, vector<16xf32>,
      tpu.vector_store %arg10[%swap3A_2113, %swap3A_2114], %add3A_2110 {strides = array<i32>} : memref<512x128xf32, #tpu.memory_space<vmem>>, vector<16xf32>,
      %add3A_2116 = arith.constant 14 : i32
      %add3A_2117 = arith.addi %mul3A_429, %add3A_2116 : i32
      %get3A_2118 = arith.index_cast %add3A_2117 : i32 to index
      %get3A_2119 = arith.constant 64 : index
      %get3A_2120 = tpu.vector_load %arg10[%get3A_2118, %get3A_2119] {strides = array<i32>} : memref<512x128xf32, #tpu.memory_space<vmem>>, vector<16xf32>,
      %mul3A_2121 = vector.broadcast %squeeze3A_2059 : f32 to vector<16xf32>
      %mul3A_2122 = arith.mulf %get3A_2120, %mul3A_2121 : vector<16xf32>
      %add3A_2123 = vector.broadcast %squeeze3A_2057 : f32 to vector<16xf32>
      %add3A_2124 = arith.addf %mul3A_2122, %add3A_2123 : vector<16xf32>
      %add3A_2125 = arith.constant 14 : i32
      %add3A_2126 = arith.addi %mul3A_429, %add3A_2125 : i32
      %swap3A_2127 = arith.index_cast %add3A_2126 : i32 to index
      %swap3A_2128 = arith.constant 64 : index
      %swap3A_2129 = tpu.vector_load %arg10[%swap3A_2127, %swap3A_2128] {strides = array<i32>} : memref<512x128xf32, #tpu.memory_space<vmem>>, vector<16xf32>,
      tpu.vector_store %arg10[%swap3A_2127, %swap3A_2128], %add3A_2124 {strides = array<i32>} : memref<512x128xf32, #tpu.memory_space<vmem>>, vector<16xf32>,
      %add3A_2130 = arith.constant 14 : i32
      %add3A_2131 = arith.addi %mul3A_429, %add3A_2130 : i32
      %get3A_2132 = arith.index_cast %add3A_2131 : i32 to index
      %get3A_2133 = arith.constant 80 : index
      %get3A_2134 = tpu.vector_load %arg10[%get3A_2132, %get3A_2133] {strides = array<i32>} : memref<512x128xf32, #tpu.memory_space<vmem>>, vector<16xf32>,
      %mul3A_2135 = vector.broadcast %squeeze3A_2059 : f32 to vector<16xf32>
      %mul3A_2136 = arith.mulf %get3A_2134, %mul3A_2135 : vector<16xf32>
      %add3A_2137 = vector.broadcast %squeeze3A_2057 : f32 to vector<16xf32>
      %add3A_2138 = arith.addf %mul3A_2136, %add3A_2137 : vector<16xf32>
      %add3A_2139 = arith.constant 14 : i32
      %add3A_2140 = arith.addi %mul3A_429, %add3A_2139 : i32
      %swap3A_2141 = arith.index_cast %add3A_2140 : i32 to index
      %swap3A_2142 = arith.constant 80 : index
      %swap3A_2143 = tpu.vector_load %arg10[%swap3A_2141, %swap3A_2142] {strides = array<i32>} : memref<512x128xf32, #tpu.memory_space<vmem>>, vector<16xf32>,
      tpu.vector_store %arg10[%swap3A_2141, %swap3A_2142], %add3A_2138 {strides = array<i32>} : memref<512x128xf32, #tpu.memory_space<vmem>>, vector<16xf32>,
      %add3A_2144 = arith.constant 14 : i32
      %add3A_2145 = arith.addi %mul3A_429, %add3A_2144 : i32
      %get3A_2146 = arith.index_cast %add3A_2145 : i32 to index
      %get3A_2147 = arith.constant 96 : index
      %get3A_2148 = tpu.vector_load %arg10[%get3A_2146, %get3A_2147] {strides = array<i32>} : memref<512x128xf32, #tpu.memory_space<vmem>>, vector<16xf32>,
      %mul3A_2149 = vector.broadcast %squeeze3A_2059 : f32 to vector<16xf32>
      %mul3A_2150 = arith.mulf %get3A_2148, %mul3A_2149 : vector<16xf32>
      %add3A_2151 = vector.broadcast %squeeze3A_2057 : f32 to vector<16xf32>
      %add3A_2152 = arith.addf %mul3A_2150, %add3A_2151 : vector<16xf32>
      %add3A_2153 = arith.constant 14 : i32
      %add3A_2154 = arith.addi %mul3A_429, %add3A_2153 : i32
      %swap3A_2155 = arith.index_cast %add3A_2154 : i32 to index
      %swap3A_2156 = arith.constant 96 : index
      %swap3A_2157 = tpu.vector_load %arg10[%swap3A_2155, %swap3A_2156] {strides = array<i32>} : memref<512x128xf32, #tpu.memory_space<vmem>>, vector<16xf32>,
      tpu.vector_store %arg10[%swap3A_2155, %swap3A_2156], %add3A_2152 {strides = array<i32>} : memref<512x128xf32, #tpu.memory_space<vmem>>, vector<16xf32>,
      %add3A_2158 = arith.constant 14 : i32
      %add3A_2159 = arith.addi %mul3A_429, %add3A_2158 : i32
      %get3A_2160 = arith.index_cast %add3A_2159 : i32 to index
      %get3A_2161 = arith.constant 112 : index
      %get3A_2162 = tpu.vector_load %arg10[%get3A_2160, %get3A_2161] {strides = array<i32>} : memref<512x128xf32, #tpu.memory_space<vmem>>, vector<16xf32>,
      %mul3A_2163 = vector.broadcast %squeeze3A_2059 : f32 to vector<16xf32>
      %mul3A_2164 = arith.mulf %get3A_2162, %mul3A_2163 : vector<16xf32>
      %add3A_2165 = vector.broadcast %squeeze3A_2057 : f32 to vector<16xf32>
      %add3A_2166 = arith.addf %mul3A_2164, %add3A_2165 : vector<16xf32>
      %add3A_2167 = arith.constant 14 : i32
      %add3A_2168 = arith.addi %mul3A_429, %add3A_2167 : i32
      %swap3A_2169 = arith.index_cast %add3A_2168 : i32 to index
      %swap3A_2170 = arith.constant 112 : index
      %swap3A_2171 = tpu.vector_load %arg10[%swap3A_2169, %swap3A_2170] {strides = array<i32>} : memref<512x128xf32, #tpu.memory_space<vmem>>, vector<16xf32>,
      tpu.vector_store %arg10[%swap3A_2169, %swap3A_2170], %add3A_2166 {strides = array<i32>} : memref<512x128xf32, #tpu.memory_space<vmem>>, vector<16xf32>,
      %slice3A_2172 = vector.extract_strided_slice %get3A_431 {offsets = [15], sizes = [1], strides = [1]} : vector<16xf32> to vector<1xf32>
      %squeeze3A_2173 = vector.extract %slice3A_2172[0] : f32 from vector<1xf32>
      %slice3A_2174 = vector.extract_strided_slice %sub3A {offsets = [15], sizes = [1], strides = [1]} : vector<16xf32> to vector<1xf32>
      %squeeze3A_2175 = vector.extract %slice3A_2174[0] : f32 from vector<1xf32>
      %add3A_2176 = arith.constant 15 : i32
      %add3A_2177 = arith.addi %mul3A_429, %add3A_2176 : i32
      %get3A_2178 = arith.index_cast %add3A_2177 : i32 to index
      %get3A_2179 = arith.constant 0 : index
      %get3A_2180 = tpu.vector_load %arg10[%get3A_2178, %get3A_2179] {strides = array<i32>} : memref<512x128xf32, #tpu.memory_space<vmem>>, vector<16xf32>,
      %mul3A_2181 = vector.broadcast %squeeze3A_2175 : f32 to vector<16xf32>
      %mul3A_2182 = arith.mulf %get3A_2180, %mul3A_2181 : vector<16xf32>
      %add3A_2183 = vector.broadcast %squeeze3A_2173 : f32 to vector<16xf32>
      %add3A_2184 = arith.addf %mul3A_2182, %add3A_2183 : vector<16xf32>
      %add3A_2185 = arith.constant 15 : i32
      %add3A_2186 = arith.addi %mul3A_429, %add3A_2185 : i32
      %swap3A_2187 = arith.index_cast %add3A_2186 : i32 to index
      %swap3A_2188 = arith.constant 0 : index
      %swap3A_2189 = tpu.vector_load %arg10[%swap3A_2187, %swap3A_2188] {strides = array<i32>} : memref<512x128xf32, #tpu.memory_space<vmem>>, vector<16xf32>,
      tpu.vector_store %arg10[%swap3A_2187, %swap3A_2188], %add3A_2184 {strides = array<i32>} : memref<512x128xf32, #tpu.memory_space<vmem>>, vector<16xf32>,
      %add3A_2190 = arith.constant 15 : i32
      %add3A_2191 = arith.addi %mul3A_429, %add3A_2190 : i32
      %get3A_2192 = arith.index_cast %add3A_2191 : i32 to index
      %get3A_2193 = arith.constant 16 : index
      %get3A_2194 = tpu.vector_load %arg10[%get3A_2192, %get3A_2193] {strides = array<i32>} : memref<512x128xf32, #tpu.memory_space<vmem>>, vector<16xf32>,
      %mul3A_2195 = vector.broadcast %squeeze3A_2175 : f32 to vector<16xf32>
      %mul3A_2196 = arith.mulf %get3A_2194, %mul3A_2195 : vector<16xf32>
      %add3A_2197 = vector.broadcast %squeeze3A_2173 : f32 to vector<16xf32>
      %add3A_2198 = arith.addf %mul3A_2196, %add3A_2197 : vector<16xf32>
      %add3A_2199 = arith.constant 15 : i32
      %add3A_2200 = arith.addi %mul3A_429, %add3A_2199 : i32
      %swap3A_2201 = arith.index_cast %add3A_2200 : i32 to index
      %swap3A_2202 = arith.constant 16 : index
      %swap3A_2203 = tpu.vector_load %arg10[%swap3A_2201, %swap3A_2202] {strides = array<i32>} : memref<512x128xf32, #tpu.memory_space<vmem>>, vector<16xf32>,
      tpu.vector_store %arg10[%swap3A_2201, %swap3A_2202], %add3A_2198 {strides = array<i32>} : memref<512x128xf32, #tpu.memory_space<vmem>>, vector<16xf32>,
      %add3A_2204 = arith.constant 15 : i32
      %add3A_2205 = arith.addi %mul3A_429, %add3A_2204 : i32
      %get3A_2206 = arith.index_cast %add3A_2205 : i32 to index
      %get3A_2207 = arith.constant 32 : index
      %get3A_2208 = tpu.vector_load %arg10[%get3A_2206, %get3A_2207] {strides = array<i32>} : memref<512x128xf32, #tpu.memory_space<vmem>>, vector<16xf32>,
      %mul3A_2209 = vector.broadcast %squeeze3A_2175 : f32 to vector<16xf32>
      %mul3A_2210 = arith.mulf %get3A_2208, %mul3A_2209 : vector<16xf32>
      %add3A_2211 = vector.broadcast %squeeze3A_2173 : f32 to vector<16xf32>
      %add3A_2212 = arith.addf %mul3A_2210, %add3A_2211 : vector<16xf32>
      %add3A_2213 = arith.constant 15 : i32
      %add3A_2214 = arith.addi %mul3A_429, %add3A_2213 : i32
      %swap3A_2215 = arith.index_cast %add3A_2214 : i32 to index
      %swap3A_2216 = arith.constant 32 : index
      %swap3A_2217 = tpu.vector_load %arg10[%swap3A_2215, %swap3A_2216] {strides = array<i32>} : memref<512x128xf32, #tpu.memory_space<vmem>>, vector<16xf32>,
      tpu.vector_store %arg10[%swap3A_2215, %swap3A_2216], %add3A_2212 {strides = array<i32>} : memref<512x128xf32, #tpu.memory_space<vmem>>, vector<16xf32>,
      %add3A_2218 = arith.constant 15 : i32
      %add3A_2219 = arith.addi %mul3A_429, %add3A_2218 : i32
      %get3A_2220 = arith.index_cast %add3A_2219 : i32 to index
      %get3A_2221 = arith.constant 48 : index
      %get3A_2222 = tpu.vector_load %arg10[%get3A_2220, %get3A_2221] {strides = array<i32>} : memref<512x128xf32, #tpu.memory_space<vmem>>, vector<16xf32>,
      %mul3A_2223 = vector.broadcast %squeeze3A_2175 : f32 to vector<16xf32>
      %mul3A_2224 = arith.mulf %get3A_2222, %mul3A_2223 : vector<16xf32>
      %add3A_2225 = vector.broadcast %squeeze3A_2173 : f32 to vector<16xf32>
      %add3A_2226 = arith.addf %mul3A_2224, %add3A_2225 : vector<16xf32>
      %add3A_2227 = arith.constant 15 : i32
      %add3A_2228 = arith.addi %mul3A_429, %add3A_2227 : i32
      %swap3A_2229 = arith.index_cast %add3A_2228 : i32 to index
      %swap3A_2230 = arith.constant 48 : index
      %swap3A_2231 = tpu.vector_load %arg10[%swap3A_2229, %swap3A_2230] {strides = array<i32>} : memref<512x128xf32, #tpu.memory_space<vmem>>, vector<16xf32>,
      tpu.vector_store %arg10[%swap3A_2229, %swap3A_2230], %add3A_2226 {strides = array<i32>} : memref<512x128xf32, #tpu.memory_space<vmem>>, vector<16xf32>,
      %add3A_2232 = arith.constant 15 : i32
      %add3A_2233 = arith.addi %mul3A_429, %add3A_2232 : i32
      %get3A_2234 = arith.index_cast %add3A_2233 : i32 to index
      %get3A_2235 = arith.constant 64 : index
      %get3A_2236 = tpu.vector_load %arg10[%get3A_2234, %get3A_2235] {strides = array<i32>} : memref<512x128xf32, #tpu.memory_space<vmem>>, vector<16xf32>,
      %mul3A_2237 = vector.broadcast %squeeze3A_2175 : f32 to vector<16xf32>
      %mul3A_2238 = arith.mulf %get3A_2236, %mul3A_2237 : vector<16xf32>
      %add3A_2239 = vector.broadcast %squeeze3A_2173 : f32 to vector<16xf32>
      %add3A_2240 = arith.addf %mul3A_2238, %add3A_2239 : vector<16xf32>
      %add3A_2241 = arith.constant 15 : i32
      %add3A_2242 = arith.addi %mul3A_429, %add3A_2241 : i32
      %swap3A_2243 = arith.index_cast %add3A_2242 : i32 to index
      %swap3A_2244 = arith.constant 64 : index
      %swap3A_2245 = tpu.vector_load %arg10[%swap3A_2243, %swap3A_2244] {strides = array<i32>} : memref<512x128xf32, #tpu.memory_space<vmem>>, vector<16xf32>,
      tpu.vector_store %arg10[%swap3A_2243, %swap3A_2244], %add3A_2240 {strides = array<i32>} : memref<512x128xf32, #tpu.memory_space<vmem>>, vector<16xf32>,
      %add3A_2246 = arith.constant 15 : i32
      %add3A_2247 = arith.addi %mul3A_429, %add3A_2246 : i32
      %get3A_2248 = arith.index_cast %add3A_2247 : i32 to index
      %get3A_2249 = arith.constant 80 : index
      %get3A_2250 = tpu.vector_load %arg10[%get3A_2248, %get3A_2249] {strides = array<i32>} : memref<512x128xf32, #tpu.memory_space<vmem>>, vector<16xf32>,
      %mul3A_2251 = vector.broadcast %squeeze3A_2175 : f32 to vector<16xf32>
      %mul3A_2252 = arith.mulf %get3A_2250, %mul3A_2251 : vector<16xf32>
      %add3A_2253 = vector.broadcast %squeeze3A_2173 : f32 to vector<16xf32>
      %add3A_2254 = arith.addf %mul3A_2252, %add3A_2253 : vector<16xf32>
      %add3A_2255 = arith.constant 15 : i32
      %add3A_2256 = arith.addi %mul3A_429, %add3A_2255 : i32
      %swap3A_2257 = arith.index_cast %add3A_2256 : i32 to index
      %swap3A_2258 = arith.constant 80 : index
      %swap3A_2259 = tpu.vector_load %arg10[%swap3A_2257, %swap3A_2258] {strides = array<i32>} : memref<512x128xf32, #tpu.memory_space<vmem>>, vector<16xf32>,
      tpu.vector_store %arg10[%swap3A_2257, %swap3A_2258], %add3A_2254 {strides = array<i32>} : memref<512x128xf32, #tpu.memory_space<vmem>>, vector<16xf32>,
      %add3A_2260 = arith.constant 15 : i32
      %add3A_2261 = arith.addi %mul3A_429, %add3A_2260 : i32
      %get3A_2262 = arith.index_cast %add3A_2261 : i32 to index
      %get3A_2263 = arith.constant 96 : index
      %get3A_2264 = tpu.vector_load %arg10[%get3A_2262, %get3A_2263] {strides = array<i32>} : memref<512x128xf32, #tpu.memory_space<vmem>>, vector<16xf32>,
      %mul3A_2265 = vector.broadcast %squeeze3A_2175 : f32 to vector<16xf32>
      %mul3A_2266 = arith.mulf %get3A_2264, %mul3A_2265 : vector<16xf32>
      %add3A_2267 = vector.broadcast %squeeze3A_2173 : f32 to vector<16xf32>
      %add3A_2268 = arith.addf %mul3A_2266, %add3A_2267 : vector<16xf32>
      %add3A_2269 = arith.constant 15 : i32
      %add3A_2270 = arith.addi %mul3A_429, %add3A_2269 : i32
      %swap3A_2271 = arith.index_cast %add3A_2270 : i32 to index
      %swap3A_2272 = arith.constant 96 : index
      %swap3A_2273 = tpu.vector_load %arg10[%swap3A_2271, %swap3A_2272] {strides = array<i32>} : memref<512x128xf32, #tpu.memory_space<vmem>>, vector<16xf32>,
      tpu.vector_store %arg10[%swap3A_2271, %swap3A_2272], %add3A_2268 {strides = array<i32>} : memref<512x128xf32, #tpu.memory_space<vmem>>, vector<16xf32>,
      %add3A_2274 = arith.constant 15 : i32
      %add3A_2275 = arith.addi %mul3A_429, %add3A_2274 : i32
      %get3A_2276 = arith.index_cast %add3A_2275 : i32 to index
      %get3A_2277 = arith.constant 112 : index
      %get3A_2278 = tpu.vector_load %arg10[%get3A_2276, %get3A_2277] {strides = array<i32>} : memref<512x128xf32, #tpu.memory_space<vmem>>, vector<16xf32>,
      %mul3A_2279 = vector.broadcast %squeeze3A_2175 : f32 to vector<16xf32>
      %mul3A_2280 = arith.mulf %get3A_2278, %mul3A_2279 : vector<16xf32>
      %add3A_2281 = vector.broadcast %squeeze3A_2173 : f32 to vector<16xf32>
      %add3A_2282 = arith.addf %mul3A_2280, %add3A_2281 : vector<16xf32>
      %add3A_2283 = arith.constant 15 : i32
      %add3A_2284 = arith.addi %mul3A_429, %add3A_2283 : i32
      %swap3A_2285 = arith.index_cast %add3A_2284 : i32 to index
      %swap3A_2286 = arith.constant 112 : index
      %swap3A_2287 = tpu.vector_load %arg10[%swap3A_2285, %swap3A_2286] {strides = array<i32>} : memref<512x128xf32, #tpu.memory_space<vmem>>, vector<16xf32>,
      tpu.vector_store %arg10[%swap3A_2285, %swap3A_2286], %add3A_2282 {strides = array<i32>} : memref<512x128xf32, #tpu.memory_space<vmem>>, vector<16xf32>,
      %eq3A_2288 = arith.constant 7 : i32
      %eq3A_2289 = arith.cmpi eq, %scan3A_419, %eq3A_2288 : i32
      %convert_element_type3A_2290 = arith.extui %eq3A_2289 : i1 to i32
      %cond3A_2291 = arith.constant 0 : i32
      %cond3A_2292 = arith.cmpi ne, %convert_element_type3A_2290, %cond3A_2291 : i32
      scf.if %cond3A_2292 {
        %add3A_2309 = arith.constant 0 : i32
        %add3A_2310 = arith.addi %mul3A_2, %add3A_2309 : i32
        %dma_start3A_2311 = arith.constant 0 : i32
        %dma_start3A_2312 = arith.constant 0 : i32
        %dma_start3A_2313 = tpu.memref_slice %arg10[%dma_start3A_2311, %dma_start3A_2312] : memref<512x128xf32, #tpu.memory_space<vmem>> -> memref<128x128xf32, #tpu.memory_space<vmem>>
        %dma_start3A_2314 = arith.constant 0 : i32
        %dma_start3A_2315 = tpu.memref_slice %arg5[%add3A_2310, %dma_start3A_2314] : memref<16384x128xf32, #tpu.memory_space<hbm>> -> memref<128x128xf32, #tpu.memory_space<hbm>>
        %dma_start3A_2316 = arith.constant 0 : i32
        %dma_start3A_2317 = tpu.memref_slice %arg5[%add3A_2310, %dma_start3A_2316] : memref<16384x128xf32, #tpu.memory_space<hbm>> -> memref<128x128xf32, #tpu.memory_space<hbm>>
        %dma_start3A_2318 = arith.constant 0 : i32
        %dma_start3A_2319 = arith.constant 0 : i32
        %dma_start3A_2320 = tpu.memref_slice %arg10[%dma_start3A_2318, %dma_start3A_2319] : memref<512x128xf32, #tpu.memory_space<vmem>> -> memref<128x128xf32, #tpu.memory_space<vmem>>
        tpu.enqueue_dma source(%dma_start3A_2320 : memref<128x128xf32, #tpu.memory_space<vmem>>) target(%dma_start3A_2317 : memref<128x128xf32, #tpu.memory_space<hbm>>) target_semaphore(%arg14 : memref<!tpu.dma_semaphore, #tpu.memory_space<semaphore_mem>>)
      } else {
      }
      %eq3A_2293 = arith.constant 15 : i32
      %eq3A_2294 = arith.cmpi eq, %scan3A_419, %eq3A_2293 : i32
      %convert_element_type3A_2295 = arith.extui %eq3A_2294 : i1 to i32
      %cond3A_2296 = arith.constant 0 : i32
      %cond3A_2297 = arith.cmpi ne, %convert_element_type3A_2295, %cond3A_2296 : i32
      scf.if %cond3A_2297 {
        %add3A_2309 = arith.constant 128 : i32
        %add3A_2310 = arith.addi %mul3A_2, %add3A_2309 : i32
        %dma_start3A_2311 = arith.constant 128 : i32
        %dma_start3A_2312 = arith.constant 0 : i32
        %dma_start3A_2313 = tpu.memref_slice %arg10[%dma_start3A_2311, %dma_start3A_2312] : memref<512x128xf32, #tpu.memory_space<vmem>> -> memref<128x128xf32, #tpu.memory_space<vmem>>
        %dma_start3A_2314 = arith.constant 0 : i32
        %dma_start3A_2315 = tpu.memref_slice %arg5[%add3A_2310, %dma_start3A_2314] : memref<16384x128xf32, #tpu.memory_space<hbm>> -> memref<128x128xf32, #tpu.memory_space<hbm>>
        %dma_start3A_2316 = arith.constant 0 : i32
        %dma_start3A_2317 = tpu.memref_slice %arg5[%add3A_2310, %dma_start3A_2316] : memref<16384x128xf32, #tpu.memory_space<hbm>> -> memref<128x128xf32, #tpu.memory_space<hbm>>
        %dma_start3A_2318 = arith.constant 128 : i32
        %dma_start3A_2319 = arith.constant 0 : i32
        %dma_start3A_2320 = tpu.memref_slice %arg10[%dma_start3A_2318, %dma_start3A_2319] : memref<512x128xf32, #tpu.memory_space<vmem>> -> memref<128x128xf32, #tpu.memory_space<vmem>>
        tpu.enqueue_dma source(%dma_start3A_2320 : memref<128x128xf32, #tpu.memory_space<vmem>>) target(%dma_start3A_2317 : memref<128x128xf32, #tpu.memory_space<hbm>>) target_semaphore(%arg15 : memref<!tpu.dma_semaphore, #tpu.memory_space<semaphore_mem>>)
      } else {
      }
      %eq3A_2298 = arith.constant 23 : i32
      %eq3A_2299 = arith.cmpi eq, %scan3A_419, %eq3A_2298 : i32
      %convert_element_type3A_2300 = arith.extui %eq3A_2299 : i1 to i32
      %cond3A_2301 = arith.constant 0 : i32
      %cond3A_2302 = arith.cmpi ne, %convert_element_type3A_2300, %cond3A_2301 : i32
      scf.if %cond3A_2302 {
        %add3A_2309 = arith.constant 256 : i32
        %add3A_2310 = arith.addi %mul3A_2, %add3A_2309 : i32
        %dma_start3A_2311 = arith.constant 256 : i32
        %dma_start3A_2312 = arith.constant 0 : i32
        %dma_start3A_2313 = tpu.memref_slice %arg10[%dma_start3A_2311, %dma_start3A_2312] : memref<512x128xf32, #tpu.memory_space<vmem>> -> memref<128x128xf32, #tpu.memory_space<vmem>>
        %dma_start3A_2314 = arith.constant 0 : i32
        %dma_start3A_2315 = tpu.memref_slice %arg5[%add3A_2310, %dma_start3A_2314] : memref<16384x128xf32, #tpu.memory_space<hbm>> -> memref<128x128xf32, #tpu.memory_space<hbm>>
        %dma_start3A_2316 = arith.constant 0 : i32
        %dma_start3A_2317 = tpu.memref_slice %arg5[%add3A_2310, %dma_start3A_2316] : memref<16384x128xf32, #tpu.memory_space<hbm>> -> memref<128x128xf32, #tpu.memory_space<hbm>>
        %dma_start3A_2318 = arith.constant 256 : i32
        %dma_start3A_2319 = arith.constant 0 : i32
        %dma_start3A_2320 = tpu.memref_slice %arg10[%dma_start3A_2318, %dma_start3A_2319] : memref<512x128xf32, #tpu.memory_space<vmem>> -> memref<128x128xf32, #tpu.memory_space<vmem>>
        tpu.enqueue_dma source(%dma_start3A_2320 : memref<128x128xf32, #tpu.memory_space<vmem>>) target(%dma_start3A_2317 : memref<128x128xf32, #tpu.memory_space<hbm>>) target_semaphore(%arg16 : memref<!tpu.dma_semaphore, #tpu.memory_space<semaphore_mem>>)
      } else {
      }
      %eq3A_2303 = arith.constant 31 : i32
      %eq3A_2304 = arith.cmpi eq, %scan3A_419, %eq3A_2303 : i32
      %convert_element_type3A_2305 = arith.extui %eq3A_2304 : i1 to i32
      %cond3A_2306 = arith.constant 0 : i32
      %cond3A_2307 = arith.cmpi ne, %convert_element_type3A_2305, %cond3A_2306 : i32
      scf.if %cond3A_2307 {
        %add3A_2309 = arith.constant 384 : i32
        %add3A_2310 = arith.addi %mul3A_2, %add3A_2309 : i32
        %dma_start3A_2311 = arith.constant 384 : i32
        %dma_start3A_2312 = arith.constant 0 : i32
        %dma_start3A_2313 = tpu.memref_slice %arg10[%dma_start3A_2311, %dma_start3A_2312] : memref<512x128xf32, #tpu.memory_space<vmem>> -> memref<128x128xf32, #tpu.memory_space<vmem>>
        %dma_start3A_2314 = arith.constant 0 : i32
        %dma_start3A_2315 = tpu.memref_slice %arg5[%add3A_2310, %dma_start3A_2314] : memref<16384x128xf32, #tpu.memory_space<hbm>> -> memref<128x128xf32, #tpu.memory_space<hbm>>
        %dma_start3A_2316 = arith.constant 0 : i32
        %dma_start3A_2317 = tpu.memref_slice %arg5[%add3A_2310, %dma_start3A_2316] : memref<16384x128xf32, #tpu.memory_space<hbm>> -> memref<128x128xf32, #tpu.memory_space<hbm>>
        %dma_start3A_2318 = arith.constant 384 : i32
        %dma_start3A_2319 = arith.constant 0 : i32
        %dma_start3A_2320 = tpu.memref_slice %arg10[%dma_start3A_2318, %dma_start3A_2319] : memref<512x128xf32, #tpu.memory_space<vmem>> -> memref<128x128xf32, #tpu.memory_space<vmem>>
        tpu.enqueue_dma source(%dma_start3A_2320 : memref<128x128xf32, #tpu.memory_space<vmem>>) target(%dma_start3A_2317 : memref<128x128xf32, #tpu.memory_space<hbm>>) target_semaphore(%arg17 : memref<!tpu.dma_semaphore, #tpu.memory_space<semaphore_mem>>)
      } else {
      }
      %scan3A_2308 = arith.constant 0 : i32
      scf.yield %scan3A_2308 : i32
    }
    %scan3A_370 = arith.constant 32 : i32
    %add3A_371 = arith.constant 0 : i32
    %add3A_372 = arith.addi %mul3A_2, %add3A_371 : i32
    %dma_wait3A_373 = arith.constant 0 : i32
    %dma_wait3A_374 = arith.constant 0 : i32
    %dma_wait3A_375 = tpu.memref_slice %arg10[%dma_wait3A_373, %dma_wait3A_374] : memref<512x128xf32, #tpu.memory_space<vmem>> -> memref<128x128xf32, #tpu.memory_space<vmem>>
    %dma_wait3A_376 = arith.constant 0 : i32
    %dma_wait3A_377 = tpu.memref_slice %arg2[%add3A_372, %dma_wait3A_376] : memref<16384x128xf32, #tpu.memory_space<hbm>> -> memref<128x128xf32, #tpu.memory_space<hbm>>
    %dma_wait3A_378 = arith.constant 0 : i32
    %dma_wait3A_379 = arith.constant 0 : i32
    %dma_wait3A_380 = tpu.memref_slice %arg10[%dma_wait3A_378, %dma_wait3A_379] : memref<512x128xf32, #tpu.memory_space<vmem>> -> memref<128x128xf32, #tpu.memory_space<vmem>>
    %dma_wait3A_381 = arith.constant 0 : i32
    %dma_wait3A_382 = tpu.memref_slice %arg2[%add3A_372, %dma_wait3A_381] : memref<16384x128xf32, #tpu.memory_space<hbm>> -> memref<128x128xf32, #tpu.memory_space<hbm>>
    tpu.wait_dma2 semaphore(%arg14 : memref<!tpu.dma_semaphore, #tpu.memory_space<semaphore_mem>>) src(%dma_wait3A_382 : memref<128x128xf32, #tpu.memory_space<hbm>>) dst(%dma_wait3A_380 : memref<128x128xf32, #tpu.memory_space<vmem>>)
    %add3A_383 = arith.constant 128 : i32
    %add3A_384 = arith.addi %mul3A_2, %add3A_383 : i32
    %dma_wait3A_385 = arith.constant 128 : i32
    %dma_wait3A_386 = arith.constant 0 : i32
    %dma_wait3A_387 = tpu.memref_slice %arg10[%dma_wait3A_385, %dma_wait3A_386] : memref<512x128xf32, #tpu.memory_space<vmem>> -> memref<128x128xf32, #tpu.memory_space<vmem>>
    %dma_wait3A_388 = arith.constant 0 : i32
    %dma_wait3A_389 = tpu.memref_slice %arg2[%add3A_384, %dma_wait3A_388] : memref<16384x128xf32, #tpu.memory_space<hbm>> -> memref<128x128xf32, #tpu.memory_space<hbm>>
    %dma_wait3A_390 = arith.constant 128 : i32
    %dma_wait3A_391 = arith.constant 0 : i32
    %dma_wait3A_392 = tpu.memref_slice %arg10[%dma_wait3A_390, %dma_wait3A_391] : memref<512x128xf32, #tpu.memory_space<vmem>> -> memref<128x128xf32, #tpu.memory_space<vmem>>
    %dma_wait3A_393 = arith.constant 0 : i32
    %dma_wait3A_394 = tpu.memref_slice %arg2[%add3A_384, %dma_wait3A_393] : memref<16384x128xf32, #tpu.memory_space<hbm>> -> memref<128x128xf32, #tpu.memory_space<hbm>>
    tpu.wait_dma2 semaphore(%arg15 : memref<!tpu.dma_semaphore, #tpu.memory_space<semaphore_mem>>) src(%dma_wait3A_394 : memref<128x128xf32, #tpu.memory_space<hbm>>) dst(%dma_wait3A_392 : memref<128x128xf32, #tpu.memory_space<vmem>>)
    %add3A_395 = arith.constant 256 : i32
    %add3A_396 = arith.addi %mul3A_2, %add3A_395 : i32
    %dma_wait3A_397 = arith.constant 256 : i32
    %dma_wait3A_398 = arith.constant 0 : i32
    %dma_wait3A_399 = tpu.memref_slice %arg10[%dma_wait3A_397, %dma_wait3A_398] : memref<512x128xf32, #tpu.memory_space<vmem>> -> memref<128x128xf32, #tpu.memory_space<vmem>>
    %dma_wait3A_400 = arith.constant 0 : i32
    %dma_wait3A_401 = tpu.memref_slice %arg2[%add3A_396, %dma_wait3A_400] : memref<16384x128xf32, #tpu.memory_space<hbm>> -> memref<128x128xf32, #tpu.memory_space<hbm>>
    %dma_wait3A_402 = arith.constant 256 : i32
    %dma_wait3A_403 = arith.constant 0 : i32
    %dma_wait3A_404 = tpu.memref_slice %arg10[%dma_wait3A_402, %dma_wait3A_403] : memref<512x128xf32, #tpu.memory_space<vmem>> -> memref<128x128xf32, #tpu.memory_space<vmem>>
    %dma_wait3A_405 = arith.constant 0 : i32
    %dma_wait3A_406 = tpu.memref_slice %arg2[%add3A_396, %dma_wait3A_405] : memref<16384x128xf32, #tpu.memory_space<hbm>> -> memref<128x128xf32, #tpu.memory_space<hbm>>
    tpu.wait_dma2 semaphore(%arg16 : memref<!tpu.dma_semaphore, #tpu.memory_space<semaphore_mem>>) src(%dma_wait3A_406 : memref<128x128xf32, #tpu.memory_space<hbm>>) dst(%dma_wait3A_404 : memref<128x128xf32, #tpu.memory_space<vmem>>)
    %add3A_407 = arith.constant 384 : i32
    %add3A_408 = arith.addi %mul3A_2, %add3A_407 : i32
    %dma_wait3A_409 = arith.constant 384 : i32
    %dma_wait3A_410 = arith.constant 0 : i32
    %dma_wait3A_411 = tpu.memref_slice %arg10[%dma_wait3A_409, %dma_wait3A_410] : memref<512x128xf32, #tpu.memory_space<vmem>> -> memref<128x128xf32, #tpu.memory_space<vmem>>
    %dma_wait3A_412 = arith.constant 0 : i32
    %dma_wait3A_413 = tpu.memref_slice %arg2[%add3A_408, %dma_wait3A_412] : memref<16384x128xf32, #tpu.memory_space<hbm>> -> memref<128x128xf32, #tpu.memory_space<hbm>>
    %dma_wait3A_414 = arith.constant 384 : i32
    %dma_wait3A_415 = arith.constant 0 : i32
    %dma_wait3A_416 = tpu.memref_slice %arg10[%dma_wait3A_414, %dma_wait3A_415] : memref<512x128xf32, #tpu.memory_space<vmem>> -> memref<128x128xf32, #tpu.memory_space<vmem>>
    %dma_wait3A_417 = arith.constant 0 : i32
    %dma_wait3A_418 = tpu.memref_slice %arg2[%add3A_408, %dma_wait3A_417] : memref<16384x128xf32, #tpu.memory_space<hbm>> -> memref<128x128xf32, #tpu.memory_space<hbm>>
    tpu.wait_dma2 semaphore(%arg17 : memref<!tpu.dma_semaphore, #tpu.memory_space<semaphore_mem>>) src(%dma_wait3A_418 : memref<128x128xf32, #tpu.memory_space<hbm>>) dst(%dma_wait3A_416 : memref<128x128xf32, #tpu.memory_space<vmem>>)
    return
  }
}

</mosaic_0001>

<sc_bundles>
// kernel: _shift_mapper_sc.3.cloned.1.call-start
scs
__scs_entry_jumppad:
0x0: {  	(pc) =	sbr.rel $0x88, $3  }
0x1: {  	(tag) =	ssettag $0x0;
	lr =	simm.s32 $0x1  }
0x2: {  	[smem:$0x3F9E] =	sst lr;
	_ =	strace $0xD0000000  }
0x3: {  	_ = 	snop  }
0x4: {  	_ = 	snop  }
0x5: {  	_ = 	snop  }
0x6: {  	_ = 	snop  }
0x7: {  	_ = 	snop  }
__scs_overlays_trampoline_lowered:
0x8: {  	[smem:$0x3FAD] =	sst s0  }
0x9: {  	[smem:$0x3FAE] =	sst s1  }
0xa: {  	[smem:$0x3FAF] =	sst s2  }
0xb: {  	[smem:$0x3FB0] =	sst s3  }
0xc: {  	[smem:$0x3FB1] =	sst s4  }
0xd: {  	[smem:$0x3FB2] =	sst s5  }
0xe: {  	[smem:$0x3FB3] =	sst s6  }
0xf: {  	[smem:$0x3FB4] =	sst s7  }
0x10: {  	[smem:$0x3FB5] =	sst s8  }
0x11: {  	[smem:$0x3FB6] =	sst s9;
	s0 =	simm.s32 @!p0 $0x0  }
0x12: {  	s1 =	sld [smem:$0x3F9C];
	s0 =	simm.s32 @p0 $0x1  }
0x13: {  	[smem:$0x3FB7] =	sst s0;
	s0 =	simm.s32 @!p1 $0x0  }
0x14: {  	s2 =	sld [smem:$0x3F9B];
	s0 =	simm.s32 @p1 $0x1  }
0x15: {  	[smem:$0x3FB8] =	sst s0;
	s0 =	simm.s32 @!p2 $0x0  }
0x16: {  	s3 =	sld [smem:$0x3FDB];
	s0 =	simm.s32 @p2 $0x1  }
0x17: {  	s4 =	simm.s32 $0x1BF5;
	[smem:$0x3FBA] =	sst s0  }
0x18: {  	s0 =	sld [smem:$0x3F9D];
	_ =	swait.ge [sflag:s4], $0x0  }
0x19: {  	s7 =	sld [smem:$0x3F9E]  }
0x1a: {  	s8 =	sadd.s32 $0xFFFFE003, lr  }
0x1b: {  	s9 =	sadd.s32 $0xFFFFFEF7, lr;
	s5 =	simm.s32 $0xFFFFFFFF;
	p2 =	slt.u32 s8, $0xFFFFF086  }
0x1c: {  	p1 =	slt.u32 s9, $0xF7A;
	s5 =	simm.s32 @!p2 $0x0  }
0x1d: {  	s5 =	simm.s32 @p1 $0x1;
	p0 =	seq.s32 s7, s2  }
0x1e: {  	s7 =	smul.u32 @!p0 $0xF7A, s2;
	p2 =	seq.s32 @!p0 s5, $0x0  }
0x1f: {  	s9 =	smul.u32 $0xF7A, s1;
	s8 =	simm.s32 @!p0 $0x1BF5;
	p2 =	por !p2, p0  }
0x20: {  	[sflag:s8] =	ssyncset.s32 @!p0 $0xFFFFF086;
	s6 =	sadd.s32 @!p0 s3, s7;
	s7 =	simm.s32 @!p0 $0x108  }
0x21: {  	s3 =	sadd.s32 s3, s9;
	s6 =	sadd.s32 @!p0 $0x88, s6;
	s7 =	simm.s32 @p2 $0x1082  }
0x22: {  	[simem:s7], [sflag:s8] =	dma.local @!p0 [hbm:s6], $0xF7A  }
0x23: {  	s9 =	sor.u32 $0xD0000000, s2;
	s6 =	simm.s32 $0x108;
	_ =	swait.ge @!p0 [sflag:s8], $0x0  }
0x24: {  	s3 =	sadd.s32 $0x88, s3;
	s6 =	simm.s32 @!p1 $0x1082;
	[sflag:s4] =	ssyncset.s32 $0xFFFFF086  }
0x25: {  	[simem:s6], [sflag:s4] =	dma.local [hbm:s3], $0xF7A  }
0x26: {  	[smem:$0x3F9E] =	sst s1;
	(tag) =	ssettag s2;
	_ =	strace s9  }
0x27: {  	s1 =	sld [smem:$0x3FAE]  }
0x28: {  	s2 =	sld [smem:$0x3FAF]  }
0x29: {  	s4 =	sld [smem:$0x3FB1]  }
0x2a: {  	p0 =	seq.s32 s5, $0x0;
	s5 =	sld [smem:$0x3FB2]  }
0x2b: {  	s6 =	sld [smem:$0x3FB3]  }
0x2c: {  	s7 =	sld [smem:$0x3FB4]  }
0x2d: {  	s3 =	simm.s32 $0x108;
	s8 =	sld [smem:$0x3FB5]  }
0x2e: {  	s3 =	simm.s32 @!p0 $0x1082;
	s9 =	sld [smem:$0x3FB6]  }
0x2f: {  	lr =	sadd.s32 s0, s3;
	s0 =	sld [smem:$0x3FAD]  }
0x30: {  	s3 =	sld [smem:$0x3FB0]  }
0x31: {  	[smem:$0x3FB9] =	sst s10  }
0x32: {  	s10 =	sld [smem:$0x3FB7];
	_ =	sdelay $0x3  }
0x33: {  	p0 =	seq.s32 s10, $0x1;
	s10 =	sld [smem:$0x3FB9];
	_ =	sdelay $0x3  }
0x34: {  	[smem:$0x3FB9] =	sst s10  }
0x35: {  	s10 =	sld [smem:$0x3FB8];
	_ =	sdelay $0x3  }
0x36: {  	p1 =	seq.s32 s10, $0x1;
	s10 =	sld [smem:$0x3FB9];
	_ =	sdelay $0x3  }
0x37: {  	[smem:$0x3FB9] =	sst s10  }
0x38: {  	s10 =	sld [smem:$0x3FBA]  }
0x39: {  	_ = 	snop;
	(pc) =	sbr.ind lr, $3  }
0x3a: {  	_ = 	snop  }
0x3b: {  	_ = 	snop  }
0x3c: {  	p2 =	seq.s32 s10, $0x1;
	s10 =	sld [smem:$0x3FB9]  }
0x3d: {  	_ =	shalt  }
0x3e: {  	_ =	shalt  }
0x3f: {  	_ =	shalt  }
0x40: {  	_ =	shalt  }
0x41: {  	_ =	shalt  }
0x42: {  	_ =	shalt  }
0x43: {  	_ =	shalt  }
0x44: {  	_ =	shalt  }
0x45: {  	_ =	shalt  }
0x46: {  	_ =	shalt  }
0x47: {  	_ =	shalt  }
0x48: {  	_ =	shalt  }
0x49: {  	_ =	shalt  }
0x4a: {  	_ =	shalt  }
0x4b: {  	_ =	shalt  }
0x4c: {  	_ =	shalt  }
0x4d: {  	_ =	shalt  }
0x4e: {  	_ =	shalt  }
0x4f: {  	_ =	shalt  }
0x50: {  	_ =	shalt  }
0x51: {  	_ =	shalt  }
0x52: {  	_ =	shalt  }
0x53: {  	_ =	shalt  }
0x54: {  	_ =	shalt  }
0x55: {  	_ =	shalt  }
0x56: {  	_ =	shalt  }
0x57: {  	_ =	shalt  }
0x58: {  	_ =	shalt  }
0x59: {  	_ =	shalt  }
0x5a: {  	_ =	shalt  }
0x5b: {  	_ =	shalt  }
0x5c: {  	_ =	shalt  }
0x5d: {  	_ =	shalt  }
0x5e: {  	_ =	shalt  }
0x5f: {  	_ =	shalt  }
0x60: {  	_ =	shalt  }
0x61: {  	_ =	shalt  }
0x62: {  	_ =	shalt  }
0x63: {  	_ =	shalt  }
0x64: {  	_ =	shalt  }
0x65: {  	_ =	shalt  }
0x66: {  	_ =	shalt  }
0x67: {  	_ =	shalt  }
0x68: {  	_ =	shalt  }
0x69: {  	_ =	shalt  }
0x6a: {  	_ =	shalt  }
0x6b: {  	_ =	shalt  }
0x6c: {  	_ =	shalt  }
0x6d: {  	_ =	shalt  }
0x6e: {  	_ =	shalt  }
0x6f: {  	_ =	shalt  }
0x70: {  	_ =	shalt  }
0x71: {  	_ =	shalt  }
0x72: {  	_ =	shalt  }
0x73: {  	_ =	shalt  }
0x74: {  	_ =	shalt  }
0x75: {  	_ =	shalt  }
0x76: {  	_ =	shalt  }
0x77: {  	_ =	shalt  }
0x78: {  	_ =	shalt  }
0x79: {  	_ =	shalt  }
0x7a: {  	_ =	shalt  }
0x7b: {  	_ =	shalt  }
0x7c: {  	_ =	shalt  }
0x7d: {  	_ =	shalt  }
0x7e: {  	_ =	shalt  }
0x7f: {  	_ =	shalt  }
0x80: {  	_ =	shalt  }
0x81: {  	_ =	shalt  }
0x82: {  	_ =	shalt  }
0x83: {  	_ =	shalt  }
0x84: {  	_ =	shalt  }
0x85: {  	_ =	shalt  }
0x86: {  	_ =	shalt  }
0x87: {  	_ =	shalt  }
.Lfunc_end0:
.L_simem_size_0:
called_computation_lowered:
.L_overlay_start_0:
0x88: {  	s2 =	sld [smem:$0x3FD9]  }
0x89: {  	s3 =	sld [smem:$0x3FFE];
	_ =	sdelay $0x1  }
0x8a: {  	s1 =	srdreg.scid  }
0x8b: {  	s0 =	sand.u32 $0x1, s1  }
0x8c: {  	s18 =	sshll.u32 s0, $0xA;
	s2 =	sadd.s32 s3, s2  }
0x8d: {  	s2 =	sadd.s32 s2, s18  }
0x8e: {  	[smem:$0x3FC5] =	sst s2  }
0x8f: {  	_ = 	snop  }
0x90: {  	s2 =	sld [smem:$0x3FC9]  }
0x91: {  	s19 =	sld [smem:$0x3FC8]  }
0x92: {  	s4 =	sld [smem:$0x3FC7]  }
0x93: {  	s5 =	sld [smem:$0x3FD0];
	(tm) =	ssettm $0x1  }
0x94: {  	s6 =	sld [smem:$0x3FFB];
	_ =	sdelay $0x3  }
0x95: {  	_ =	strace s6  }
0x96: {  	s6 =	sld [smem:$0x3FFC];
	_ =	sdelay $0x3  }
0x97: {  	_ =	strace s6  }
0x98: {  	s6 =	sld [smem:$0x3FFD];
	_ =	sdelay $0x3  }
0x99: {  	_ =	strace s6  }
0x9a: {  	_ =	strace $0x8FFFFFFF  }
0x9b: {  	s20 =	sld [smem:$0x3FDB];
	_ =	sdelay $0x1  }
0x9c: {  	s7 =	simm.s32 $_scs_section_size  }
0x9d: {  	s8 =	simm.s32 $_size__tile_overlayer_lowered;
	s9 =	simm.s32 $_tile_overlayer_lowered  }
0x9e: {  	s23 =	simm.s32 $0x1BFF;
	s22 =	sshll.u32 s9, $0x1;
	s6 =	sadd.s32 s7, s20  }
0x9f: {  	s10 =	simm.s32 $0x0;
	s21 =	sshll.u32 s8, $0x1;
	s8 =	sadd.s32 s22, s6  }
0xa0: {  	[timem:s10], [sflag:s23] =	dma.local [hbm:s8], s21  }
0xa1: {  	_ =	swait.ge [sflag:s23], s21  }
0xa2: {  	s7 =	ssub.s32 $0x0, s21;
	[sflag:s23] =	ssyncset.done $0x0  }
0xa3: {  	[sflag:s23] =	ssyncadd.s32 s7;
	_ =	sdelay $0x1  }
0xa4: {  	s24 =	simm.s32 $0x1B8B  }
0xa5: {  	_ =	swait.ge [sflag:s24], $0x1  }
0xa6: {  	[sflag:s24] =	ssyncset.done $0x0  }
0xa7: {  	s25 =	simm.s32 $0x1B8E;
	[sflag:s24] =	ssyncadd.s32 $0xFFFFFFFF  }
0xa8: {  	s26 =	simm.s32 $execute0_lowered;
	[smem:$0x3FD2] =	sst s25  }
0xa9: {  	s7 =	sshll.u32 s26, $0x1;
	_ =	strace $0x80000046;
	[dreg:$0x1] =	wrdreg $0xFFFFFFFF  }
0xaa: {  	s28 =	simm.s32 $_size_execute0_lowered;
	s6 =	sadd.s32 s6, s7;
	[dreg:$0x0] =	wrdreg $0x0  }
0xab: {  	s7 =	sshll.u32 s28, $0x1;
	[dreg:$0x2] =	wrdreg s6  }
0xac: {  	[dreg:$0x3] =	wrdreg s7  }
0xad: {  	[dreg:$0x4] =	wrdreg $0xC0  }
0xae: {  	_ =	task [dreg:s10], $0x5FFFF  }
0xaf: {  	[dreg:$0x1] =	wrdreg $0xFFFFFFFF  }
0xb0: {  	[dreg:$0x0] =	wrdreg $0x60  }
0xb1: {  	[dreg:$0x2] =	wrdreg s2  }
0xb2: {  	[dreg:$0x3] =	wrdreg s19  }
0xb3: {  	[dreg:$0x4] =	wrdreg s4  }
0xb4: {  	[dreg:$0x5] =	wrdreg s5  }
0xb5: {  	[dreg:$0x6] =	wrdreg $0x9  }
0xb6: {  	_ =	task.clear_ibuf [dreg:s10], $0x7FFFF;
	_ =	strace $0x90000046  }
0xb7: {  	s29 =	simm.s32 $0x9;
	_ =	strace $0x80000048  }
0xb8: {  	_ =	swait.ge [sflag:s29], $0x1  }
0xb9: {  	[sflag:s29] =	ssyncadd.s32 $0xFFFFFFFF  }
0xba: {  	_ =	strace $0x90000048  }
0xbb: {  	_ =	sfence  }
0xbc: {  	s30 =	sld [smem:$0x0];
	_ =	sdelay $0x2  }
0xbd: {  	s31 =	sshll.u32 s1, $0xD;
	s1 =	sshrl.u32 s1, $0x2  }
0xbe: {  	s3 =	sand.u32 $0x4000, s31;
	s1 =	sadd.s32 s1, s30  }
0xbf: {  	s0 =	sor.u32 s3, s0;
	s1 =	sshll.u32 s1, $0x11  }
0xc0: {  	s0 =	sor.u32 s1, s0  }
0xc1: {  	s0 =	sadd.s32 $0x8F2B, s0  }
0xc2: {  	[sflag:s0] =	ssyncadd.remote.s32 $0x1  }
0xc3: {  	_ =	sfence.sel $0xFFFF  }
0xc4: {  	[dreg:$0x0] =	wrdreg $0xFFFFFFFF;
	(pc) =	sbr.abs _section_cstart, $3  }
0xc5: {  	[dreg:$0x1] =	wrdreg $0xFFFFFFFF  }
0xc6: {  	_ =	task.clear_ibuf [dreg:s10], $0x2FFFF;
	_ =	strace $0x9FFFFFFF  }
0xc7: {  	(tm) =	ssettm $0x7FFFFFFF  }
tec
execute0_lowered:
.L_overlay_start_1:
0x0: {  	(tag) =	ssettag $0x1  }
0x1: {  	s0 =	rddreg [dreg:$0x0]  }
0x2: {  	s1 =	rddreg [dreg:$0x1];
	s3 =	srdreg.scid  }
0x3: {  	s2 =	rddreg [dreg:$0x2];
	s5 =	stileid.u32  }
0x4: {  	s11 =	rddreg [dreg:$0x3];
	s15 =	simm.s32 $0x8800;
	s16 =	simm.s32 $0x9  }
0x5: {  	s17 =	simm.s32 $0x80;
	s28 =	simm.s32 $0x700;
	s29 =	simm.s32 $0x180  }
0x6: {  	s30 =	simm.s32 $0x580;
	s31 =	simm.s32 $0x380;
	s14 =	simm.s32 $0xC800  }
0x7: {  	s18 =	simm.s32 $0x4;
	s19 =	simm.s32 $0x5;
	s20 =	simm.s32 $0x6  }
0x8: {  	s21 =	simm.s32 $0x7;
	s22 =	simm.s32 $0x0;
	s4 =	sand.u32 $0x1, s3  }
0x9: {  	s5 =	sshll.u32 s5, $0xA;
	s3 =	simm.s32 $0x0;
	s6 =	sshll.u32 s4, $0x9  }
0xa: {  	[smem:$0x7FF] =	sst s3;
	s4 =	ssub.s32 $0x2, s4;
	s6 =	sor.u32 s6, s5  }
0xb: {  	_ =	strace $0x80000047;
	s26 =	sshrl.u32 s4, $0x1;
	s7 =	sshll.u32 s6, $0x4  }
0xc: {  	s13 =	ssub.s32 s4, s26;
	s8 =	sshrl.u32 s6, $0x3;
	s26 =	simm.s32 $0x300  }
.Ltmp0:
0xd: {  	s12 =	sor.u32 $0x800, s7;
	s4 =	sadd.s32 s0, s7;
	(pc) =	sbr.rel .LBB2_1-.Ltmp0, $4  }
0xe: {  	s10 =	sor.u32 $0x1000, s7;
	s6 =	sadd.s32 s11, s7;
	s8 =	sadd.s32 s1, s8  }
0xf: {  	s1 =	simm.s32 $0x780;
	s5 =	sadd.s32 s0, s12;
	s7 =	sadd.s32 s0, s10  }
0x10: {  	s9 =	sadd.s32 $0x1800, s6;
	s10 =	sadd.s32 s11, s10;
	s11 =	sadd.s32 s11, s12  }
0x11: {  	s12 =	smax.u32 s13, $0x1;
	s0 =	simm.s32 $0x8;
	s13 =	simm.s32 $0x1  }
.LBB2_6:
0x12: {  	[hbm4b:s9+s3] =	stream.linear.scatter [tilespmem:s14], [sflag:$0x7], $0x4000, $0x38;
	[tilespmem:$0x10800] =	vst v63  }
0x13: {  	_ =	swait.ge [sflag:s18], $0x4000  }
0x14: {  	[sflag:s18] =	ssyncset.done $0x0  }
0x15: {  	[sflag:s18] =	ssyncadd.s32 $0xFFFFC000  }
0x16: {  	_ =	swait.ge [sflag:s19], $0x4000  }
0x17: {  	[sflag:s19] =	ssyncset.done $0x0  }
0x18: {  	s22 =	sadd.s32 $0x1, s22;
	[sflag:s19] =	ssyncadd.s32 $0xFFFFC000  }
0x19: {  	p0 =	sne.s32 s22, s12;
	_ =	swait.ge [sflag:s20], $0x4000  }
.Ltmp1:
0x1a: {  	[sflag:s20] =	ssyncset.done $0x0;
	(pc) =	sbr.rel @!p0 .LBB2_7-.Ltmp1, $4  }
0x1b: {  	[sflag:s20] =	ssyncadd.s32 $0xFFFFC000  }
0x1c: {  	_ =	swait.ge [sflag:s21], $0x4000  }
0x1d: {  	[sflag:s21] =	ssyncset.done $0x0  }
0x1e: {  	[sflag:s21] =	ssyncadd.s32 $0xFFFFC000  }
.LBB2_1:
0x1f: {  	s23 =	simm.s32 $0x800  }
0x20: {  	[tilespmem:s23], [sflag:$0x1] =	stream.linear.gather [hbm4b:s4+s3], $0x4000, $0x38;
	[tilespmem:$0x10800] =	vst v63  }
0x21: {  	s25 =	simm.s32 $0x4800  }
0x22: {  	[tilespmem:s25], [sflag:$0x2] =	stream.linear.gather [hbm4b:s5+s3], $0x4000, $0x38;
	[tilespmem:$0x10800] =	vst v63  }
0x23: {  	_ = 	snop  }
0x24: {  	[tilespmem:s15], [sflag:$0x3] =	stream.linear.gather [hbm4b:s7+s3], $0x8000, $0x38;
	[tilespmem:$0x10800] =	vst v63  }
0x25: {  	_ = 	snop  }
0x26: {  	[tilespmem:s3], [sflag:$0x9] =	stream.linear.gather [hbm4b:s8+s3], $0x200, $0x38;
	[tilespmem:$0x10800] =	vst v63  }
0x27: {  	_ =	swait.ge [sflag:s16], $0x200  }
0x28: {  	[sflag:s16] =	ssyncset.done $0x0  }
0x29: {  	[sflag:s16] =	ssyncadd.s32 $0xFFFFFE00  }
0x2a: {  	v0 =	vld [tilespmem:$0x0]  }
0x2b: {  	v1 =	vld [tilespmem:$0x10]  }
0x2c: {  	v2 =	vld [tilespmem:$0x20]  }
0x2d: {  	v3 =	vld [tilespmem:$0x30]  }
0x2e: {  	v4 =	vld [tilespmem:$0x40]  }
0x2f: {  	v5 =	vld [tilespmem:$0x50];
	v0 =	vadd.s32 $0x1, v0  }
0x30: {  	v8 =	vld [tilespmem:$0x60];
	v7 =	vadd.s32 $0x1, v1;
	[tilespmem:$0x200] =	vst v0  }
0x31: {  	v10 =	vld [tilespmem:$0x70];
	v9 =	vadd.s32 $0x1, v2;
	[tilespmem:$0x210] =	vst v7  }
0x32: {  	v12 =	vld [tilespmem:$0x80];
	v11 =	vadd.s32 $0x1, v3;
	[tilespmem:$0x220] =	vst v9  }
0x33: {  	v14 =	vld [tilespmem:$0x90];
	v13 =	vadd.s32 $0x1, v4;
	[tilespmem:$0x230] =	vst v11  }
0x34: {  	v16 =	vld [tilespmem:$0xA0];
	v15 =	vadd.s32 $0x1, v5;
	[tilespmem:$0x240] =	vst v13  }
0x35: {  	v18 =	vld [tilespmem:$0xB0];
	v17 =	vadd.s32 $0x1, v8;
	[tilespmem:$0x250] =	vst v15  }
0x36: {  	v20 =	vld [tilespmem:$0xC0];
	v19 =	vadd.s32 $0x1, v10;
	[tilespmem:$0x260] =	vst v17  }
0x37: {  	v22 =	vld [tilespmem:$0xD0];
	v21 =	vadd.s32 $0x1, v12;
	[tilespmem:$0x270] =	vst v19  }
0x38: {  	v24 =	vld [tilespmem:$0xE0];
	v23 =	vadd.s32 $0x1, v14;
	[tilespmem:$0x280] =	vst v21  }
0x39: {  	v26 =	vld [tilespmem:$0xF0];
	v25 =	vadd.s32 $0x1, v16;
	[tilespmem:$0x290] =	vst v23  }
0x3a: {  	v28 =	vld [tilespmem:$0x100];
	v27 =	vadd.s32 $0x1, v18;
	[tilespmem:$0x2A0] =	vst v25  }
0x3b: {  	v30 =	vld [tilespmem:$0x110];
	v29 =	vadd.s32 $0x1, v20;
	[tilespmem:$0x2B0] =	vst v27  }
0x3c: {  	v32 =	vld [tilespmem:$0x120];
	v31 =	vadd.s32 $0x1, v22;
	[tilespmem:$0x2C0] =	vst v29  }
0x3d: {  	v34 =	vld [tilespmem:$0x130];
	v33 =	vadd.s32 $0x1, v24;
	[tilespmem:$0x2D0] =	vst v31  }
0x3e: {  	v36 =	vld [tilespmem:$0x140];
	v35 =	vadd.s32 $0x1, v26;
	[tilespmem:$0x2E0] =	vst v33  }
0x3f: {  	v38 =	vld [tilespmem:$0x150];
	v37 =	vadd.s32 $0x1, v28;
	[tilespmem:$0x2F0] =	vst v35  }
0x40: {  	v40 =	vld [tilespmem:$0x160];
	v39 =	vadd.s32 $0x1, v30;
	[tilespmem:$0x300] =	vst v37  }
0x41: {  	v42 =	vld [tilespmem:$0x170];
	v41 =	vadd.s32 $0x1, v32;
	[tilespmem:$0x310] =	vst v39  }
0x42: {  	v44 =	vld [tilespmem:$0x180];
	v43 =	vadd.s32 $0x1, v34;
	[tilespmem:$0x320] =	vst v41  }
0x43: {  	v46 =	vld [tilespmem:$0x190];
	v45 =	vadd.s32 $0x1, v36;
	[tilespmem:$0x330] =	vst v43  }
0x44: {  	v48 =	vld [tilespmem:$0x1A0];
	v47 =	vadd.s32 $0x1, v38;
	[tilespmem:$0x340] =	vst v45  }
0x45: {  	v50 =	vld [tilespmem:$0x1B0];
	v49 =	vadd.s32 $0x1, v40;
	[tilespmem:$0x350] =	vst v47  }
0x46: {  	v52 =	vld [tilespmem:$0x1C0];
	v51 =	vadd.s32 $0x1, v42;
	[tilespmem:$0x360] =	vst v49  }
0x47: {  	v54 =	vld [tilespmem:$0x1D0];
	v53 =	vadd.s32 $0x1, v44;
	[tilespmem:$0x370] =	vst v51  }
0x48: {  	v56 =	vld [tilespmem:$0x1E0];
	v55 =	vadd.s32 $0x1, v46;
	[tilespmem:$0x380] =	vst v53  }
0x49: {  	v58 =	vld [tilespmem:$0x1F0];
	v57 =	vadd.s32 $0x1, v48;
	[tilespmem:$0x390] =	vst v55  }
0x4a: {  	v59 =	vadd.s32 $0x1, v50;
	[tilespmem:$0x3A0] =	vst v57  }
0x4b: {  	v60 =	vadd.s32 $0x1, v52;
	[tilespmem:$0x3B0] =	vst v59  }
0x4c: {  	v61 =	vadd.s32 $0x1, v54;
	[tilespmem:$0x3C0] =	vst v60  }
0x4d: {  	v62 =	vadd.s32 $0x1, v56;
	[tilespmem:$0x3D0] =	vst v61  }
0x4e: {  	v63 =	vadd.s32 $0x1, v58;
	[tilespmem:$0x3E0] =	vst v62  }
0x4f: {  	s24 =	simm.s32 $0x400;
	[tilespmem:$0x3F0] =	vst v63  }
0x50: {  	[tilespmem:s24], [sflag:$0x8] =	stream.indirect.gather [hbm4b:s2+s17], $0x1, s3, s17, $0xb8;
	[tilespmem:$0x10800] =	vst v63  }
0x51: {  	s25 =	simm.s32 $0x200;
	s24 =	simm.s32 $0x600  }
0x52: {  	[tilespmem:s24], [sflag:$0x8] =	stream.indirect.gather [hbm4b:s2+s17], $0x1, s25, s17, $0xb8;
	[tilespmem:$0x10800] =	vst v63  }
0x53: {  	s25 =	simm.s32 $0x480  }
0x54: {  	[tilespmem:s25], [sflag:$0x8] =	stream.indirect.gather [hbm4b:s2+s17], $0x1, s17, s17, $0xb8;
	[tilespmem:$0x10800] =	vst v63  }
0x55: {  	s24 =	simm.s32 $0x280;
	s25 =	simm.s32 $0x680  }
0x56: {  	[tilespmem:s25], [sflag:$0x8] =	stream.indirect.gather [hbm4b:s2+s17], $0x1, s24, s17, $0xb8;
	[tilespmem:$0x10800] =	vst v63  }
0x57: {  	s24 =	simm.s32 $0x100;
	s25 =	simm.s32 $0x500  }
0x58: {  	[tilespmem:s25], [sflag:$0x8] =	stream.indirect.gather [hbm4b:s2+s17], $0x1, s24, s17, $0xb8;
	[tilespmem:$0x10800] =	vst v63  }
0x59: {  	_ = 	snop  }
0x5a: {  	[tilespmem:s28], [sflag:$0x8] =	stream.indirect.gather [hbm4b:s2+s17], $0x1, s26, s17, $0xb8;
	[tilespmem:$0x10800] =	vst v63  }
0x5b: {  	_ = 	snop  }
0x5c: {  	[tilespmem:s30], [sflag:$0x8] =	stream.indirect.gather [hbm4b:s2+s17], $0x1, s29, s17, $0xb8;
	[tilespmem:$0x10800] =	vst v63  }
0x5d: {  	_ = 	snop  }
0x5e: {  	[tilespmem:s1], [sflag:$0x8] =	stream.indirect.gather [hbm4b:s2+s17], $0x1, s31, s17, $0xb8;
	[tilespmem:$0x10800] =	vst v63  }
0x5f: {  	_ =	swait.ge [sflag:s0], $0x80  }
0x60: {  	[sflag:s0] =	ssyncset.done $0x0  }
0x61: {  	[sflag:s0] =	ssyncadd.s32 $0xFFFFFF80  }
0x62: {  	_ =	swait.ge [sflag:s0], $0x80  }
0x63: {  	[sflag:s0] =	ssyncset.done $0x0  }
0x64: {  	[sflag:s0] =	ssyncadd.s32 $0xFFFFFF80  }
0x65: {  	_ =	swait.ge [sflag:s0], $0x80  }
0x66: {  	[sflag:s0] =	ssyncset.done $0x0  }
0x67: {  	[sflag:s0] =	ssyncadd.s32 $0xFFFFFF80  }
0x68: {  	_ =	swait.ge [sflag:s0], $0x80  }
0x69: {  	[sflag:s0] =	ssyncset.done $0x0  }
0x6a: {  	[sflag:s0] =	ssyncadd.s32 $0xFFFFFF80  }
0x6b: {  	_ =	swait.ge [sflag:s0], $0x80  }
0x6c: {  	[sflag:s0] =	ssyncset.done $0x0  }
0x6d: {  	[sflag:s0] =	ssyncadd.s32 $0xFFFFFF80  }
0x6e: {  	_ =	swait.ge [sflag:s0], $0x80  }
0x6f: {  	[sflag:s0] =	ssyncset.done $0x0  }
0x70: {  	[sflag:s0] =	ssyncadd.s32 $0xFFFFFF80  }
0x71: {  	_ =	swait.ge [sflag:s0], $0x80  }
0x72: {  	[sflag:s0] =	ssyncset.done $0x0  }
0x73: {  	[sflag:s0] =	ssyncadd.s32 $0xFFFFFF80  }
0x74: {  	_ =	swait.ge [sflag:s0], $0x80  }
.Ltmp2:
0x75: {  	[sflag:s0] =	ssyncset.done $0x0;
	(pc) =	sbr.rel .LBB2_2-.Ltmp2, $4  }
0x76: {  	[sflag:s0] =	ssyncadd.s32 $0xFFFFFF80  }
0x77: {  	_ =	swait.ge [sflag:s13], $0x4000  }
0x78: {  	[sflag:s13] =	ssyncset.done $0x0  }
0x79: {  	s23 =	simm.s32 $0x0;
	[sflag:s13] =	ssyncadd.s32 $0xFFFFC000  }
.LBB2_3:
0x7a: {  	p0 =	seq.s32 s23, $0x7  }
0x7b: {  	s24 =	simm.s32 @p0 $0x0;
	s25 =	simm.s32 @p0 $0x800;
	p1 =	seq.s32 @!p0 s23, $0xF  }
0x7c: {  	[hbm4b:s6+s24] =	stream.linear.scatter @p0 [tilespmem:s25], [sflag:$0x4], $0x4000, $0x38;
	[tilespmem:$0x10800] =	vst v63  }
0x7d: {  	p0 =	por !p1, p0  }
0x7e: {  	s23 =	sadd.s32 $0x1, s23;
	s24 =	simm.s32 @!p0 $0x0;
	s25 =	simm.s32 @!p0 $0x4800  }
0x7f: {  	[hbm4b:s11+s24] =	stream.linear.scatter @!p0 [tilespmem:s25], [sflag:$0x5], $0x4000, $0x38;
	[tilespmem:$0x10800] =	vst v63  }
.LBB2_2:
0x80: {  	p0 =	seq.s32 s23, $0x10  }
0x81: {  	s24 =	simm.s32 @p0 $0x3  }
0x82: {  	p1 =	sne.s32 @!p0 s23, $0x8;
	_ =	swait.ge @p0 [sflag:s24], $0x8000  }
0x83: {  	p1 =	por p1, p0;
	[sflag:s24] =	ssyncset.done @p0 $0x0  }
0x84: {  	[sflag:s24] =	ssyncadd.s32 @p0 $0xFFFF8000;
	s24 =	simm.s32 @!p1 $0x2  }
0x85: {  	_ =	swait.ge @!p1 [sflag:s24], $0x4000  }
0x86: {  	[sflag:s24] =	ssyncset.done @!p1 $0x0  }
0x87: {  	s25 =	sshll.u32 s23, $0x4;
	[sflag:s24] =	ssyncadd.s32 @!p1 $0xFFFFC000  }
0x88: {  	v0 =	vld [tilespmem:s25+$0x400]  }
0x89: {  	v1 =	vld [tilespmem:s25+$0x600];
	_ =	sdelay $0x1  }
0x8a: {  	s25 =	sshll.u32 s23, $0xB  }
0x8b: {  	s24 =	sand.u32 $0x3FFFF800, s25  }
0x8c: {  	v2 =	vld [tilespmem:s24+$0x800]  }
0x8d: {  	v3 =	vld [tilespmem:s24+$0x810];
	v1 =	vsub.f32 v1, v0  }
0x8e: {  	v4 =	vld [tilespmem:s24+$0x820]  }
0x8f: {  	v6 =	vld [tilespmem:s24+$0x830];
	v5 =	vbroadcast v1, $0x0  }
0x90: {  	v7 =	vld [tilespmem:s24+$0x840]  }
0x91: {  	v9 =	vld [tilespmem:s24+$0x850];
	v8 =	vbroadcast v0, $0x0;
	v2 =	vmul.f32 v5, v2  }
0x92: {  	v10 =	vld [tilespmem:s24+$0x860];
	v3 =	vmul.f32 v3, v5  }
0x93: {  	v11 =	vld [tilespmem:s24+$0x870];
	v4 =	vmul.f32 v4, v5;
	v2 =	vadd.f32 v2, v8  }
0x94: {  	v12 =	vld [tilespmem:s24+$0x880];
	v6 =	vmul.f32 v6, v5;
	v3 =	vadd.f32 v3, v8  }
0x95: {  	v57 =	vld [tilespmem:s24+$0x890];
	v56 =	vmul.f32 v7, v5;
	v55 =	vadd.f32 v4, v8;
	[tilespmem:s24+$0x800] =	vst v2  }
0x96: {  	v60 =	vld [tilespmem:s24+$0x8A0];
	v59 =	vmul.f32 v9, v5;
	v58 =	vadd.f32 v6, v8;
	[tilespmem:s24+$0x810] =	vst v3  }
0x97: {  	v13 =	vld [tilespmem:s24+$0x8B0];
	v63 =	vbroadcast v1, $0x1;
	v62 =	vmul.f32 v10, v5;
	v61 =	vadd.f32 v56, v8;
	[tilespmem:s24+$0x820] =	vst v55  }
0x98: {  	v17 =	vld [tilespmem:s24+$0x8C0];
	v5 =	vmul.f32 v11, v5;
	v16 =	vadd.f32 v59, v8;
	[tilespmem:s24+$0x830] =	vst v58  }
0x99: {  	v21 =	vld [tilespmem:s24+$0x8D0];
	v20 =	vbroadcast v0, $0x1;
	v19 =	vmul.f32 v12, v63;
	v18 =	vadd.f32 v62, v8;
	[tilespmem:s24+$0x840] =	vst v61  }
0x9a: {  	v24 =	vld [tilespmem:s24+$0x8E0];
	v23 =	vmul.f32 v57, v63;
	v22 =	vadd.f32 v5, v8;
	[tilespmem:s24+$0x850] =	vst v16  }
0x9b: {  	v27 =	vld [tilespmem:s24+$0x8F0];
	v26 =	vmul.f32 v60, v63;
	v25 =	vadd.f32 v19, v20;
	[tilespmem:s24+$0x860] =	vst v18  }
0x9c: {  	v30 =	vld [tilespmem:s24+$0x900];
	v29 =	vmul.f32 v13, v63;
	v28 =	vadd.f32 v23, v20;
	[tilespmem:s24+$0x870] =	vst v22  }
0x9d: {  	v33 =	vld [tilespmem:s24+$0x910];
	v32 =	vmul.f32 v17, v63;
	v31 =	vadd.f32 v26, v20;
	[tilespmem:s24+$0x880] =	vst v25  }
0x9e: {  	v36 =	vld [tilespmem:s24+$0x920];
	v35 =	vmul.f32 v21, v63;
	v34 =	vadd.f32 v29, v20;
	[tilespmem:s24+$0x890] =	vst v28  }
0x9f: {  	v53 =	vld [tilespmem:s24+$0x970];
	v39 =	vbroadcast v1, $0x2;
	v38 =	vmul.f32 v24, v63;
	v37 =	vadd.f32 v32, v20;
	[tilespmem:s24+$0x8A0] =	vst v31  }
0xa0: {  	v40 =	vld [tilespmem:s24+$0x930];
	v42 =	vmul.f32 v27, v63;
	v41 =	vadd.f32 v35, v20;
	[tilespmem:s24+$0x8B0] =	vst v34  }
0xa1: {  	v43 =	vld [tilespmem:s24+$0x940];
	v46 =	vbroadcast v0, $0x2;
	v45 =	vmul.f32 v30, v39;
	v44 =	vadd.f32 v38, v20;
	[tilespmem:s24+$0x8C0] =	vst v37  }
0xa2: {  	v47 =	vld [tilespmem:s24+$0x950];
	v49 =	vmul.f32 v33, v39;
	v48 =	vadd.f32 v42, v20;
	[tilespmem:s24+$0x8D0] =	vst v41  }
0xa3: {  	v50 =	vld [tilespmem:s24+$0x960];
	v52 =	vmul.f32 v36, v39;
	v51 =	vadd.f32 v45, v46;
	[tilespmem:s24+$0x8E0] =	vst v44  }
0xa4: {  	v21 =	vld [tilespmem:s24+$0x9C0];
	v54 =	vadd.f32 v49, v46;
	v20 =	vmul.f32 v53, v39;
	[tilespmem:s24+$0x8F0] =	vst v48  }
0xa5: {  	v56 =	vld [tilespmem:s24+$0x980];
	v57 =	vadd.f32 v52, v46;
	v55 =	vmul.f32 v40, v39;
	[tilespmem:s24+$0x900] =	vst v51  }
0xa6: {  	v59 =	vld [tilespmem:s24+$0x990];
	v58 =	vmul.f32 v43, v39;
	[tilespmem:s24+$0x910] =	vst v54;
	v26 =	vadd.f32 v20, v46  }
0xa7: {  	v17 =	vbroadcast v1, $0x3;
	v62 =	vld [tilespmem:s24+$0x9A0];
	v61 =	vmul.f32 v47, v39;
	[tilespmem:s24+$0x920] =	vst v57;
	v60 =	vadd.f32 v55, v46  }
0xa8: {  	v16 =	vmul.f32 v50, v39;
	v18 =	vld [tilespmem:s24+$0x9B0];
	v63 =	vadd.f32 v58, v46;
	[tilespmem:s24+$0x970] =	vst v26  }
0xa9: {  	v24 =	vbroadcast v0, $0x3;
	v25 =	vld [tilespmem:s24+$0x9D0];
	v36 =	vmul.f32 v21, v17;
	v19 =	vadd.f32 v61, v46;
	[tilespmem:s24+$0x930] =	vst v60  }
0xaa: {  	v28 =	vld [tilespmem:s24+$0x9E0];
	v22 =	vadd.f32 v16, v46;
	v23 =	vmul.f32 v56, v17;
	[tilespmem:s24+$0x940] =	vst v63  }
0xab: {  	v31 =	vld [tilespmem:s24+$0x9F0];
	v27 =	vmul.f32 v59, v17;
	v41 =	vadd.f32 v36, v24;
	[tilespmem:s24+$0x950] =	vst v19  }
0xac: {  	v34 =	vld [tilespmem:s24+$0xA00];
	v30 =	vmul.f32 v62, v17;
	[tilespmem:s24+$0x960] =	vst v22;
	v29 =	vadd.f32 v23, v24  }
0xad: {  	v37 =	vld [tilespmem:s24+$0xA10];
	v32 =	vadd.f32 v27, v24;
	v33 =	vmul.f32 v18, v17;
	[tilespmem:s24+$0x9C0] =	vst v41  }
0xae: {  	v40 =	vld [tilespmem:s24+$0xA20];
	v35 =	vadd.f32 v30, v24;
	v39 =	vmul.f32 v25, v17;
	[tilespmem:s24+$0x980] =	vst v29  }
0xaf: {  	v43 =	vbroadcast v1, $0x4;
	v44 =	vld [tilespmem:s24+$0xA30];
	v42 =	vmul.f32 v28, v17;
	[tilespmem:s24+$0x990] =	vst v32;
	v38 =	vadd.f32 v33, v24  }
0xb0: {  	v47 =	vld [tilespmem:s24+$0xA40];
	v46 =	vmul.f32 v31, v17;
	[tilespmem:s24+$0x9A0] =	vst v35;
	v45 =	vadd.f32 v39, v24  }
0xb1: {  	v50 =	vbroadcast v0, $0x4;
	v51 =	vld [tilespmem:s24+$0xA50];
	v49 =	vmul.f32 v34, v43;
	v48 =	vadd.f32 v42, v24;
	[tilespmem:s24+$0x9B0] =	vst v38  }
0xb2: {  	v54 =	vld [tilespmem:s24+$0xA60];
	v53 =	vmul.f32 v37, v43;
	v52 =	vadd.f32 v46, v24;
	[tilespmem:s24+$0x9D0] =	vst v45  }
0xb3: {  	v57 =	vld [tilespmem:s24+$0xA70];
	v56 =	vmul.f32 v40, v43;
	v55 =	vadd.f32 v49, v50;
	[tilespmem:s24+$0x9E0] =	vst v48  }
0xb4: {  	v60 =	vld [tilespmem:s24+$0xA80];
	v59 =	vmul.f32 v44, v43;
	v58 =	vadd.f32 v53, v50;
	[tilespmem:s24+$0x9F0] =	vst v52  }
0xb5: {  	v63 =	vld [tilespmem:s24+$0xA90];
	v62 =	vmul.f32 v47, v43;
	v61 =	vadd.f32 v56, v50;
	[tilespmem:s24+$0xA00] =	vst v55  }
0xb6: {  	v22 =	vld [tilespmem:s24+$0xAB0];
	v17 =	vmul.f32 v51, v43;
	v16 =	vadd.f32 v59, v50;
	[tilespmem:s24+$0xA10] =	vst v58  }
0xb7: {  	v21 =	vbroadcast v1, $0x5;
	v18 =	vld [tilespmem:s24+$0xAA0];
	v20 =	vmul.f32 v54, v43;
	v19 =	vadd.f32 v62, v50;
	[tilespmem:s24+$0xA20] =	vst v61  }
0xb8: {  	v25 =	vld [tilespmem:s24+$0xAC0];
	v23 =	vadd.f32 v17, v50;
	v24 =	vmul.f32 v57, v43;
	[tilespmem:s24+$0xA30] =	vst v16  }
0xb9: {  	v28 =	vbroadcast v0, $0x5;
	v41 =	vld [tilespmem:s24+$0xB10];
	v26 =	vadd.f32 v20, v50;
	[tilespmem:s24+$0xA40] =	vst v19;
	v27 =	vmul.f32 v60, v21  }
0xba: {  	v44 =	vld [tilespmem:s24+$0xB20];
	[tilespmem:s24+$0xA50] =	vst v23;
	v30 =	vadd.f32 v24, v50;
	v31 =	vmul.f32 v63, v21  }
0xbb: {  	v51 =	vld [tilespmem:s24+$0xB40];
	[tilespmem:s24+$0xA60] =	vst v26;
	v37 =	vmul.f32 v22, v21;
	v33 =	vadd.f32 v27, v28  }
0xbc: {  	v47 =	vbroadcast v1, $0x6;
	v29 =	vld [tilespmem:s24+$0xAD0];
	v34 =	vmul.f32 v18, v21;
	[tilespmem:s24+$0xA70] =	vst v30;
	v36 =	vadd.f32 v31, v28  }
0xbd: {  	v32 =	vld [tilespmem:s24+$0xAE0];
	v40 =	vmul.f32 v25, v21;
	v42 =	vadd.f32 v37, v28;
	[tilespmem:s24+$0xA80] =	vst v33  }
0xbe: {  	v54 =	vbroadcast v0, $0x6;
	v35 =	vld [tilespmem:s24+$0xAF0];
	v57 =	vmul.f32 v41, v47;
	v39 =	vadd.f32 v34, v28;
	[tilespmem:s24+$0xA90] =	vst v36  }
0xbf: {  	v38 =	vld [tilespmem:s24+$0xB00];
	v60 =	vmul.f32 v44, v47;
	v45 =	vadd.f32 v40, v28;
	[tilespmem:s24+$0xAB0] =	vst v42  }
0xc0: {  	v48 =	vld [tilespmem:s24+$0xB30];
	v18 =	vmul.f32 v51, v47;
	v62 =	vadd.f32 v57, v54;
	[tilespmem:s24+$0xAA0] =	vst v39  }
0xc1: {  	v55 =	vld [tilespmem:s24+$0xB50];
	v43 =	vmul.f32 v29, v21;
	v17 =	vadd.f32 v60, v54;
	[tilespmem:s24+$0xAC0] =	vst v45  }
0xc2: {  	v58 =	vld [tilespmem:s24+$0xB60];
	v46 =	vmul.f32 v32, v21;
	v23 =	vadd.f32 v18, v54;
	[tilespmem:s24+$0xB10] =	vst v62  }
0xc3: {  	v61 =	vld [tilespmem:s24+$0xB70];
	v50 =	vmul.f32 v35, v21;
	v49 =	vadd.f32 v43, v28;
	[tilespmem:s24+$0xB20] =	vst v17  }
0xc4: {  	v16 =	vld [tilespmem:s24+$0xB80];
	v52 =	vadd.f32 v46, v28;
	v53 =	vmul.f32 v38, v47;
	[tilespmem:s24+$0xB40] =	vst v23  }
0xc5: {  	v19 =	vld [tilespmem:s24+$0xB90];
	v56 =	vadd.f32 v50, v28;
	v63 =	vmul.f32 v48, v47;
	[tilespmem:s24+$0xAD0] =	vst v49  }
0xc6: {  	v22 =	vld [tilespmem:s24+$0xBA0];
	v21 =	vmul.f32 v55, v47;
	[tilespmem:s24+$0xAE0] =	vst v52;
	v59 =	vadd.f32 v53, v54  }
0xc7: {  	v26 =	vld [tilespmem:s24+$0xBB0];
	v25 =	vbroadcast v1, $0x7;
	v24 =	vmul.f32 v58, v47;
	[tilespmem:s24+$0xAF0] =	vst v56;
	v20 =	vadd.f32 v63, v54  }
0xc8: {  	v29 =	vld [tilespmem:s24+$0xBC0];
	v28 =	vmul.f32 v61, v47;
	v27 =	vadd.f32 v21, v54;
	[tilespmem:s24+$0xB00] =	vst v59  }
0xc9: {  	v32 =	vbroadcast v0, $0x7;
	v33 =	vld [tilespmem:s24+$0xBD0];
	v31 =	vmul.f32 v16, v25;
	v30 =	vadd.f32 v24, v54;
	[tilespmem:s24+$0xB30] =	vst v20  }
0xca: {  	v36 =	vld [tilespmem:s24+$0xBE0];
	v35 =	vmul.f32 v19, v25;
	v34 =	vadd.f32 v28, v54;
	[tilespmem:s24+$0xB50] =	vst v27  }
0xcb: {  	v42 =	vld [tilespmem:s24+$0xC00];
	v38 =	vmul.f32 v22, v25;
	v37 =	vadd.f32 v31, v32;
	[tilespmem:s24+$0xB60] =	vst v30  }
0xcc: {  	v39 =	vld [tilespmem:s24+$0xBF0];
	v41 =	vmul.f32 v26, v25;
	v40 =	vadd.f32 v35, v32;
	[tilespmem:s24+$0xB70] =	vst v34  }
0xcd: {  	v45 =	vld [tilespmem:s24+$0xC10];
	v43 =	vadd.f32 v38, v32;
	v44 =	vmul.f32 v29, v25;
	[tilespmem:s24+$0xB80] =	vst v37  }
0xce: {  	v51 =	vbroadcast v1, $0x8;
	v48 =	vld [tilespmem:s24+$0xC20];
	v46 =	vadd.f32 v41, v32;
	[tilespmem:s24+$0xB90] =	vst v40;
	v47 =	vmul.f32 v33, v25  }
0xcf: {  	v55 =	vld [tilespmem:s24+$0xC40];
	[tilespmem:s24+$0xBA0] =	vst v43;
	v50 =	vmul.f32 v36, v25;
	v49 =	vadd.f32 v44, v32  }
0xd0: {  	v58 =	vbroadcast v0, $0x8;
	v62 =	vld [tilespmem:s24+$0xC60];
	[tilespmem:s24+$0xBB0] =	vst v46;
	v57 =	vmul.f32 v42, v51;
	v53 =	vadd.f32 v47, v32  }
0xd1: {  	v23 =	vld [tilespmem:s24+$0xC90];
	v54 =	vmul.f32 v39, v25;
	v56 =	vadd.f32 v50, v32;
	[tilespmem:s24+$0xBC0] =	vst v49  }
0xd2: {  	v26 =	vld [tilespmem:s24+$0xCA0];
	v61 =	vmul.f32 v45, v51;
	v63 =	vadd.f32 v57, v58;
	[tilespmem:s24+$0xBD0] =	vst v53  }
0xd3: {  	v52 =	vld [tilespmem:s24+$0xC30];
	v16 =	vmul.f32 v48, v51;
	v60 =	vadd.f32 v54, v32;
	[tilespmem:s24+$0xBE0] =	vst v56  }
0xd4: {  	v17 =	vld [tilespmem:s24+$0xC70];
	v29 =	vbroadcast v1, $0x9;
	v22 =	vmul.f32 v55, v51;
	v18 =	vadd.f32 v61, v58;
	[tilespmem:s24+$0xC00] =	vst v63  }
0xd5: {  	v59 =	vld [tilespmem:s24+$0xC50];
	v28 =	vmul.f32 v62, v51;
	v21 =	vadd.f32 v16, v58;
	[tilespmem:s24+$0xBF0] =	vst v60  }
0xd6: {  	v20 =	vld [tilespmem:s24+$0xC80];
	v36 =	vbroadcast v0, $0x9;
	v39 =	vmul.f32 v23, v29;
	v27 =	vadd.f32 v22, v58;
	[tilespmem:s24+$0xC10] =	vst v18  }
0xd7: {  	v30 =	vld [tilespmem:s24+$0xCB0];
	v42 =	vmul.f32 v26, v29;
	v34 =	vadd.f32 v28, v58;
	[tilespmem:s24+$0xC20] =	vst v21  }
0xd8: {  	v33 =	vld [tilespmem:s24+$0xCC0];
	v19 =	vmul.f32 v52, v51;
	v44 =	vadd.f32 v39, v36;
	[tilespmem:s24+$0xC40] =	vst v27  }
0xd9: {  	v37 =	vld [tilespmem:s24+$0xCD0];
	v32 =	vmul.f32 v17, v51;
	v47 =	vadd.f32 v42, v36;
	[tilespmem:s24+$0xC60] =	vst v34  }
0xda: {  	v40 =	vld [tilespmem:s24+$0xCE0];
	v24 =	vadd.f32 v19, v58;
	v25 =	vmul.f32 v59, v51;
	[tilespmem:s24+$0xC90] =	vst v44  }
0xdb: {  	v46 =	vld [tilespmem:s24+$0xD00];
	v35 =	vmul.f32 v20, v29;
	v38 =	vadd.f32 v32, v58;
	[tilespmem:s24+$0xCA0] =	vst v47  }
0xdc: {  	v43 =	vld [tilespmem:s24+$0xCF0];
	v45 =	vmul.f32 v30, v29;
	[tilespmem:s24+$0xC30] =	vst v24;
	v31 =	vadd.f32 v25, v58  }
0xdd: {  	v49 =	vld [tilespmem:s24+$0xD10];
	v48 =	vmul.f32 v33, v29;
	v41 =	vadd.f32 v35, v36;
	[tilespmem:s24+$0xC70] =	vst v38  }
0xde: {  	v55 =	vbroadcast v1, $0xA;
	v52 =	vld [tilespmem:s24+$0xD20];
	v51 =	vmul.f32 v37, v29;
	v50 =	vadd.f32 v45, v36;
	[tilespmem:s24+$0xC50] =	vst v31  }
0xdf: {  	v56 =	vld [tilespmem:s24+$0xD30];
	v54 =	vmul.f32 v40, v29;
	v53 =	vadd.f32 v48, v36;
	[tilespmem:s24+$0xC80] =	vst v41  }
0xe0: {  	v62 =	vbroadcast v0, $0xA;
	v63 =	vld [tilespmem:s24+$0xD50];
	v61 =	vmul.f32 v46, v55;
	v57 =	vadd.f32 v51, v36;
	[tilespmem:s24+$0xCB0] =	vst v50  }
0xe1: {  	v59 =	vld [tilespmem:s24+$0xD40];
	v58 =	vmul.f32 v43, v29;
	v60 =	vadd.f32 v54, v36;
	[tilespmem:s24+$0xCC0] =	vst v53  }
0xe2: {  	v18 =	vld [tilespmem:s24+$0xD60];
	v19 =	vadd.f32 v61, v62;
	v17 =	vmul.f32 v49, v55;
	[tilespmem:s24+$0xCD0] =	vst v57  }
0xe3: {  	v21 =	vld [tilespmem:s24+$0xD70];
	v20 =	vmul.f32 v52, v55;
	v16 =	vadd.f32 v58, v36;
	[tilespmem:s24+$0xCE0] =	vst v60  }
0xe4: {  	v27 =	vld [tilespmem:s24+$0xD90];
	v23 =	vmul.f32 v56, v55;
	[tilespmem:s24+$0xD00] =	vst v19;
	v22 =	vadd.f32 v17, v62  }
0xe5: {  	v30 =	vld [tilespmem:s24+$0xDA0];
	v29 =	vmul.f32 v63, v55;
	v25 =	vadd.f32 v20, v62;
	[tilespmem:s24+$0xCF0] =	vst v16  }
0xe6: {  	v34 =	vld [tilespmem:s24+$0xDB0];
	v26 =	vmul.f32 v59, v55;
	v28 =	vadd.f32 v23, v62;
	[tilespmem:s24+$0xD10] =	vst v22  }
0xe7: {  	v33 =	vbroadcast v1, $0xB;
	v37 =	vld [tilespmem:s24+$0xDC0];
	v32 =	vmul.f32 v18, v55;
	v35 =	vadd.f32 v29, v62;
	[tilespmem:s24+$0xD20] =	vst v25  }
0xe8: {  	v44 =	vld [tilespmem:s24+$0xDE0];
	v36 =	vmul.f32 v21, v55;
	v31 =	vadd.f32 v26, v62;
	[tilespmem:s24+$0xD30] =	vst v28  }
0xe9: {  	v40 =	vbroadcast v0, $0xB;
	v24 =	vld [tilespmem:s24+$0xD80];
	v43 =	vmul.f32 v27, v33;
	v38 =	vadd.f32 v32, v62;
	[tilespmem:s24+$0xD50] =	vst v35  }
0xea: {  	v47 =	vld [tilespmem:s24+$0xDF0];
	v46 =	vmul.f32 v30, v33;
	v42 =	vadd.f32 v36, v62;
	[tilespmem:s24+$0xD40] =	vst v31  }
0xeb: {  	v41 =	vld [tilespmem:s24+$0xDD0];
	v49 =	vmul.f32 v34, v33;
	v48 =	vadd.f32 v43, v40;
	[tilespmem:s24+$0xD60] =	vst v38  }
0xec: {  	v50 =	vld [tilespmem:s24+$0xE00];
	v52 =	vmul.f32 v37, v33;
	v51 =	vadd.f32 v46, v40;
	[tilespmem:s24+$0xD70] =	vst v42  }
0xed: {  	v53 =	vld [tilespmem:s24+$0xE10];
	v58 =	vmul.f32 v44, v33;
	v54 =	vadd.f32 v49, v40;
	[tilespmem:s24+$0xD90] =	vst v48  }
0xee: {  	v56 =	vld [tilespmem:s24+$0xE20];
	v39 =	vmul.f32 v24, v33;
	v57 =	vadd.f32 v52, v40;
	[tilespmem:s24+$0xDA0] =	vst v51  }
0xef: {  	v60 =	vld [tilespmem:s24+$0xE30];
	v59 =	vbroadcast v1, $0xC;
	v62 =	vmul.f32 v47, v33;
	v16 =	vadd.f32 v58, v40;
	[tilespmem:s24+$0xDB0] =	vst v54  }
0xf0: {  	v63 =	vld [tilespmem:s24+$0xE40];
	v45 =	vadd.f32 v39, v40;
	v55 =	vmul.f32 v41, v33;
	[tilespmem:s24+$0xDC0] =	vst v57  }
0xf1: {  	v19 =	vld [tilespmem:s24+$0xE50];
	v18 =	vbroadcast v0, $0xC;
	v17 =	vmul.f32 v50, v59;
	v20 =	vadd.f32 v62, v40;
	[tilespmem:s24+$0xDE0] =	vst v16  }
0xf2: {  	v34 =	vld [tilespmem:s24+$0xEA0];
	v21 =	vmul.f32 v53, v59;
	[tilespmem:s24+$0xD80] =	vst v45;
	v61 =	vadd.f32 v55, v40  }
0xf3: {  	v22 =	vld [tilespmem:s24+$0xE60];
	v24 =	vmul.f32 v56, v59;
	v23 =	vadd.f32 v17, v18;
	[tilespmem:s24+$0xDF0] =	vst v20  }
0xf4: {  	v25 =	vld [tilespmem:s24+$0xE70];
	v27 =	vmul.f32 v60, v59;
	v26 =	vadd.f32 v21, v18;
	[tilespmem:s24+$0xDD0] =	vst v61  }
0xf5: {  	v37 =	vbroadcast v1, $0xD;
	v28 =	vld [tilespmem:s24+$0xE80];
	v30 =	vmul.f32 v63, v59;
	v29 =	vadd.f32 v24, v18;
	[tilespmem:s24+$0xE00] =	vst v23  }
0xf6: {  	v31 =	vld [tilespmem:s24+$0xE90];
	v33 =	vmul.f32 v19, v59;
	v32 =	vadd.f32 v27, v18;
	[tilespmem:s24+$0xE10] =	vst v26  }
0xf7: {  	v44 =	vbroadcast v0, $0xD;
	v38 =	vld [tilespmem:s24+$0xEB0];
	v50 =	vmul.f32 v34, v37;
	v35 =	vadd.f32 v30, v18;
	[tilespmem:s24+$0xE20] =	vst v29  }
0xf8: {  	v41 =	vld [tilespmem:s24+$0xEC0];
	v39 =	vadd.f32 v33, v18;
	v36 =	vmul.f32 v22, v59;
	[tilespmem:s24+$0xE30] =	vst v32  }
0xf9: {  	v48 =	vld [tilespmem:s24+$0xEE0];
	v40 =	vmul.f32 v25, v59;
	v55 =	vadd.f32 v50, v44;
	[tilespmem:s24+$0xE40] =	vst v35  }
0xfa: {  	v51 =	vld [tilespmem:s24+$0xEF0];
	v43 =	vmul.f32 v28, v37;
	[tilespmem:s24+$0xE50] =	vst v39;
	v42 =	vadd.f32 v36, v18  }
0xfb: {  	v54 =	vld [tilespmem:s24+$0xF00];
	v46 =	vadd.f32 v40, v18;
	v47 =	vmul.f32 v31, v37;
	[tilespmem:s24+$0xEA0] =	vst v55  }
0xfc: {  	v57 =	vld [tilespmem:s24+$0xF10];
	v53 =	vmul.f32 v38, v37;
	v49 =	vadd.f32 v43, v44;
	[tilespmem:s24+$0xE60] =	vst v42  }
0xfd: {  	v60 =	vld [tilespmem:s24+$0xF20];
	v56 =	vmul.f32 v41, v37;
	[tilespmem:s24+$0xE70] =	vst v46;
	v52 =	vadd.f32 v47, v44  }
0xfe: {  	v63 =	vbroadcast v1, $0xE;
	v16 =	vld [tilespmem:s24+$0xF30];
	v62 =	vmul.f32 v48, v37;
	v58 =	vadd.f32 v53, v44;
	[tilespmem:s24+$0xE80] =	vst v49  }
0xff: {  	v19 =	vld [tilespmem:s24+$0xF40];
	v18 =	vmul.f32 v51, v37;
	v61 =	vadd.f32 v56, v44;
	[tilespmem:s24+$0xE90] =	vst v52  }
0x100: {  	v45 =	vld [tilespmem:s24+$0xED0];
	v22 =	vbroadcast v0, $0xE;
	v21 =	vmul.f32 v54, v63;
	v20 =	vadd.f32 v62, v44;
	[tilespmem:s24+$0xEB0] =	vst v58  }
0x101: {  	v23 =	vld [tilespmem:s24+$0xF50];
	v25 =	vmul.f32 v57, v63;
	v24 =	vadd.f32 v18, v44;
	[tilespmem:s24+$0xEC0] =	vst v61  }
0x102: {  	v26 =	vld [tilespmem:s24+$0xF60];
	v28 =	vmul.f32 v60, v63;
	v27 =	vadd.f32 v21, v22;
	[tilespmem:s24+$0xEE0] =	vst v20  }
0x103: {  	v29 =	vld [tilespmem:s24+$0xF70];
	v31 =	vmul.f32 v16, v63;
	v30 =	vadd.f32 v25, v22;
	[tilespmem:s24+$0xEF0] =	vst v24  }
0x104: {  	v32 =	vld [tilespmem:s24+$0xF80];
	v34 =	vmul.f32 v19, v63;
	v33 =	vadd.f32 v28, v22;
	[tilespmem:s24+$0xF00] =	vst v27  }
0x105: {  	v35 =	vld [tilespmem:s24+$0xF90];
	v59 =	vmul.f32 v45, v37;
	v36 =	vadd.f32 v31, v22;
	[tilespmem:s24+$0xF10] =	vst v30  }
0x106: {  	v50 =	vld [tilespmem:s24+$0xFE0];
	v39 =	vadd.f32 v34, v22;
	v37 =	vmul.f32 v23, v63;
	[tilespmem:s24+$0xF20] =	vst v33  }
0x107: {  	v1 =	vbroadcast v1, $0xF;
	v38 =	vld [tilespmem:s24+$0xFA0];
	v17 =	vadd.f32 v59, v44;
	v40 =	vmul.f32 v26, v63;
	[tilespmem:s24+$0xF30] =	vst v36  }
0x108: {  	v41 =	vld [tilespmem:s24+$0xFB0];
	v43 =	vmul.f32 v29, v63;
	[tilespmem:s24+$0xF40] =	vst v39;
	v42 =	vadd.f32 v37, v22  }
0x109: {  	v0 =	vbroadcast v0, $0xF;
	v47 =	vld [tilespmem:s24+$0xFD0];
	v46 =	vmul.f32 v32, v1;
	[tilespmem:s24+$0xED0] =	vst v17;
	v45 =	vadd.f32 v40, v22  }
0x10a: {  	v44 =	vld [tilespmem:s24+$0xFC0];
	v49 =	vmul.f32 v35, v1;
	v48 =	vadd.f32 v43, v22;
	[tilespmem:s24+$0xF50] =	vst v42  }
0x10b: {  	v53 =	vld [tilespmem:s24+$0xFF0];
	v61 =	vmul.f32 v50, v1;
	v51 =	vadd.f32 v46, v0;
	[tilespmem:s24+$0xF60] =	vst v45  }
0x10c: {  	v52 =	vmul.f32 v38, v1;
	v54 =	vadd.f32 v49, v0;
	[tilespmem:s24+$0xF70] =	vst v48  }
0x10d: {  	v55 =	vmul.f32 v41, v1;
	v63 =	vadd.f32 v61, v0;
	[tilespmem:s24+$0xF80] =	vst v51  }
0x10e: {  	v56 =	vadd.f32 v52, v0;
	v59 =	vmul.f32 v47, v1;
	[tilespmem:s24+$0xF90] =	vst v54  }
0x10f: {  	p0 =	sgt.s32 s23, $0x16;
	v58 =	vadd.f32 v55, v0;
	[tilespmem:s24+$0xFE0] =	vst v63;
	v57 =	vmul.f32 v44, v1  }
.Ltmp3:
0x110: {  	[tilespmem:s24+$0xFA0] =	vst v56;
	v1 =	vmul.f32 v53, v1;
	v62 =	vadd.f32 v59, v0;
	(pc) =	sbr.rel @!p0 .LBB2_3-.Ltmp3, $4  }
0x111: {  	[tilespmem:s24+$0xFB0] =	vst v58;
	v60 =	vadd.f32 v57, v0  }
0x112: {  	[tilespmem:s24+$0xFD0] =	vst v62;
	v0 =	vadd.f32 v1, v0  }
0x113: {  	[tilespmem:s24+$0xFC0] =	vst v60  }
0x114: {  	[tilespmem:s24+$0xFF0] =	vst v0  }
0x115: {  	p0 =	seq.s32 s23, $0x17  }
.Ltmp4:
0x116: {  	_ = 	snop;
	(pc) =	sbr.rel @!p0 .LBB2_5-.Ltmp4, $1  }
0x117: {  	_ =	sdelay $0x3  }
.Ltmp5:
0x118: {  	(pc) =	sbr.rel .LBB2_9-.Ltmp5, $2  }
0x119: {  	_ =	sdelay $0x2  }
0x11a: {  	[hbm4b:s10+s3] =	stream.linear.scatter [tilespmem:s15], [sflag:$0x6], $0x4000, $0x38;
	[tilespmem:$0x10800] =	vst v63  }
.LBB2_5:
0x11b: {  	p0 =	seq.s32 s23, $0x1F  }
.Ltmp6:
0x11c: {  	_ = 	snop;
	(pc) =	sbr.rel @p0 .LBB2_6-.Ltmp6, $1  }
0x11d: {  	_ =	sdelay $0x3  }
.LBB2_9:
.Ltmp7:
0x11e: {  	(pc) =	sbr.rel .LBB2_2-.Ltmp7, $2  }
0x11f: {  	_ =	sdelay $0x2  }
0x120: {  	s23 =	sadd.s32 $0x1, s23  }
.LBB2_7:
0x121: {  	_ =	sfence.sel $0x180000  }
0x122: {  	[bflag:$0x0] =	sbarrier.arrive $0xFFFF  }
0x123: {  	_ =	strace $0x90000047  }
0x124: {  	s0 =	stileid.u32;
	[bflag:$0x2] =	sbarrier.arrive $0xFFFF  }
0x125: {  	p0 =	sne.s32 s0, $0x0;
	s0 =	rddreg [dreg:$0x4]  }
0x126: {  	s0 =	sadd.s32 @!p0 $0x100000, s0  }
0x127: {  	[sflag:s0] =	ssyncadd.tile.s32 @!p0 $0x1;
	_ =	shalt  }
.Lfunc_end2:
_tile_overlayer_lowered:
.L_overlay_start_2:
0x128: {  	(tag) =	ssettag $0x2  }
0x129: {  	s0 =	rddreg [dreg:$0x0];
	s2 =	stileid.u32  }
0x12a: {  	s1 =	rddreg [dreg:$0x1];
	p0 =	sne.s32 s2, $0x0  }
0x12b: {  	s3 =	rddreg [dreg:$0x2];
	[bflag:$0x3] =	sbarrier.arrive $0xFFFF;
	s2 =	simm.s32 @!p0 $0x1C09  }
0x12c: {  	[timem:s3], [sflag:s2] =	dma.local @!p0 [hbm:s0], s1  }
0x12d: {  	s0 =	simm.s32 @!p0 $0x9  }
0x12e: {  	_ =	swait.ge @!p0 [sflag:s0], s1  }
0x12f: {  	s1 =	ssub.s32 @!p0 $0x0, s1;
	[sflag:s0] =	ssyncset.done @!p0 $0x0  }
0x130: {  	[sflag:s0] =	ssyncadd.s32 @!p0 s1  }
0x131: {  	[bflag:$0x3] =	sbarrier.arrive $0xFFFF  }
0x132: {  	_ =	shalt  }

</sc_bundles>
